<compile_context>
chip_gen: v7x
topology: tpu7x:2x2x1
jax: 0.10.2.dev20260603
libtpu: 0.0.44.dev20260713+nightly
codegen_flags: <defaults>
</compile_context>

<pallas_src>
import functools

import jax
import jax.numpy as jnp
from jax import lax
from jax.experimental import pallas as pl
from jax.experimental.pallas import tpu as pltpu
from jax.experimental.pallas import tpu_sc as plsc


def _proj_body(x_ref, wl_ref, bl_ref, wr_ref, br_ref, xl_ref, xr_ref):
    x = x_ref[...]
    xl_ref[...] = (jnp.dot(x, wl_ref[...], preferred_element_type=jnp.float32)
                   + bl_ref[...][None, :])
    xr_ref[...] = (jnp.dot(x, wr_ref[...], preferred_element_type=jnp.float32)
                   + br_ref[...][None, :])


def _edgeprep_body(ea_ref, we_ref, s_ref, d_ref, t16_ref,
                   eemb_ref, eam_ref):
    ea = ea_ref[...]
    s = s_ref[0]
    d = d_ref[0]
    keep = (s != d).astype(jnp.float32)
    eemb_ref[...] = jnp.dot(ea, we_ref[...],
                            preferred_element_type=jnp.float32)
    b = ea.shape[0]
    col = lax.broadcasted_iota(jnp.int32, (b, 128), 1)
    tiled = jnp.dot(ea, t16_ref[...], preferred_element_type=jnp.float32)
    row = jnp.where(col % 32 == 16, 1.0, tiled)
    kmask = (col // 32 == d % 4).astype(jnp.float32)
    eam_ref[...] = row * keep * kmask


def _edge_body(xl_ref, xr_ref, ee_ref, s_ref, d_ref, aatt_ref, rrep_ref,
               t8_ref, w_ref, exrow_ref):
    xl = xl_ref[...]
    m = xl + xr_ref[...] + ee_ref[...]
    mlr = jnp.where(m > 0, m, 0.2 * m)
    alpha = jnp.dot(mlr, aatt_ref[...], preferred_element_type=jnp.float32)
    s = s_ref[0]
    d = d_ref[0]
    keep = (s != d).astype(jnp.float32)
    ex = jnp.exp(alpha) * keep
    w_ref[...] = jnp.dot(ex, rrep_ref[...],
                         preferred_element_type=jnp.float32) * xl
    b = xl.shape[0]
    col = lax.broadcasted_iota(jnp.int32, (b, 128), 1)
    tiledex = jnp.dot(ex, t8_ref[...], preferred_element_type=jnp.float32)
    exrow_ref[...] = tiledex * (col // 8 == d % 16).astype(jnp.float32)


def _final_body(lacc_ref, wacc_ref, den_ref, xl_ref, xr_ref, we_ref,
                aatt_ref, rrep_ref, bias_ref, out_ref):
    lsum = lacc_ref[0] + lacc_ref[1]
    deg = lsum[:, 16:17]
    la = lsum[:, 0:16] / jnp.maximum(deg, 1.0)
    el = jnp.dot(la, we_ref[...], preferred_element_type=jnp.float32)
    xl = xl_ref[...]
    m = xl + xr_ref[...] + el
    mlr = jnp.where(m > 0, m, 0.2 * m)
    al = jnp.dot(mlr, aatt_ref[...], preferred_element_type=jnp.float32)
    exl = jnp.exp(al)
    densum = den_ref[0] + den_ref[1] + exl
    rrep = rrep_ref[...]
    num = (wacc_ref[0] + wacc_ref[1]
           + jnp.dot(exl, rrep, preferred_element_type=jnp.float32) * xl)
    denrep = jnp.dot(densum, rrep, preferred_element_type=jnp.float32) + 1e-30
    out_ref[...] = num / denrep + bias_ref[...][None, :]



_NC, _NS = 2, 16
_NW = _NC * _NS
_CH = 80


def _sc_gather_body(n_iters, src_hbm, dst_hbm, xl_hbm, xr_hbm, eam_hbm, z_hbm,
                    xls_hbm, xrd_hbm, lacc_hbm,
                    sidx, didx, didx4, rows_a, rows_b, ea_rows,
                    sem_i, sem_g, sem_w, acc_sp):
    cid = lax.axis_index("c")
    sid = lax.axis_index("s")
    wid = sid * _NC + cid
    epw = n_iters * _CH

    @pl.when(sid == 0)
    def _init():
        pltpu.sync_copy(z_hbm, acc_sp)
    plsc.subcore_barrier()

    def issue_idx(ci, b):
        base = wid * epw + ci * _CH
        return (
            pltpu.async_copy(src_hbm.at[pl.ds(base, _CH)], sidx[b],
                             sem_i[b][0]),
            pltpu.async_copy(dst_hbm.at[pl.ds(base, _CH)], didx[b],
                             sem_i[b][1]),
        )

    def issue_gathers(ci, b):
        base = wid * epw + ci * _CH
        return (
            pltpu.async_copy(xl_hbm.at[sidx[b]], rows_a[b], sem_g[b][0]),
            pltpu.async_copy(xr_hbm.at[didx[b]], rows_b[b], sem_g[b][1]),
            pltpu.async_copy(eam_hbm.at[pl.ds(base, _CH)], ea_rows[b],
                             sem_g[b][2]),
        )

    def issue_drain(ci, b):
        base = wid * epw + ci * _CH
        w1 = pltpu.async_copy(rows_a[b], xls_hbm.at[pl.ds(base, _CH)],
                              sem_w[b][0])
        w2 = pltpu.async_copy(rows_b[b], xrd_hbm.at[pl.ds(base, _CH)],
                              sem_w[b][1])
        for g in range(_CH // 16):
            didx4[b][pl.ds(g * 16, 16)] = didx[b][pl.ds(g * 16, 16)] >> 2
        w3 = pltpu.async_copy(ea_rows[b], acc_sp.at[didx4[b]], sem_w[b][2],
                              add=True)
        return (w1, w2, w3)

    def wait_all(handles):
        for h in handles:
            h.wait()

    def do_group(cs):
        his = [issue_idx(c, b) for b, c in enumerate(cs)]
        hgs = []
        for b, c in enumerate(cs):
            wait_all(his[b])
            hgs.append(issue_gathers(c, b))
        hws = []
        for b, c in enumerate(cs):
            wait_all(hgs[b])
            hws.append(issue_drain(c, b))
        for hw in hws:
            wait_all(hw)

    np_ = len(sidx)

    def groupbody(i, _):
        do_group([np_ * i + b for b in range(np_)])
        return ()

    lax.fori_loop(0, n_iters // np_, groupbody, (), unroll=False)
    for c in range(n_iters - n_iters % np_, n_iters):
        wait_all(issue_idx(c, 0))
        wait_all(issue_gathers(c, 0))
        wait_all(issue_drain(c, 0))

    plsc.subcore_barrier()

    @pl.when(sid == 0)
    def _writeout():
        pltpu.sync_copy(acc_sp, lacc_hbm.at[cid])


def _sc_scatter_body(n_iters, dst_hbm, w_hbm, exrow_hbm, z_hbm, zd_hbm,
                     wacc_hbm, dacc_hbm,
                     didx, didxc, didx16, w_rows, ex_rows, sem_i, sem_s,
                     wacc_sp, den_sp):
    cid = lax.axis_index("c")
    sid = lax.axis_index("s")
    wid = sid * _NC + cid
    epw = n_iters * _CH

    @pl.when(sid == 0)
    def _init_w():
        pltpu.sync_copy(z_hbm, wacc_sp)

    @pl.when(sid == 1)
    def _init_d():
        pltpu.sync_copy(zd_hbm, den_sp)
    plsc.subcore_barrier()

    def issue_loads(ci, b):
        base = wid * epw + ci * _CH
        return (
            pltpu.async_copy(dst_hbm.at[pl.ds(base, _CH)], didx[b],
                             sem_i[b][0]),
            pltpu.async_copy(w_hbm.at[pl.ds(base, _CH)], w_rows[b],
                             sem_i[b][1]),
            pltpu.async_copy(exrow_hbm.at[pl.ds(base, _CH)], ex_rows[b],
                             sem_i[b][2]),
        )

    def issue_scatters(b):
        for g in range(_CH // 16):
            didx16[b][pl.ds(g * 16, 16)] = didx[b][pl.ds(g * 16, 16)] >> 4
        return (
            pltpu.async_copy(w_rows[b], wacc_sp.at[didx[b]], sem_s[b][0],
                             add=True),
            pltpu.async_copy(ex_rows[b], den_sp.at[didx16[b]], sem_s[b][1],
                             add=True),
        )

    def wait_all(handles):
        for h in handles:
            h.wait()

    def do_group(cs):
        hls = [issue_loads(c, b) for b, c in enumerate(cs)]
        hss = []
        for b in range(len(cs)):
            wait_all(hls[b])
            hss.append(issue_scatters(b))
        for hs in hss:
            wait_all(hs)

    np_ = len(didx)

    def groupbody(i, _):
        do_group([np_ * i + b for b in range(np_)])
        return ()

    lax.fori_loop(0, n_iters // np_, groupbody, (), unroll=False)
    for c in range(n_iters - n_iters % np_, n_iters):
        wait_all(issue_loads(c, 0))
        wait_all(issue_scatters(0))
    plsc.subcore_barrier()

    rows_per_tile = wacc_sp.shape[0] // 10

    @pl.when(sid < 10)
    def _writeout_w():
        r0 = sid * rows_per_tile
        pltpu.sync_copy(wacc_sp.at[pl.ds(r0, rows_per_tile)],
                        wacc_hbm.at[cid, pl.ds(r0, rows_per_tile)])

    @pl.when(sid == 10)
    def _writeout_d():
        pltpu.sync_copy(den_sp, dacc_hbm.at[cid])


def _sc_gather(src, dst, x_l, x_r, eamask):
    n = x_l.shape[0]
    e = src.shape[0]
    n_iters = e // (_NW * _CH)
    mesh = plsc.VectorSubcoreMesh(core_axis_name="c", subcore_axis_name="s")
    zeros = jnp.zeros((n // 4, 128), jnp.float32)
    return pl.kernel(
        functools.partial(_sc_gather_body, n_iters),
        out_type=[
            jax.ShapeDtypeStruct((e, 128), jnp.float32),
            jax.ShapeDtypeStruct((e, 128), jnp.float32),
            jax.ShapeDtypeStruct((_NC, n // 4, 128), jnp.float32),
        ],
        mesh=mesh,
        scratch_types=[
            [pltpu.VMEM((_CH,), jnp.int32) for _ in range(3)],
            [pltpu.VMEM((_CH,), jnp.int32) for _ in range(3)],
            [pltpu.VMEM((_CH,), jnp.int32) for _ in range(3)],
            [pltpu.VMEM((_CH, 128), jnp.float32) for _ in range(3)],
            [pltpu.VMEM((_CH, 128), jnp.float32) for _ in range(3)],
            [pltpu.VMEM((_CH, 128), jnp.float32) for _ in range(3)],
            [[pltpu.SemaphoreType.DMA for _ in range(3)] for _ in range(3)],
            [[pltpu.SemaphoreType.DMA for _ in range(3)] for _ in range(3)],
            [[pltpu.SemaphoreType.DMA for _ in range(3)] for _ in range(3)],
            pltpu.VMEM_SHARED((n // 4, 128), jnp.float32),
        ],
    )(src, dst, x_l, x_r, eamask, zeros)


def _sc_scatter(dst, w, exrow, n):
    e = dst.shape[0]
    n_iters = e // (_NW * _CH)
    mesh = plsc.VectorSubcoreMesh(core_axis_name="c", subcore_axis_name="s")
    zeros = jnp.zeros((n, 128), jnp.float32)
    zeros_d = jnp.zeros((n // 16, 128), jnp.float32)
    return pl.kernel(
        functools.partial(_sc_scatter_body, n_iters),
        out_type=[
            jax.ShapeDtypeStruct((_NC, n, 128), jnp.float32),
            jax.ShapeDtypeStruct((_NC, n // 16, 128), jnp.float32),
        ],
        mesh=mesh,
        scratch_types=[
            [pltpu.VMEM((_CH,), jnp.int32) for _ in range(2)],
            [pltpu.VMEM((_CH,), jnp.int32) for _ in range(2)],
            [pltpu.VMEM((_CH,), jnp.int32) for _ in range(2)],
            [pltpu.VMEM((_CH, 128), jnp.float32) for _ in range(2)],
            [pltpu.VMEM((_CH, 128), jnp.float32) for _ in range(2)],
            [[pltpu.SemaphoreType.DMA for _ in range(3)] for _ in range(2)],
            [[pltpu.SemaphoreType.DMA for _ in range(2)] for _ in range(2)],
            pltpu.VMEM_SHARED((n, 128), jnp.float32),
            pltpu.VMEM_SHARED((n // 16, 128), jnp.float32),
        ],
    )(dst, w, exrow, zeros, zeros_d)



def kernel(x, edge_index, edge_attr, W_l, b_l, W_r, b_r, W_e, att, bias):
    n, d_in = x.shape
    e = edge_index.shape[1]
    heads, c = att.shape
    hc = heads * c

    src = edge_index[0]
    dst = edge_index[1]

    be = 2000
    bn = 2000
    ne_blocks = e // be
    nn_blocks = n // bn

    src3 = src.reshape(ne_blocks, be, 1)
    dst3 = dst.reshape(ne_blocks, be, 1)

    eye = jnp.eye
    a_att = (att[:, :, None] * eye(heads, dtype=jnp.float32)[:, None, :]
             ).reshape(hc, heads)
    r_rep = jnp.repeat(eye(heads, dtype=jnp.float32), c, axis=1)
    t16 = sum(eye(16, 128, 32 * k, dtype=jnp.float32) for k in range(4))
    t8 = sum(eye(8, 128, 8 * k, dtype=jnp.float32) for k in range(16))

    x_l, x_r = pl.pallas_call(
        _proj_body,
        out_shape=[jax.ShapeDtypeStruct((n, hc), jnp.float32),
                   jax.ShapeDtypeStruct((n, hc), jnp.float32)],
    )(x, W_l, b_l, W_r, b_r)

    e_emb, eamask = pl.pallas_call(
        _edgeprep_body,
        grid=(ne_blocks,),
        in_specs=[
            pl.BlockSpec((be, 16), lambda i: (i, 0)),
            pl.BlockSpec((16, hc), lambda i: (0, 0)),
            pl.BlockSpec((1, be, 1), lambda i: (i, 0, 0)),
            pl.BlockSpec((1, be, 1), lambda i: (i, 0, 0)),
            pl.BlockSpec((16, 128), lambda i: (0, 0)),
        ],
        out_specs=[
            pl.BlockSpec((be, hc), lambda i: (i, 0)),
            pl.BlockSpec((be, 128), lambda i: (i, 0)),
        ],
        out_shape=[jax.ShapeDtypeStruct((e, hc), jnp.float32),
                   jax.ShapeDtypeStruct((e, 128), jnp.float32)],
    )(edge_attr, W_e, src3, dst3, t16)

    xl_src, xr_dst, lacc_p = _sc_gather(src, dst, x_l, x_r, eamask)
    lacc = lacc_p.reshape(2, n, 32)

    w, exrow = pl.pallas_call(
        _edge_body,
        grid=(ne_blocks,),
        in_specs=[
            pl.BlockSpec((be, hc), lambda i: (i, 0)),
            pl.BlockSpec((be, hc), lambda i: (i, 0)),
            pl.BlockSpec((be, hc), lambda i: (i, 0)),
            pl.BlockSpec((1, be, 1), lambda i: (i, 0, 0)),
            pl.BlockSpec((1, be, 1), lambda i: (i, 0, 0)),
            pl.BlockSpec((hc, heads), lambda i: (0, 0)),
            pl.BlockSpec((heads, hc), lambda i: (0, 0)),
            pl.BlockSpec((heads, 128), lambda i: (0, 0)),
        ],
        out_specs=[
            pl.BlockSpec((be, hc), lambda i: (i, 0)),
            pl.BlockSpec((be, 128), lambda i: (i, 0)),
        ],
        out_shape=[jax.ShapeDtypeStruct((e, hc), jnp.float32),
                   jax.ShapeDtypeStruct((e, 128), jnp.float32)],
    )(xl_src, xr_dst, e_emb, src3, dst3, a_att, r_rep, t8)

    wacc, dacc_p = _sc_scatter(dst, w, exrow, n)
    den = dacc_p.reshape(2, n, heads)

    out = pl.pallas_call(
        _final_body,
        grid=(nn_blocks,),
        in_specs=[
            pl.BlockSpec((2, bn, 32), lambda i: (0, i, 0)),
            pl.BlockSpec((2, bn, hc), lambda i: (0, i, 0)),
            pl.BlockSpec((2, bn, heads), lambda i: (0, i, 0)),
            pl.BlockSpec((bn, hc), lambda i: (i, 0)),
            pl.BlockSpec((bn, hc), lambda i: (i, 0)),
            pl.BlockSpec((16, hc), lambda i: (0, 0)),
            pl.BlockSpec((hc, heads), lambda i: (0, 0)),
            pl.BlockSpec((heads, hc), lambda i: (0, 0)),
            pl.BlockSpec((hc,), lambda i: (0,)),
        ],
        out_specs=pl.BlockSpec((bn, hc), lambda i: (i, 0)),
        out_shape=jax.ShapeDtypeStruct((n, hc), jnp.float32),
    )(lacc, wacc, den, x_l, x_r, W_e, a_att, r_rep, bias)

    return out

# --- scband reference (transcript-rebuilt; emitter-appended) ---
"""Pipeline reference for scband-edge-conditioned-gatv2-layer-56564719288946 (READ-ONLY COPY).

The authoritative reference and input builder live on the scoring server;
editing this copy changes nothing except your own understanding.
"""

import jax, jax.numpy as jnp
import numpy as np

N = 10000
E = 320000
D_IN = 128
HEADS = 8
C = 16
EDGE_DIM = 16


def setup_inputs(seed: int = 0) -> dict:
    key = jax.random.key(seed)
    ks = jax.random.split(key, 10)
    x = jax.random.normal(ks[0], (N, D_IN), dtype=jnp.float32)
    edge_index = jax.random.randint(ks[1], (2, E), 0, N, dtype=jnp.int32)
    edge_attr = jax.random.normal(ks[2], (E, EDGE_DIM), dtype=jnp.float32)
    W_l = jax.random.normal(ks[3], (D_IN, HEADS * C), dtype=jnp.float32) * 0.1
    b_l = jnp.zeros((HEADS * C,), dtype=jnp.float32)
    W_r = jax.random.normal(ks[4], (D_IN, HEADS * C), dtype=jnp.float32) * 0.1
    b_r = jnp.zeros((HEADS * C,), dtype=jnp.float32)
    W_e = jax.random.normal(ks[5], (EDGE_DIM, HEADS * C), dtype=jnp.float32) * 0.1
    att = jax.random.normal(ks[6], (HEADS, C), dtype=jnp.float32) * 0.1
    bias = jnp.zeros((HEADS * C,), dtype=jnp.float32)
    return {"x": x, "edge_index": edge_index, "edge_attr": edge_attr,
            "W_l": W_l, "b_l": b_l, "W_r": W_r, "b_r": b_r,
            "W_e": W_e, "att": att, "bias": bias}


def reference(x, edge_index, edge_attr, W_l, b_l, W_r, b_r, W_e, att, bias):
    # PyG GATv2Conv semantics: remove self loops, then add self loops for all
    # nodes with edge_attr fill_value='mean' (mean of incoming edge features).
    src0 = edge_index[0]
    dst0 = edge_index[1]
    keep = src0 != dst0
    w = keep.astype(jnp.float32)
    ea = edge_attr * w[:, None]

    deg = jnp.zeros((N,), jnp.float32).at[dst0].add(w)
    loop_attr = jnp.zeros((N, EDGE_DIM), jnp.float32).at[dst0].add(ea)
    loop_attr = loop_attr / jnp.clip(deg, 1.0)[:, None]

    loop_idx = jnp.arange(N, dtype=src0.dtype)
    src = jnp.concatenate([src0, loop_idx])
    dst = jnp.concatenate([dst0, loop_idx])
    ea_full = jnp.concatenate([ea, loop_attr], axis=0)
    mask_full = jnp.concatenate([keep, jnp.ones((N,), dtype=bool)])

    x_l = (x @ W_l + b_l).reshape(N, HEADS, C)
    x_r = (x @ W_r + b_r).reshape(N, HEADS, C)
    e_emb = (ea_full @ W_e).reshape(-1, HEADS, C)

    # GATv2: attention = att . LeakyReLU(x_j_theta + x_i_theta + e_theta)
    m = x_l[src] + x_r[dst] + e_emb
    m = jax.nn.leaky_relu(m, 0.2)
    alpha = (m * att[None, :, :]).sum(-1)  # [E', H]
    alpha = jnp.where(mask_full[:, None], alpha, -jnp.inf)

    amax = jax.ops.segment_max(alpha, dst, num_segments=N)
    amax = jnp.where(jnp.isfinite(amax), amax, 0.0)
    ex = jnp.exp(alpha - amax[dst])
    denom = jax.ops.segment_sum(ex, dst, num_segments=N)
    alpha = ex / (denom[dst] + 1e-16)

    out = jax.ops.segment_sum(x_l[src] * alpha[..., None], dst, num_segments=N)
    return out.reshape(N, HEADS * C) + bias

if __name__ == "__main__":
    import jax
    _d = setup_inputs()
    print(jax.jit(kernel)(*tuple(_d.values())))

</pallas_src>

<mosaic_0001>
#map = affine_map<(d0, d1) -> (0)>
#map1 = affine_map<(d0, d1) -> (0, 0)>
#map2 = affine_map<(d0, d1) -> (0, 0, 0)>
module attributes {stable_mosaic.version = 14 : i64} {
  func.func @_sc_gather_body(%arg0: i32, %arg1: i32, %arg2: memref<320000xi32, #tpu.memory_space<hbm>>, %arg3: memref<320000xi32, #tpu.memory_space<hbm>>, %arg4: memref<10000x128xf32, #tpu.memory_space<hbm>>, %arg5: memref<10000x128xf32, #tpu.memory_space<hbm>>, %arg6: memref<320000x128xf32, #tpu.memory_space<hbm>>, %arg7: memref<2500x128xf32, #tpu.memory_space<hbm>>, %arg8: memref<320000x128xf32, #tpu.memory_space<hbm>>, %arg9: memref<320000x128xf32, #tpu.memory_space<hbm>>, %arg10: memref<2x2500x128xf32, #tpu.memory_space<hbm>>, %arg11: memref<80xi32, #tpu.memory_space<vmem>>, %arg12: memref<80xi32, #tpu.memory_space<vmem>>, %arg13: memref<80xi32, #tpu.memory_space<vmem>>, %arg14: memref<80xi32, #tpu.memory_space<vmem>>, %arg15: memref<80xi32, #tpu.memory_space<vmem>>, %arg16: memref<80xi32, #tpu.memory_space<vmem>>, %arg17: memref<80xi32, #tpu.memory_space<vmem>>, %arg18: memref<80xi32, #tpu.memory_space<vmem>>, %arg19: memref<80xi32, #tpu.memory_space<vmem>>, %arg20: memref<80x128xf32, #tpu.memory_space<vmem>>, %arg21: memref<80x128xf32, #tpu.memory_space<vmem>>, %arg22: memref<80x128xf32, #tpu.memory_space<vmem>>, %arg23: memref<80x128xf32, #tpu.memory_space<vmem>>, %arg24: memref<80x128xf32, #tpu.memory_space<vmem>>, %arg25: memref<80x128xf32, #tpu.memory_space<vmem>>, %arg26: memref<80x128xf32, #tpu.memory_space<vmem>>, %arg27: memref<80x128xf32, #tpu.memory_space<vmem>>, %arg28: memref<80x128xf32, #tpu.memory_space<vmem>>, %arg29: memref<!tpu.dma_semaphore, #tpu.memory_space<semaphore_mem>>, %arg30: memref<!tpu.dma_semaphore, #tpu.memory_space<semaphore_mem>>, %arg31: memref<!tpu.dma_semaphore, #tpu.memory_space<semaphore_mem>>, %arg32: memref<!tpu.dma_semaphore, #tpu.memory_space<semaphore_mem>>, %arg33: memref<!tpu.dma_semaphore, #tpu.memory_space<semaphore_mem>>, %arg34: memref<!tpu.dma_semaphore, #tpu.memory_space<semaphore_mem>>, %arg35: memref<!tpu.dma_semaphore, #tpu.memory_space<semaphore_mem>>, %arg36: memref<!tpu.dma_semaphore, #tpu.memory_space<semaphore_mem>>, %arg37: memref<!tpu.dma_semaphore, #tpu.memory_space<semaphore_mem>>, %arg38: memref<!tpu.dma_semaphore, #tpu.memory_space<semaphore_mem>>, %arg39: memref<!tpu.dma_semaphore, #tpu.memory_space<semaphore_mem>>, %arg40: memref<!tpu.dma_semaphore, #tpu.memory_space<semaphore_mem>>, %arg41: memref<!tpu.dma_semaphore, #tpu.memory_space<semaphore_mem>>, %arg42: memref<!tpu.dma_semaphore, #tpu.memory_space<semaphore_mem>>, %arg43: memref<!tpu.dma_semaphore, #tpu.memory_space<semaphore_mem>>, %arg44: memref<!tpu.dma_semaphore, #tpu.memory_space<semaphore_mem>>, %arg45: memref<!tpu.dma_semaphore, #tpu.memory_space<semaphore_mem>>, %arg46: memref<!tpu.dma_semaphore, #tpu.memory_space<semaphore_mem>>, %arg47: memref<!tpu.dma_semaphore, #tpu.memory_space<semaphore_mem>>, %arg48: memref<!tpu.dma_semaphore, #tpu.memory_space<semaphore_mem>>, %arg49: memref<!tpu.dma_semaphore, #tpu.memory_space<semaphore_mem>>, %arg50: memref<!tpu.dma_semaphore, #tpu.memory_space<semaphore_mem>>, %arg51: memref<!tpu.dma_semaphore, #tpu.memory_space<semaphore_mem>>, %arg52: memref<!tpu.dma_semaphore, #tpu.memory_space<semaphore_mem>>, %arg53: memref<!tpu.dma_semaphore, #tpu.memory_space<semaphore_mem>>, %arg54: memref<!tpu.dma_semaphore, #tpu.memory_space<semaphore_mem>>, %arg55: memref<!tpu.dma_semaphore, #tpu.memory_space<semaphore_mem>>, %arg56: memref<2500x128xf32, #tpu.memory_space<vmem_shared>>) attributes {dimension_semantics = [#tpu.dimension_semantics<core_parallel>, #tpu.dimension_semantics<subcore_parallel>], iteration_bounds = array<i64: 2, 16>, scalar_prefetch = 0 : i64, scratch_operands = 46 : i64, tpu.core_type = #tpu.core_type<sc_vector_subcore>, window_params = [{transform_indices = #map}, {transform_indices = #map}, {transform_indices = #map1}, {transform_indices = #map1}, {transform_indices = #map1}, {transform_indices = #map1}, {transform_indices = #map1}, {transform_indices = #map1}, {transform_indices = #map2}]} {
    %mul3A = arith.constant 2 : i32
    %mul3A_0 = arith.muli %arg1, %mul3A : i32
    %add3A = arith.addi %mul3A_0, %arg0 : i32
    %eq3A = arith.constant 0 : i32
    %eq3A_1 = arith.cmpi eq, %arg1, %eq3A : i32
    %convert_element_type3A = arith.extui %eq3A_1 : i1 to i32
    %cond3A = arith.constant 0 : i32
    %cond3A_2 = arith.cmpi ne, %convert_element_type3A, %cond3A : i32
    scf.if %cond3A_2 {
      "tpu.region"() ({
        %run_scoped3A = tpu.sem_alloc : memref<!tpu.dma_semaphore, #tpu.memory_space<semaphore_mem>>
        tpu.enqueue_dma source(%arg7 : memref<2500x128xf32, #tpu.memory_space<hbm>>) target(%arg56 : memref<2500x128xf32, #tpu.memory_space<vmem_shared>>) target_semaphore(%run_scoped3A : memref<!tpu.dma_semaphore, #tpu.memory_space<semaphore_mem>>)
        tpu.wait_dma2 semaphore(%run_scoped3A : memref<!tpu.dma_semaphore, #tpu.memory_space<semaphore_mem>>) src(%arg7 : memref<2500x128xf32, #tpu.memory_space<hbm>>) dst(%arg56 : memref<2500x128xf32, #tpu.memory_space<vmem_shared>>)
        tpu.yield
      }) : () -> ()
    } else {
    }
    %barrier3A = arith.constant 0 : index
    tpu.barrier barrier_id(%barrier3A)
    %scan3A = arith.constant 0 : i32
    %scan3A_3 = arith.constant 41 : i32
    %scan3A_4 = arith.addi %scan3A, %scan3A_3 : i32
    %scan3A_5 = arith.constant 1 : i32
    scf.for %scan3A_232 = %scan3A to %scan3A_4 step %scan3A_5  : i32 {
      %mul3A_233 = arith.constant 3 : i32
      %mul3A_234 = arith.muli %mul3A_233, %scan3A_232 : i32
      %add3A_235 = arith.constant 0 : i32
      %add3A_236 = arith.addi %mul3A_234, %add3A_235 : i32
      %mul3A_237 = arith.constant 3 : i32
      %mul3A_238 = arith.muli %mul3A_237, %scan3A_232 : i32
      %add3A_239 = arith.constant 1 : i32
      %add3A_240 = arith.addi %mul3A_238, %add3A_239 : i32
      %mul3A_241 = arith.constant 3 : i32
      %mul3A_242 = arith.muli %mul3A_241, %scan3A_232 : i32
      %add3A_243 = arith.constant 2 : i32
      %add3A_244 = arith.addi %mul3A_242, %add3A_243 : i32
      %mul3A_245 = arith.constant 10000 : i32
      %mul3A_246 = arith.muli %add3A, %mul3A_245 : i32
      %mul3A_247 = arith.constant 80 : i32
      %mul3A_248 = arith.muli %add3A_236, %mul3A_247 : i32
      %add3A_249 = arith.addi %mul3A_246, %mul3A_248 : i32
      %dma_start3A_250 = tpu.memref_slice %arg2[%add3A_249] : memref<320000xi32, #tpu.memory_space<hbm>> -> memref<80xi32, #tpu.memory_space<hbm>>
      %dma_start3A_251 = tpu.memref_slice %arg2[%add3A_249] : memref<320000xi32, #tpu.memory_space<hbm>> -> memref<80xi32, #tpu.memory_space<hbm>>
      tpu.enqueue_dma source(%dma_start3A_251 : memref<80xi32, #tpu.memory_space<hbm>>) target(%arg11 : memref<80xi32, #tpu.memory_space<vmem>>) target_semaphore(%arg29 : memref<!tpu.dma_semaphore, #tpu.memory_space<semaphore_mem>>)
      %dma_start3A_252 = tpu.memref_slice %arg3[%add3A_249] : memref<320000xi32, #tpu.memory_space<hbm>> -> memref<80xi32, #tpu.memory_space<hbm>>
      %dma_start3A_253 = tpu.memref_slice %arg3[%add3A_249] : memref<320000xi32, #tpu.memory_space<hbm>> -> memref<80xi32, #tpu.memory_space<hbm>>
      tpu.enqueue_dma source(%dma_start3A_253 : memref<80xi32, #tpu.memory_space<hbm>>) target(%arg14 : memref<80xi32, #tpu.memory_space<vmem>>) target_semaphore(%arg30 : memref<!tpu.dma_semaphore, #tpu.memory_space<semaphore_mem>>)
      %mul3A_254 = arith.constant 10000 : i32
      %mul3A_255 = arith.muli %add3A, %mul3A_254 : i32
      %mul3A_256 = arith.constant 80 : i32
      %mul3A_257 = arith.muli %add3A_240, %mul3A_256 : i32
      %add3A_258 = arith.addi %mul3A_255, %mul3A_257 : i32
      %dma_start3A_259 = tpu.memref_slice %arg2[%add3A_258] : memref<320000xi32, #tpu.memory_space<hbm>> -> memref<80xi32, #tpu.memory_space<hbm>>
      %dma_start3A_260 = tpu.memref_slice %arg2[%add3A_258] : memref<320000xi32, #tpu.memory_space<hbm>> -> memref<80xi32, #tpu.memory_space<hbm>>
      tpu.enqueue_dma source(%dma_start3A_260 : memref<80xi32, #tpu.memory_space<hbm>>) target(%arg12 : memref<80xi32, #tpu.memory_space<vmem>>) target_semaphore(%arg32 : memref<!tpu.dma_semaphore, #tpu.memory_space<semaphore_mem>>)
      %dma_start3A_261 = tpu.memref_slice %arg3[%add3A_258] : memref<320000xi32, #tpu.memory_space<hbm>> -> memref<80xi32, #tpu.memory_space<hbm>>
      %dma_start3A_262 = tpu.memref_slice %arg3[%add3A_258] : memref<320000xi32, #tpu.memory_space<hbm>> -> memref<80xi32, #tpu.memory_space<hbm>>
      tpu.enqueue_dma source(%dma_start3A_262 : memref<80xi32, #tpu.memory_space<hbm>>) target(%arg15 : memref<80xi32, #tpu.memory_space<vmem>>) target_semaphore(%arg33 : memref<!tpu.dma_semaphore, #tpu.memory_space<semaphore_mem>>)
      %mul3A_263 = arith.constant 10000 : i32
      %mul3A_264 = arith.muli %add3A, %mul3A_263 : i32
      %mul3A_265 = arith.constant 80 : i32
      %mul3A_266 = arith.muli %add3A_244, %mul3A_265 : i32
      %add3A_267 = arith.addi %mul3A_264, %mul3A_266 : i32
      %dma_start3A_268 = tpu.memref_slice %arg2[%add3A_267] : memref<320000xi32, #tpu.memory_space<hbm>> -> memref<80xi32, #tpu.memory_space<hbm>>
      %dma_start3A_269 = tpu.memref_slice %arg2[%add3A_267] : memref<320000xi32, #tpu.memory_space<hbm>> -> memref<80xi32, #tpu.memory_space<hbm>>
      tpu.enqueue_dma source(%dma_start3A_269 : memref<80xi32, #tpu.memory_space<hbm>>) target(%arg13 : memref<80xi32, #tpu.memory_space<vmem>>) target_semaphore(%arg35 : memref<!tpu.dma_semaphore, #tpu.memory_space<semaphore_mem>>)
      %dma_start3A_270 = tpu.memref_slice %arg3[%add3A_267] : memref<320000xi32, #tpu.memory_space<hbm>> -> memref<80xi32, #tpu.memory_space<hbm>>
      %dma_start3A_271 = tpu.memref_slice %arg3[%add3A_267] : memref<320000xi32, #tpu.memory_space<hbm>> -> memref<80xi32, #tpu.memory_space<hbm>>
      tpu.enqueue_dma source(%dma_start3A_271 : memref<80xi32, #tpu.memory_space<hbm>>) target(%arg16 : memref<80xi32, #tpu.memory_space<vmem>>) target_semaphore(%arg36 : memref<!tpu.dma_semaphore, #tpu.memory_space<semaphore_mem>>)
      %dma_wait3A_272 = tpu.memref_slice %arg2[%add3A_249] : memref<320000xi32, #tpu.memory_space<hbm>> -> memref<80xi32, #tpu.memory_space<hbm>>
      %dma_wait3A_273 = tpu.memref_slice %arg2[%add3A_249] : memref<320000xi32, #tpu.memory_space<hbm>> -> memref<80xi32, #tpu.memory_space<hbm>>
      tpu.wait_dma2 semaphore(%arg29 : memref<!tpu.dma_semaphore, #tpu.memory_space<semaphore_mem>>) src(%dma_wait3A_273 : memref<80xi32, #tpu.memory_space<hbm>>) dst(%arg11 : memref<80xi32, #tpu.memory_space<vmem>>)
      %dma_wait3A_274 = tpu.memref_slice %arg3[%add3A_249] : memref<320000xi32, #tpu.memory_space<hbm>> -> memref<80xi32, #tpu.memory_space<hbm>>
      %dma_wait3A_275 = tpu.memref_slice %arg3[%add3A_249] : memref<320000xi32, #tpu.memory_space<hbm>> -> memref<80xi32, #tpu.memory_space<hbm>>
      tpu.wait_dma2 semaphore(%arg30 : memref<!tpu.dma_semaphore, #tpu.memory_space<semaphore_mem>>) src(%dma_wait3A_275 : memref<80xi32, #tpu.memory_space<hbm>>) dst(%arg14 : memref<80xi32, #tpu.memory_space<vmem>>)
      %mul3A_276 = arith.constant 10000 : i32
      %mul3A_277 = arith.muli %add3A, %mul3A_276 : i32
      %mul3A_278 = arith.constant 80 : i32
      %mul3A_279 = arith.muli %add3A_236, %mul3A_278 : i32
      %add3A_280 = arith.addi %mul3A_277, %mul3A_279 : i32
      %dma_start3A_281 = arith.constant 0 : i32
      %dma_start3A_282 = arith.constant 0 : i32
      %dma_start3A_283 = tpu.memref_slice %arg4[%dma_start3A_281, %dma_start3A_282] : memref<10000x128xf32, #tpu.memory_space<hbm>> -> memref<10000x128xf32, #tpu.memory_space<hbm>>
      tpu.enqueue_indirect_dma source(%dma_start3A_283 : memref<10000x128xf32, #tpu.memory_space<hbm>>) target(%arg20 : memref<80x128xf32, #tpu.memory_space<vmem>>) offsets(%arg11 : memref<80xi32, #tpu.memory_space<vmem>>) semaphore(%arg38 : memref<!tpu.dma_semaphore, #tpu.memory_space<semaphore_mem>>)
      %dma_start3A_284 = arith.constant 0 : i32
      %dma_start3A_285 = arith.constant 0 : i32
      %dma_start3A_286 = tpu.memref_slice %arg5[%dma_start3A_284, %dma_start3A_285] : memref<10000x128xf32, #tpu.memory_space<hbm>> -> memref<10000x128xf32, #tpu.memory_space<hbm>>
      tpu.enqueue_indirect_dma source(%dma_start3A_286 : memref<10000x128xf32, #tpu.memory_space<hbm>>) target(%arg23 : memref<80x128xf32, #tpu.memory_space<vmem>>) offsets(%arg14 : memref<80xi32, #tpu.memory_space<vmem>>) semaphore(%arg39 : memref<!tpu.dma_semaphore, #tpu.memory_space<semaphore_mem>>)
      %dma_start3A_287 = arith.constant 0 : i32
      %dma_start3A_288 = tpu.memref_slice %arg6[%add3A_280, %dma_start3A_287] : memref<320000x128xf32, #tpu.memory_space<hbm>> -> memref<80x128xf32, #tpu.memory_space<hbm>>
      %dma_start3A_289 = arith.constant 0 : i32
      %dma_start3A_290 = tpu.memref_slice %arg6[%add3A_280, %dma_start3A_289] : memref<320000x128xf32, #tpu.memory_space<hbm>> -> memref<80x128xf32, #tpu.memory_space<hbm>>
      tpu.enqueue_dma source(%dma_start3A_290 : memref<80x128xf32, #tpu.memory_space<hbm>>) target(%arg26 : memref<80x128xf32, #tpu.memory_space<vmem>>) target_semaphore(%arg40 : memref<!tpu.dma_semaphore, #tpu.memory_space<semaphore_mem>>)
      %dma_wait3A_291 = tpu.memref_slice %arg2[%add3A_258] : memref<320000xi32, #tpu.memory_space<hbm>> -> memref<80xi32, #tpu.memory_space<hbm>>
      %dma_wait3A_292 = tpu.memref_slice %arg2[%add3A_258] : memref<320000xi32, #tpu.memory_space<hbm>> -> memref<80xi32, #tpu.memory_space<hbm>>
      tpu.wait_dma2 semaphore(%arg32 : memref<!tpu.dma_semaphore, #tpu.memory_space<semaphore_mem>>) src(%dma_wait3A_292 : memref<80xi32, #tpu.memory_space<hbm>>) dst(%arg12 : memref<80xi32, #tpu.memory_space<vmem>>)
      %dma_wait3A_293 = tpu.memref_slice %arg3[%add3A_258] : memref<320000xi32, #tpu.memory_space<hbm>> -> memref<80xi32, #tpu.memory_space<hbm>>
      %dma_wait3A_294 = tpu.memref_slice %arg3[%add3A_258] : memref<320000xi32, #tpu.memory_space<hbm>> -> memref<80xi32, #tpu.memory_space<hbm>>
      tpu.wait_dma2 semaphore(%arg33 : memref<!tpu.dma_semaphore, #tpu.memory_space<semaphore_mem>>) src(%dma_wait3A_294 : memref<80xi32, #tpu.memory_space<hbm>>) dst(%arg15 : memref<80xi32, #tpu.memory_space<vmem>>)
      %mul3A_295 = arith.constant 10000 : i32
      %mul3A_296 = arith.muli %add3A, %mul3A_295 : i32
      %mul3A_297 = arith.constant 80 : i32
      %mul3A_298 = arith.muli %add3A_240, %mul3A_297 : i32
      %add3A_299 = arith.addi %mul3A_296, %mul3A_298 : i32
      %dma_start3A_300 = arith.constant 0 : i32
      %dma_start3A_301 = arith.constant 0 : i32
      %dma_start3A_302 = tpu.memref_slice %arg4[%dma_start3A_300, %dma_start3A_301] : memref<10000x128xf32, #tpu.memory_space<hbm>> -> memref<10000x128xf32, #tpu.memory_space<hbm>>
      tpu.enqueue_indirect_dma source(%dma_start3A_302 : memref<10000x128xf32, #tpu.memory_space<hbm>>) target(%arg21 : memref<80x128xf32, #tpu.memory_space<vmem>>) offsets(%arg12 : memref<80xi32, #tpu.memory_space<vmem>>) semaphore(%arg41 : memref<!tpu.dma_semaphore, #tpu.memory_space<semaphore_mem>>)
      %dma_start3A_303 = arith.constant 0 : i32
      %dma_start3A_304 = arith.constant 0 : i32
      %dma_start3A_305 = tpu.memref_slice %arg5[%dma_start3A_303, %dma_start3A_304] : memref<10000x128xf32, #tpu.memory_space<hbm>> -> memref<10000x128xf32, #tpu.memory_space<hbm>>
      tpu.enqueue_indirect_dma source(%dma_start3A_305 : memref<10000x128xf32, #tpu.memory_space<hbm>>) target(%arg24 : memref<80x128xf32, #tpu.memory_space<vmem>>) offsets(%arg15 : memref<80xi32, #tpu.memory_space<vmem>>) semaphore(%arg42 : memref<!tpu.dma_semaphore, #tpu.memory_space<semaphore_mem>>)
      %dma_start3A_306 = arith.constant 0 : i32
      %dma_start3A_307 = tpu.memref_slice %arg6[%add3A_299, %dma_start3A_306] : memref<320000x128xf32, #tpu.memory_space<hbm>> -> memref<80x128xf32, #tpu.memory_space<hbm>>
      %dma_start3A_308 = arith.constant 0 : i32
      %dma_start3A_309 = tpu.memref_slice %arg6[%add3A_299, %dma_start3A_308] : memref<320000x128xf32, #tpu.memory_space<hbm>> -> memref<80x128xf32, #tpu.memory_space<hbm>>
      tpu.enqueue_dma source(%dma_start3A_309 : memref<80x128xf32, #tpu.memory_space<hbm>>) target(%arg27 : memref<80x128xf32, #tpu.memory_space<vmem>>) target_semaphore(%arg43 : memref<!tpu.dma_semaphore, #tpu.memory_space<semaphore_mem>>)
      %dma_wait3A_310 = tpu.memref_slice %arg2[%add3A_267] : memref<320000xi32, #tpu.memory_space<hbm>> -> memref<80xi32, #tpu.memory_space<hbm>>
      %dma_wait3A_311 = tpu.memref_slice %arg2[%add3A_267] : memref<320000xi32, #tpu.memory_space<hbm>> -> memref<80xi32, #tpu.memory_space<hbm>>
      tpu.wait_dma2 semaphore(%arg35 : memref<!tpu.dma_semaphore, #tpu.memory_space<semaphore_mem>>) src(%dma_wait3A_311 : memref<80xi32, #tpu.memory_space<hbm>>) dst(%arg13 : memref<80xi32, #tpu.memory_space<vmem>>)
      %dma_wait3A_312 = tpu.memref_slice %arg3[%add3A_267] : memref<320000xi32, #tpu.memory_space<hbm>> -> memref<80xi32, #tpu.memory_space<hbm>>
      %dma_wait3A_313 = tpu.memref_slice %arg3[%add3A_267] : memref<320000xi32, #tpu.memory_space<hbm>> -> memref<80xi32, #tpu.memory_space<hbm>>
      tpu.wait_dma2 semaphore(%arg36 : memref<!tpu.dma_semaphore, #tpu.memory_space<semaphore_mem>>) src(%dma_wait3A_313 : memref<80xi32, #tpu.memory_space<hbm>>) dst(%arg16 : memref<80xi32, #tpu.memory_space<vmem>>)
      %mul3A_314 = arith.constant 10000 : i32
      %mul3A_315 = arith.muli %add3A, %mul3A_314 : i32
      %mul3A_316 = arith.constant 80 : i32
      %mul3A_317 = arith.muli %add3A_244, %mul3A_316 : i32
      %add3A_318 = arith.addi %mul3A_315, %mul3A_317 : i32
      %dma_start3A_319 = arith.constant 0 : i32
      %dma_start3A_320 = arith.constant 0 : i32
      %dma_start3A_321 = tpu.memref_slice %arg4[%dma_start3A_319, %dma_start3A_320] : memref<10000x128xf32, #tpu.memory_space<hbm>> -> memref<10000x128xf32, #tpu.memory_space<hbm>>
      tpu.enqueue_indirect_dma source(%dma_start3A_321 : memref<10000x128xf32, #tpu.memory_space<hbm>>) target(%arg22 : memref<80x128xf32, #tpu.memory_space<vmem>>) offsets(%arg13 : memref<80xi32, #tpu.memory_space<vmem>>) semaphore(%arg44 : memref<!tpu.dma_semaphore, #tpu.memory_space<semaphore_mem>>)
      %dma_start3A_322 = arith.constant 0 : i32
      %dma_start3A_323 = arith.constant 0 : i32
      %dma_start3A_324 = tpu.memref_slice %arg5[%dma_start3A_322, %dma_start3A_323] : memref<10000x128xf32, #tpu.memory_space<hbm>> -> memref<10000x128xf32, #tpu.memory_space<hbm>>
      tpu.enqueue_indirect_dma source(%dma_start3A_324 : memref<10000x128xf32, #tpu.memory_space<hbm>>) target(%arg25 : memref<80x128xf32, #tpu.memory_space<vmem>>) offsets(%arg16 : memref<80xi32, #tpu.memory_space<vmem>>) semaphore(%arg45 : memref<!tpu.dma_semaphore, #tpu.memory_space<semaphore_mem>>)
      %dma_start3A_325 = arith.constant 0 : i32
      %dma_start3A_326 = tpu.memref_slice %arg6[%add3A_318, %dma_start3A_325] : memref<320000x128xf32, #tpu.memory_space<hbm>> -> memref<80x128xf32, #tpu.memory_space<hbm>>
      %dma_start3A_327 = arith.constant 0 : i32
      %dma_start3A_328 = tpu.memref_slice %arg6[%add3A_318, %dma_start3A_327] : memref<320000x128xf32, #tpu.memory_space<hbm>> -> memref<80x128xf32, #tpu.memory_space<hbm>>
      tpu.enqueue_dma source(%dma_start3A_328 : memref<80x128xf32, #tpu.memory_space<hbm>>) target(%arg28 : memref<80x128xf32, #tpu.memory_space<vmem>>) target_semaphore(%arg46 : memref<!tpu.dma_semaphore, #tpu.memory_space<semaphore_mem>>)
      %dma_wait3A_329 = arith.constant 0 : i32
      %dma_wait3A_330 = arith.constant 0 : i32
      %dma_wait3A_331 = tpu.memref_slice %arg4[%dma_wait3A_329, %dma_wait3A_330] : memref<10000x128xf32, #tpu.memory_space<hbm>> -> memref<10000x128xf32, #tpu.memory_space<hbm>>
      tpu.wait_indirect_dma semaphore(%arg38 : memref<!tpu.dma_semaphore, #tpu.memory_space<semaphore_mem>>) src(%dma_wait3A_331 : memref<10000x128xf32, #tpu.memory_space<hbm>>) dst(%arg20 : memref<80x128xf32, #tpu.memory_space<vmem>>)
      %dma_wait3A_332 = arith.constant 0 : i32
      %dma_wait3A_333 = arith.constant 0 : i32
      %dma_wait3A_334 = tpu.memref_slice %arg5[%dma_wait3A_332, %dma_wait3A_333] : memref<10000x128xf32, #tpu.memory_space<hbm>> -> memref<10000x128xf32, #tpu.memory_space<hbm>>
      tpu.wait_indirect_dma semaphore(%arg39 : memref<!tpu.dma_semaphore, #tpu.memory_space<semaphore_mem>>) src(%dma_wait3A_334 : memref<10000x128xf32, #tpu.memory_space<hbm>>) dst(%arg23 : memref<80x128xf32, #tpu.memory_space<vmem>>)
      %dma_wait3A_335 = arith.constant 0 : i32
      %dma_wait3A_336 = tpu.memref_slice %arg6[%add3A_280, %dma_wait3A_335] : memref<320000x128xf32, #tpu.memory_space<hbm>> -> memref<80x128xf32, #tpu.memory_space<hbm>>
      %dma_wait3A_337 = arith.constant 0 : i32
      %dma_wait3A_338 = tpu.memref_slice %arg6[%add3A_280, %dma_wait3A_337] : memref<320000x128xf32, #tpu.memory_space<hbm>> -> memref<80x128xf32, #tpu.memory_space<hbm>>
      tpu.wait_dma2 semaphore(%arg40 : memref<!tpu.dma_semaphore, #tpu.memory_space<semaphore_mem>>) src(%dma_wait3A_338 : memref<80x128xf32, #tpu.memory_space<hbm>>) dst(%arg26 : memref<80x128xf32, #tpu.memory_space<vmem>>)
      %mul3A_339 = arith.constant 10000 : i32
      %mul3A_340 = arith.muli %add3A, %mul3A_339 : i32
      %mul3A_341 = arith.constant 80 : i32
      %mul3A_342 = arith.muli %add3A_236, %mul3A_341 : i32
      %add3A_343 = arith.addi %mul3A_340, %mul3A_342 : i32
      %dma_start3A_344 = arith.constant 0 : i32
      %dma_start3A_345 = tpu.memref_slice %arg8[%add3A_343, %dma_start3A_344] : memref<320000x128xf32, #tpu.memory_space<hbm>> -> memref<80x128xf32, #tpu.memory_space<hbm>>
      %dma_start3A_346 = arith.constant 0 : i32
      %dma_start3A_347 = tpu.memref_slice %arg8[%add3A_343, %dma_start3A_346] : memref<320000x128xf32, #tpu.memory_space<hbm>> -> memref<80x128xf32, #tpu.memory_space<hbm>>
      tpu.enqueue_dma source(%arg20 : memref<80x128xf32, #tpu.memory_space<vmem>>) target(%dma_start3A_347 : memref<80x128xf32, #tpu.memory_space<hbm>>) target_semaphore(%arg47 : memref<!tpu.dma_semaphore, #tpu.memory_space<semaphore_mem>>)
      %dma_start3A_348 = arith.constant 0 : i32
      %dma_start3A_349 = tpu.memref_slice %arg9[%add3A_343, %dma_start3A_348] : memref<320000x128xf32, #tpu.memory_space<hbm>> -> memref<80x128xf32, #tpu.memory_space<hbm>>
      %dma_start3A_350 = arith.constant 0 : i32
      %dma_start3A_351 = tpu.memref_slice %arg9[%add3A_343, %dma_start3A_350] : memref<320000x128xf32, #tpu.memory_space<hbm>> -> memref<80x128xf32, #tpu.memory_space<hbm>>
      tpu.enqueue_dma source(%arg23 : memref<80x128xf32, #tpu.memory_space<vmem>>) target(%dma_start3A_351 : memref<80x128xf32, #tpu.memory_space<hbm>>) target_semaphore(%arg48 : memref<!tpu.dma_semaphore, #tpu.memory_space<semaphore_mem>>)
      %get3A_352 = arith.constant 0 : index
      %get3A_353 = tpu.vector_load %arg14[%get3A_352] {strides = array<i32>} : memref<80xi32, #tpu.memory_space<vmem>>, vector<16xi32>,
      %get3A_354 = vector.shape_cast %get3A_353 : vector<16xi32> to vector<16xi32>
      %shift_right_arithmetic3A_355 = arith.constant 2 : i32
      %shift_right_arithmetic3A_356 = vector.broadcast %shift_right_arithmetic3A_355 : i32 to vector<16xi32>
      %shift_right_arithmetic3A_357 = arith.shrsi %get3A_354, %shift_right_arithmetic3A_356 : vector<16xi32>
      %swap3A_358 = arith.constant 0 : index
      %swap3A_359 = tpu.vector_load %arg17[%swap3A_358] {strides = array<i32>} : memref<80xi32, #tpu.memory_space<vmem>>, vector<16xi32>,
      %swap3A_360 = vector.shape_cast %swap3A_359 : vector<16xi32> to vector<16xi32>
      %swap3A_361 = vector.shape_cast %shift_right_arithmetic3A_357 : vector<16xi32> to vector<16xi32>
      tpu.vector_store %arg17[%swap3A_358], %swap3A_361 {strides = array<i32>} : memref<80xi32, #tpu.memory_space<vmem>>, vector<16xi32>,
      %get3A_362 = arith.constant 16 : index
      %get3A_363 = tpu.vector_load %arg14[%get3A_362] {strides = array<i32>} : memref<80xi32, #tpu.memory_space<vmem>>, vector<16xi32>,
      %get3A_364 = vector.shape_cast %get3A_363 : vector<16xi32> to vector<16xi32>
      %shift_right_arithmetic3A_365 = arith.constant 2 : i32
      %shift_right_arithmetic3A_366 = vector.broadcast %shift_right_arithmetic3A_365 : i32 to vector<16xi32>
      %shift_right_arithmetic3A_367 = arith.shrsi %get3A_364, %shift_right_arithmetic3A_366 : vector<16xi32>
      %swap3A_368 = arith.constant 16 : index
      %swap3A_369 = tpu.vector_load %arg17[%swap3A_368] {strides = array<i32>} : memref<80xi32, #tpu.memory_space<vmem>>, vector<16xi32>,
      %swap3A_370 = vector.shape_cast %swap3A_369 : vector<16xi32> to vector<16xi32>
      %swap3A_371 = vector.shape_cast %shift_right_arithmetic3A_367 : vector<16xi32> to vector<16xi32>
      tpu.vector_store %arg17[%swap3A_368], %swap3A_371 {strides = array<i32>} : memref<80xi32, #tpu.memory_space<vmem>>, vector<16xi32>,
      %get3A_372 = arith.constant 32 : index
      %get3A_373 = tpu.vector_load %arg14[%get3A_372] {strides = array<i32>} : memref<80xi32, #tpu.memory_space<vmem>>, vector<16xi32>,
      %get3A_374 = vector.shape_cast %get3A_373 : vector<16xi32> to vector<16xi32>
      %shift_right_arithmetic3A_375 = arith.constant 2 : i32
      %shift_right_arithmetic3A_376 = vector.broadcast %shift_right_arithmetic3A_375 : i32 to vector<16xi32>
      %shift_right_arithmetic3A_377 = arith.shrsi %get3A_374, %shift_right_arithmetic3A_376 : vector<16xi32>
      %swap3A_378 = arith.constant 32 : index
      %swap3A_379 = tpu.vector_load %arg17[%swap3A_378] {strides = array<i32>} : memref<80xi32, #tpu.memory_space<vmem>>, vector<16xi32>,
      %swap3A_380 = vector.shape_cast %swap3A_379 : vector<16xi32> to vector<16xi32>
      %swap3A_381 = vector.shape_cast %shift_right_arithmetic3A_377 : vector<16xi32> to vector<16xi32>
      tpu.vector_store %arg17[%swap3A_378], %swap3A_381 {strides = array<i32>} : memref<80xi32, #tpu.memory_space<vmem>>, vector<16xi32>,
      %get3A_382 = arith.constant 48 : index
      %get3A_383 = tpu.vector_load %arg14[%get3A_382] {strides = array<i32>} : memref<80xi32, #tpu.memory_space<vmem>>, vector<16xi32>,
      %get3A_384 = vector.shape_cast %get3A_383 : vector<16xi32> to vector<16xi32>
      %shift_right_arithmetic3A_385 = arith.constant 2 : i32
      %shift_right_arithmetic3A_386 = vector.broadcast %shift_right_arithmetic3A_385 : i32 to vector<16xi32>
      %shift_right_arithmetic3A_387 = arith.shrsi %get3A_384, %shift_right_arithmetic3A_386 : vector<16xi32>
      %swap3A_388 = arith.constant 48 : index
      %swap3A_389 = tpu.vector_load %arg17[%swap3A_388] {strides = array<i32>} : memref<80xi32, #tpu.memory_space<vmem>>, vector<16xi32>,
      %swap3A_390 = vector.shape_cast %swap3A_389 : vector<16xi32> to vector<16xi32>
      %swap3A_391 = vector.shape_cast %shift_right_arithmetic3A_387 : vector<16xi32> to vector<16xi32>
      tpu.vector_store %arg17[%swap3A_388], %swap3A_391 {strides = array<i32>} : memref<80xi32, #tpu.memory_space<vmem>>, vector<16xi32>,
      %get3A_392 = arith.constant 64 : index
      %get3A_393 = tpu.vector_load %arg14[%get3A_392] {strides = array<i32>} : memref<80xi32, #tpu.memory_space<vmem>>, vector<16xi32>,
      %get3A_394 = vector.shape_cast %get3A_393 : vector<16xi32> to vector<16xi32>
      %shift_right_arithmetic3A_395 = arith.constant 2 : i32
      %shift_right_arithmetic3A_396 = vector.broadcast %shift_right_arithmetic3A_395 : i32 to vector<16xi32>
      %shift_right_arithmetic3A_397 = arith.shrsi %get3A_394, %shift_right_arithmetic3A_396 : vector<16xi32>
      %swap3A_398 = arith.constant 64 : index
      %swap3A_399 = tpu.vector_load %arg17[%swap3A_398] {strides = array<i32>} : memref<80xi32, #tpu.memory_space<vmem>>, vector<16xi32>,
      %swap3A_400 = vector.shape_cast %swap3A_399 : vector<16xi32> to vector<16xi32>
      %swap3A_401 = vector.shape_cast %shift_right_arithmetic3A_397 : vector<16xi32> to vector<16xi32>
      tpu.vector_store %arg17[%swap3A_398], %swap3A_401 {strides = array<i32>} : memref<80xi32, #tpu.memory_space<vmem>>, vector<16xi32>,
      %dma_start3A_402 = arith.constant 0 : i32
      %dma_start3A_403 = arith.constant 0 : i32
      %dma_start3A_404 = tpu.memref_slice %arg56[%dma_start3A_402, %dma_start3A_403] : memref<2500x128xf32, #tpu.memory_space<vmem_shared>> -> memref<2500x128xf32, #tpu.memory_space<vmem_shared>>
      tpu.enqueue_indirect_dma source(%arg26 : memref<80x128xf32, #tpu.memory_space<vmem>>) target(%dma_start3A_404 : memref<2500x128xf32, #tpu.memory_space<vmem_shared>>) offsets(%arg17 : memref<80xi32, #tpu.memory_space<vmem>>) semaphore(%arg49 : memref<!tpu.dma_semaphore, #tpu.memory_space<semaphore_mem>>) {add = true}
      %dma_wait3A_405 = arith.constant 0 : i32
      %dma_wait3A_406 = arith.constant 0 : i32
      %dma_wait3A_407 = tpu.memref_slice %arg4[%dma_wait3A_405, %dma_wait3A_406] : memref<10000x128xf32, #tpu.memory_space<hbm>> -> memref<10000x128xf32, #tpu.memory_space<hbm>>
      tpu.wait_indirect_dma semaphore(%arg41 : memref<!tpu.dma_semaphore, #tpu.memory_space<semaphore_mem>>) src(%dma_wait3A_407 : memref<10000x128xf32, #tpu.memory_space<hbm>>) dst(%arg21 : memref<80x128xf32, #tpu.memory_space<vmem>>)
      %dma_wait3A_408 = arith.constant 0 : i32
      %dma_wait3A_409 = arith.constant 0 : i32
      %dma_wait3A_410 = tpu.memref_slice %arg5[%dma_wait3A_408, %dma_wait3A_409] : memref<10000x128xf32, #tpu.memory_space<hbm>> -> memref<10000x128xf32, #tpu.memory_space<hbm>>
      tpu.wait_indirect_dma semaphore(%arg42 : memref<!tpu.dma_semaphore, #tpu.memory_space<semaphore_mem>>) src(%dma_wait3A_410 : memref<10000x128xf32, #tpu.memory_space<hbm>>) dst(%arg24 : memref<80x128xf32, #tpu.memory_space<vmem>>)
      %dma_wait3A_411 = arith.constant 0 : i32
      %dma_wait3A_412 = tpu.memref_slice %arg6[%add3A_299, %dma_wait3A_411] : memref<320000x128xf32, #tpu.memory_space<hbm>> -> memref<80x128xf32, #tpu.memory_space<hbm>>
      %dma_wait3A_413 = arith.constant 0 : i32
      %dma_wait3A_414 = tpu.memref_slice %arg6[%add3A_299, %dma_wait3A_413] : memref<320000x128xf32, #tpu.memory_space<hbm>> -> memref<80x128xf32, #tpu.memory_space<hbm>>
      tpu.wait_dma2 semaphore(%arg43 : memref<!tpu.dma_semaphore, #tpu.memory_space<semaphore_mem>>) src(%dma_wait3A_414 : memref<80x128xf32, #tpu.memory_space<hbm>>) dst(%arg27 : memref<80x128xf32, #tpu.memory_space<vmem>>)
      %mul3A_415 = arith.constant 10000 : i32
      %mul3A_416 = arith.muli %add3A, %mul3A_415 : i32
      %mul3A_417 = arith.constant 80 : i32
      %mul3A_418 = arith.muli %add3A_240, %mul3A_417 : i32
      %add3A_419 = arith.addi %mul3A_416, %mul3A_418 : i32
      %dma_start3A_420 = arith.constant 0 : i32
      %dma_start3A_421 = tpu.memref_slice %arg8[%add3A_419, %dma_start3A_420] : memref<320000x128xf32, #tpu.memory_space<hbm>> -> memref<80x128xf32, #tpu.memory_space<hbm>>
      %dma_start3A_422 = arith.constant 0 : i32
      %dma_start3A_423 = tpu.memref_slice %arg8[%add3A_419, %dma_start3A_422] : memref<320000x128xf32, #tpu.memory_space<hbm>> -> memref<80x128xf32, #tpu.memory_space<hbm>>
      tpu.enqueue_dma source(%arg21 : memref<80x128xf32, #tpu.memory_space<vmem>>) target(%dma_start3A_423 : memref<80x128xf32, #tpu.memory_space<hbm>>) target_semaphore(%arg50 : memref<!tpu.dma_semaphore, #tpu.memory_space<semaphore_mem>>)
      %dma_start3A_424 = arith.constant 0 : i32
      %dma_start3A_425 = tpu.memref_slice %arg9[%add3A_419, %dma_start3A_424] : memref<320000x128xf32, #tpu.memory_space<hbm>> -> memref<80x128xf32, #tpu.memory_space<hbm>>
      %dma_start3A_426 = arith.constant 0 : i32
      %dma_start3A_427 = tpu.memref_slice %arg9[%add3A_419, %dma_start3A_426] : memref<320000x128xf32, #tpu.memory_space<hbm>> -> memref<80x128xf32, #tpu.memory_space<hbm>>
      tpu.enqueue_dma source(%arg24 : memref<80x128xf32, #tpu.memory_space<vmem>>) target(%dma_start3A_427 : memref<80x128xf32, #tpu.memory_space<hbm>>) target_semaphore(%arg51 : memref<!tpu.dma_semaphore, #tpu.memory_space<semaphore_mem>>)
      %get3A_428 = arith.constant 0 : index
      %get3A_429 = tpu.vector_load %arg15[%get3A_428] {strides = array<i32>} : memref<80xi32, #tpu.memory_space<vmem>>, vector<16xi32>,
      %get3A_430 = vector.shape_cast %get3A_429 : vector<16xi32> to vector<16xi32>
      %shift_right_arithmetic3A_431 = arith.constant 2 : i32
      %shift_right_arithmetic3A_432 = vector.broadcast %shift_right_arithmetic3A_431 : i32 to vector<16xi32>
      %shift_right_arithmetic3A_433 = arith.shrsi %get3A_430, %shift_right_arithmetic3A_432 : vector<16xi32>
      %swap3A_434 = arith.constant 0 : index
      %swap3A_435 = tpu.vector_load %arg18[%swap3A_434] {strides = array<i32>} : memref<80xi32, #tpu.memory_space<vmem>>, vector<16xi32>,
      %swap3A_436 = vector.shape_cast %swap3A_435 : vector<16xi32> to vector<16xi32>
      %swap3A_437 = vector.shape_cast %shift_right_arithmetic3A_433 : vector<16xi32> to vector<16xi32>
      tpu.vector_store %arg18[%swap3A_434], %swap3A_437 {strides = array<i32>} : memref<80xi32, #tpu.memory_space<vmem>>, vector<16xi32>,
      %get3A_438 = arith.constant 16 : index
      %get3A_439 = tpu.vector_load %arg15[%get3A_438] {strides = array<i32>} : memref<80xi32, #tpu.memory_space<vmem>>, vector<16xi32>,
      %get3A_440 = vector.shape_cast %get3A_439 : vector<16xi32> to vector<16xi32>
      %shift_right_arithmetic3A_441 = arith.constant 2 : i32
      %shift_right_arithmetic3A_442 = vector.broadcast %shift_right_arithmetic3A_441 : i32 to vector<16xi32>
      %shift_right_arithmetic3A_443 = arith.shrsi %get3A_440, %shift_right_arithmetic3A_442 : vector<16xi32>
      %swap3A_444 = arith.constant 16 : index
      %swap3A_445 = tpu.vector_load %arg18[%swap3A_444] {strides = array<i32>} : memref<80xi32, #tpu.memory_space<vmem>>, vector<16xi32>,
      %swap3A_446 = vector.shape_cast %swap3A_445 : vector<16xi32> to vector<16xi32>
      %swap3A_447 = vector.shape_cast %shift_right_arithmetic3A_443 : vector<16xi32> to vector<16xi32>
      tpu.vector_store %arg18[%swap3A_444], %swap3A_447 {strides = array<i32>} : memref<80xi32, #tpu.memory_space<vmem>>, vector<16xi32>,
      %get3A_448 = arith.constant 32 : index
      %get3A_449 = tpu.vector_load %arg15[%get3A_448] {strides = array<i32>} : memref<80xi32, #tpu.memory_space<vmem>>, vector<16xi32>,
      %get3A_450 = vector.shape_cast %get3A_449 : vector<16xi32> to vector<16xi32>
      %shift_right_arithmetic3A_451 = arith.constant 2 : i32
      %shift_right_arithmetic3A_452 = vector.broadcast %shift_right_arithmetic3A_451 : i32 to vector<16xi32>
      %shift_right_arithmetic3A_453 = arith.shrsi %get3A_450, %shift_right_arithmetic3A_452 : vector<16xi32>
      %swap3A_454 = arith.constant 32 : index
      %swap3A_455 = tpu.vector_load %arg18[%swap3A_454] {strides = array<i32>} : memref<80xi32, #tpu.memory_space<vmem>>, vector<16xi32>,
      %swap3A_456 = vector.shape_cast %swap3A_455 : vector<16xi32> to vector<16xi32>
      %swap3A_457 = vector.shape_cast %shift_right_arithmetic3A_453 : vector<16xi32> to vector<16xi32>
      tpu.vector_store %arg18[%swap3A_454], %swap3A_457 {strides = array<i32>} : memref<80xi32, #tpu.memory_space<vmem>>, vector<16xi32>,
      %get3A_458 = arith.constant 48 : index
      %get3A_459 = tpu.vector_load %arg15[%get3A_458] {strides = array<i32>} : memref<80xi32, #tpu.memory_space<vmem>>, vector<16xi32>,
      %get3A_460 = vector.shape_cast %get3A_459 : vector<16xi32> to vector<16xi32>
      %shift_right_arithmetic3A_461 = arith.constant 2 : i32
      %shift_right_arithmetic3A_462 = vector.broadcast %shift_right_arithmetic3A_461 : i32 to vector<16xi32>
      %shift_right_arithmetic3A_463 = arith.shrsi %get3A_460, %shift_right_arithmetic3A_462 : vector<16xi32>
      %swap3A_464 = arith.constant 48 : index
      %swap3A_465 = tpu.vector_load %arg18[%swap3A_464] {strides = array<i32>} : memref<80xi32, #tpu.memory_space<vmem>>, vector<16xi32>,
      %swap3A_466 = vector.shape_cast %swap3A_465 : vector<16xi32> to vector<16xi32>
      %swap3A_467 = vector.shape_cast %shift_right_arithmetic3A_463 : vector<16xi32> to vector<16xi32>
      tpu.vector_store %arg18[%swap3A_464], %swap3A_467 {strides = array<i32>} : memref<80xi32, #tpu.memory_space<vmem>>, vector<16xi32>,
      %get3A_468 = arith.constant 64 : index
      %get3A_469 = tpu.vector_load %arg15[%get3A_468] {strides = array<i32>} : memref<80xi32, #tpu.memory_space<vmem>>, vector<16xi32>,
      %get3A_470 = vector.shape_cast %get3A_469 : vector<16xi32> to vector<16xi32>
      %shift_right_arithmetic3A_471 = arith.constant 2 : i32
      %shift_right_arithmetic3A_472 = vector.broadcast %shift_right_arithmetic3A_471 : i32 to vector<16xi32>
      %shift_right_arithmetic3A_473 = arith.shrsi %get3A_470, %shift_right_arithmetic3A_472 : vector<16xi32>
      %swap3A_474 = arith.constant 64 : index
      %swap3A_475 = tpu.vector_load %arg18[%swap3A_474] {strides = array<i32>} : memref<80xi32, #tpu.memory_space<vmem>>, vector<16xi32>,
      %swap3A_476 = vector.shape_cast %swap3A_475 : vector<16xi32> to vector<16xi32>
      %swap3A_477 = vector.shape_cast %shift_right_arithmetic3A_473 : vector<16xi32> to vector<16xi32>
      tpu.vector_store %arg18[%swap3A_474], %swap3A_477 {strides = array<i32>} : memref<80xi32, #tpu.memory_space<vmem>>, vector<16xi32>,
      %dma_start3A_478 = arith.constant 0 : i32
      %dma_start3A_479 = arith.constant 0 : i32
      %dma_start3A_480 = tpu.memref_slice %arg56[%dma_start3A_478, %dma_start3A_479] : memref<2500x128xf32, #tpu.memory_space<vmem_shared>> -> memref<2500x128xf32, #tpu.memory_space<vmem_shared>>
      tpu.enqueue_indirect_dma source(%arg27 : memref<80x128xf32, #tpu.memory_space<vmem>>) target(%dma_start3A_480 : memref<2500x128xf32, #tpu.memory_space<vmem_shared>>) offsets(%arg18 : memref<80xi32, #tpu.memory_space<vmem>>) semaphore(%arg52 : memref<!tpu.dma_semaphore, #tpu.memory_space<semaphore_mem>>) {add = true}
      %dma_wait3A_481 = arith.constant 0 : i32
      %dma_wait3A_482 = arith.constant 0 : i32
      %dma_wait3A_483 = tpu.memref_slice %arg4[%dma_wait3A_481, %dma_wait3A_482] : memref<10000x128xf32, #tpu.memory_space<hbm>> -> memref<10000x128xf32, #tpu.memory_space<hbm>>
      tpu.wait_indirect_dma semaphore(%arg44 : memref<!tpu.dma_semaphore, #tpu.memory_space<semaphore_mem>>) src(%dma_wait3A_483 : memref<10000x128xf32, #tpu.memory_space<hbm>>) dst(%arg22 : memref<80x128xf32, #tpu.memory_space<vmem>>)
      %dma_wait3A_484 = arith.constant 0 : i32
      %dma_wait3A_485 = arith.constant 0 : i32
      %dma_wait3A_486 = tpu.memref_slice %arg5[%dma_wait3A_484, %dma_wait3A_485] : memref<10000x128xf32, #tpu.memory_space<hbm>> -> memref<10000x128xf32, #tpu.memory_space<hbm>>
      tpu.wait_indirect_dma semaphore(%arg45 : memref<!tpu.dma_semaphore, #tpu.memory_space<semaphore_mem>>) src(%dma_wait3A_486 : memref<10000x128xf32, #tpu.memory_space<hbm>>) dst(%arg25 : memref<80x128xf32, #tpu.memory_space<vmem>>)
      %dma_wait3A_487 = arith.constant 0 : i32
      %dma_wait3A_488 = tpu.memref_slice %arg6[%add3A_318, %dma_wait3A_487] : memref<320000x128xf32, #tpu.memory_space<hbm>> -> memref<80x128xf32, #tpu.memory_space<hbm>>
      %dma_wait3A_489 = arith.constant 0 : i32
      %dma_wait3A_490 = tpu.memref_slice %arg6[%add3A_318, %dma_wait3A_489] : memref<320000x128xf32, #tpu.memory_space<hbm>> -> memref<80x128xf32, #tpu.memory_space<hbm>>
      tpu.wait_dma2 semaphore(%arg46 : memref<!tpu.dma_semaphore, #tpu.memory_space<semaphore_mem>>) src(%dma_wait3A_490 : memref<80x128xf32, #tpu.memory_space<hbm>>) dst(%arg28 : memref<80x128xf32, #tpu.memory_space<vmem>>)
      %mul3A_491 = arith.constant 10000 : i32
      %mul3A_492 = arith.muli %add3A, %mul3A_491 : i32
      %mul3A_493 = arith.constant 80 : i32
      %mul3A_494 = arith.muli %add3A_244, %mul3A_493 : i32
      %add3A_495 = arith.addi %mul3A_492, %mul3A_494 : i32
      %dma_start3A_496 = arith.constant 0 : i32
      %dma_start3A_497 = tpu.memref_slice %arg8[%add3A_495, %dma_start3A_496] : memref<320000x128xf32, #tpu.memory_space<hbm>> -> memref<80x128xf32, #tpu.memory_space<hbm>>
      %dma_start3A_498 = arith.constant 0 : i32
      %dma_start3A_499 = tpu.memref_slice %arg8[%add3A_495, %dma_start3A_498] : memref<320000x128xf32, #tpu.memory_space<hbm>> -> memref<80x128xf32, #tpu.memory_space<hbm>>
      tpu.enqueue_dma source(%arg22 : memref<80x128xf32, #tpu.memory_space<vmem>>) target(%dma_start3A_499 : memref<80x128xf32, #tpu.memory_space<hbm>>) target_semaphore(%arg53 : memref<!tpu.dma_semaphore, #tpu.memory_space<semaphore_mem>>)
      %dma_start3A_500 = arith.constant 0 : i32
      %dma_start3A_501 = tpu.memref_slice %arg9[%add3A_495, %dma_start3A_500] : memref<320000x128xf32, #tpu.memory_space<hbm>> -> memref<80x128xf32, #tpu.memory_space<hbm>>
      %dma_start3A_502 = arith.constant 0 : i32
      %dma_start3A_503 = tpu.memref_slice %arg9[%add3A_495, %dma_start3A_502] : memref<320000x128xf32, #tpu.memory_space<hbm>> -> memref<80x128xf32, #tpu.memory_space<hbm>>
      tpu.enqueue_dma source(%arg25 : memref<80x128xf32, #tpu.memory_space<vmem>>) target(%dma_start3A_503 : memref<80x128xf32, #tpu.memory_space<hbm>>) target_semaphore(%arg54 : memref<!tpu.dma_semaphore, #tpu.memory_space<semaphore_mem>>)
      %get3A_504 = arith.constant 0 : index
      %get3A_505 = tpu.vector_load %arg16[%get3A_504] {strides = array<i32>} : memref<80xi32, #tpu.memory_space<vmem>>, vector<16xi32>,
      %get3A_506 = vector.shape_cast %get3A_505 : vector<16xi32> to vector<16xi32>
      %shift_right_arithmetic3A_507 = arith.constant 2 : i32
      %shift_right_arithmetic3A_508 = vector.broadcast %shift_right_arithmetic3A_507 : i32 to vector<16xi32>
      %shift_right_arithmetic3A_509 = arith.shrsi %get3A_506, %shift_right_arithmetic3A_508 : vector<16xi32>
      %swap3A_510 = arith.constant 0 : index
      %swap3A_511 = tpu.vector_load %arg19[%swap3A_510] {strides = array<i32>} : memref<80xi32, #tpu.memory_space<vmem>>, vector<16xi32>,
      %swap3A_512 = vector.shape_cast %swap3A_511 : vector<16xi32> to vector<16xi32>
      %swap3A_513 = vector.shape_cast %shift_right_arithmetic3A_509 : vector<16xi32> to vector<16xi32>
      tpu.vector_store %arg19[%swap3A_510], %swap3A_513 {strides = array<i32>} : memref<80xi32, #tpu.memory_space<vmem>>, vector<16xi32>,
      %get3A_514 = arith.constant 16 : index
      %get3A_515 = tpu.vector_load %arg16[%get3A_514] {strides = array<i32>} : memref<80xi32, #tpu.memory_space<vmem>>, vector<16xi32>,
      %get3A_516 = vector.shape_cast %get3A_515 : vector<16xi32> to vector<16xi32>
      %shift_right_arithmetic3A_517 = arith.constant 2 : i32
      %shift_right_arithmetic3A_518 = vector.broadcast %shift_right_arithmetic3A_517 : i32 to vector<16xi32>
      %shift_right_arithmetic3A_519 = arith.shrsi %get3A_516, %shift_right_arithmetic3A_518 : vector<16xi32>
      %swap3A_520 = arith.constant 16 : index
      %swap3A_521 = tpu.vector_load %arg19[%swap3A_520] {strides = array<i32>} : memref<80xi32, #tpu.memory_space<vmem>>, vector<16xi32>,
      %swap3A_522 = vector.shape_cast %swap3A_521 : vector<16xi32> to vector<16xi32>
      %swap3A_523 = vector.shape_cast %shift_right_arithmetic3A_519 : vector<16xi32> to vector<16xi32>
      tpu.vector_store %arg19[%swap3A_520], %swap3A_523 {strides = array<i32>} : memref<80xi32, #tpu.memory_space<vmem>>, vector<16xi32>,
      %get3A_524 = arith.constant 32 : index
      %get3A_525 = tpu.vector_load %arg16[%get3A_524] {strides = array<i32>} : memref<80xi32, #tpu.memory_space<vmem>>, vector<16xi32>,
      %get3A_526 = vector.shape_cast %get3A_525 : vector<16xi32> to vector<16xi32>
      %shift_right_arithmetic3A_527 = arith.constant 2 : i32
      %shift_right_arithmetic3A_528 = vector.broadcast %shift_right_arithmetic3A_527 : i32 to vector<16xi32>
      %shift_right_arithmetic3A_529 = arith.shrsi %get3A_526, %shift_right_arithmetic3A_528 : vector<16xi32>
      %swap3A_530 = arith.constant 32 : index
      %swap3A_531 = tpu.vector_load %arg19[%swap3A_530] {strides = array<i32>} : memref<80xi32, #tpu.memory_space<vmem>>, vector<16xi32>,
      %swap3A_532 = vector.shape_cast %swap3A_531 : vector<16xi32> to vector<16xi32>
      %swap3A_533 = vector.shape_cast %shift_right_arithmetic3A_529 : vector<16xi32> to vector<16xi32>
      tpu.vector_store %arg19[%swap3A_530], %swap3A_533 {strides = array<i32>} : memref<80xi32, #tpu.memory_space<vmem>>, vector<16xi32>,
      %get3A_534 = arith.constant 48 : index
      %get3A_535 = tpu.vector_load %arg16[%get3A_534] {strides = array<i32>} : memref<80xi32, #tpu.memory_space<vmem>>, vector<16xi32>,
      %get3A_536 = vector.shape_cast %get3A_535 : vector<16xi32> to vector<16xi32>
      %shift_right_arithmetic3A_537 = arith.constant 2 : i32
      %shift_right_arithmetic3A_538 = vector.broadcast %shift_right_arithmetic3A_537 : i32 to vector<16xi32>
      %shift_right_arithmetic3A_539 = arith.shrsi %get3A_536, %shift_right_arithmetic3A_538 : vector<16xi32>
      %swap3A_540 = arith.constant 48 : index
      %swap3A_541 = tpu.vector_load %arg19[%swap3A_540] {strides = array<i32>} : memref<80xi32, #tpu.memory_space<vmem>>, vector<16xi32>,
      %swap3A_542 = vector.shape_cast %swap3A_541 : vector<16xi32> to vector<16xi32>
      %swap3A_543 = vector.shape_cast %shift_right_arithmetic3A_539 : vector<16xi32> to vector<16xi32>
      tpu.vector_store %arg19[%swap3A_540], %swap3A_543 {strides = array<i32>} : memref<80xi32, #tpu.memory_space<vmem>>, vector<16xi32>,
      %get3A_544 = arith.constant 64 : index
      %get3A_545 = tpu.vector_load %arg16[%get3A_544] {strides = array<i32>} : memref<80xi32, #tpu.memory_space<vmem>>, vector<16xi32>,
      %get3A_546 = vector.shape_cast %get3A_545 : vector<16xi32> to vector<16xi32>
      %shift_right_arithmetic3A_547 = arith.constant 2 : i32
      %shift_right_arithmetic3A_548 = vector.broadcast %shift_right_arithmetic3A_547 : i32 to vector<16xi32>
      %shift_right_arithmetic3A_549 = arith.shrsi %get3A_546, %shift_right_arithmetic3A_548 : vector<16xi32>
      %swap3A_550 = arith.constant 64 : index
      %swap3A_551 = tpu.vector_load %arg19[%swap3A_550] {strides = array<i32>} : memref<80xi32, #tpu.memory_space<vmem>>, vector<16xi32>,
      %swap3A_552 = vector.shape_cast %swap3A_551 : vector<16xi32> to vector<16xi32>
      %swap3A_553 = vector.shape_cast %shift_right_arithmetic3A_549 : vector<16xi32> to vector<16xi32>
      tpu.vector_store %arg19[%swap3A_550], %swap3A_553 {strides = array<i32>} : memref<80xi32, #tpu.memory_space<vmem>>, vector<16xi32>,
      %dma_start3A_554 = arith.constant 0 : i32
      %dma_start3A_555 = arith.constant 0 : i32
      %dma_start3A_556 = tpu.memref_slice %arg56[%dma_start3A_554, %dma_start3A_555] : memref<2500x128xf32, #tpu.memory_space<vmem_shared>> -> memref<2500x128xf32, #tpu.memory_space<vmem_shared>>
      tpu.enqueue_indirect_dma source(%arg28 : memref<80x128xf32, #tpu.memory_space<vmem>>) target(%dma_start3A_556 : memref<2500x128xf32, #tpu.memory_space<vmem_shared>>) offsets(%arg19 : memref<80xi32, #tpu.memory_space<vmem>>) semaphore(%arg55 : memref<!tpu.dma_semaphore, #tpu.memory_space<semaphore_mem>>) {add = true}
      %dma_wait3A_557 = arith.constant 0 : i32
      %dma_wait3A_558 = tpu.memref_slice %arg8[%add3A_343, %dma_wait3A_557] : memref<320000x128xf32, #tpu.memory_space<hbm>> -> memref<80x128xf32, #tpu.memory_space<hbm>>
      %dma_wait3A_559 = arith.constant 0 : i32
      %dma_wait3A_560 = tpu.memref_slice %arg8[%add3A_343, %dma_wait3A_559] : memref<320000x128xf32, #tpu.memory_space<hbm>> -> memref<80x128xf32, #tpu.memory_space<hbm>>
      tpu.wait_dma2 semaphore(%arg47 : memref<!tpu.dma_semaphore, #tpu.memory_space<semaphore_mem>>) src(%arg20 : memref<80x128xf32, #tpu.memory_space<vmem>>) dst(%dma_wait3A_560 : memref<80x128xf32, #tpu.memory_space<hbm>>)
      %dma_wait3A_561 = arith.constant 0 : i32
      %dma_wait3A_562 = tpu.memref_slice %arg9[%add3A_343, %dma_wait3A_561] : memref<320000x128xf32, #tpu.memory_space<hbm>> -> memref<80x128xf32, #tpu.memory_space<hbm>>
      %dma_wait3A_563 = arith.constant 0 : i32
      %dma_wait3A_564 = tpu.memref_slice %arg9[%add3A_343, %dma_wait3A_563] : memref<320000x128xf32, #tpu.memory_space<hbm>> -> memref<80x128xf32, #tpu.memory_space<hbm>>
      tpu.wait_dma2 semaphore(%arg48 : memref<!tpu.dma_semaphore, #tpu.memory_space<semaphore_mem>>) src(%arg23 : memref<80x128xf32, #tpu.memory_space<vmem>>) dst(%dma_wait3A_564 : memref<80x128xf32, #tpu.memory_space<hbm>>)
      %dma_wait3A_565 = arith.constant 0 : i32
      %dma_wait3A_566 = arith.constant 0 : i32
      %dma_wait3A_567 = tpu.memref_slice %arg56[%dma_wait3A_565, %dma_wait3A_566] : memref<2500x128xf32, #tpu.memory_space<vmem_shared>> -> memref<2500x128xf32, #tpu.memory_space<vmem_shared>>
      tpu.wait_indirect_dma semaphore(%arg49 : memref<!tpu.dma_semaphore, #tpu.memory_space<semaphore_mem>>) src(%arg26 : memref<80x128xf32, #tpu.memory_space<vmem>>) dst(%dma_wait3A_567 : memref<2500x128xf32, #tpu.memory_space<vmem_shared>>)
      %dma_wait3A_568 = arith.constant 0 : i32
      %dma_wait3A_569 = tpu.memref_slice %arg8[%add3A_419, %dma_wait3A_568] : memref<320000x128xf32, #tpu.memory_space<hbm>> -> memref<80x128xf32, #tpu.memory_space<hbm>>
      %dma_wait3A_570 = arith.constant 0 : i32
      %dma_wait3A_571 = tpu.memref_slice %arg8[%add3A_419, %dma_wait3A_570] : memref<320000x128xf32, #tpu.memory_space<hbm>> -> memref<80x128xf32, #tpu.memory_space<hbm>>
      tpu.wait_dma2 semaphore(%arg50 : memref<!tpu.dma_semaphore, #tpu.memory_space<semaphore_mem>>) src(%arg21 : memref<80x128xf32, #tpu.memory_space<vmem>>) dst(%dma_wait3A_571 : memref<80x128xf32, #tpu.memory_space<hbm>>)
      %dma_wait3A_572 = arith.constant 0 : i32
      %dma_wait3A_573 = tpu.memref_slice %arg9[%add3A_419, %dma_wait3A_572] : memref<320000x128xf32, #tpu.memory_space<hbm>> -> memref<80x128xf32, #tpu.memory_space<hbm>>
      %dma_wait3A_574 = arith.constant 0 : i32
      %dma_wait3A_575 = tpu.memref_slice %arg9[%add3A_419, %dma_wait3A_574] : memref<320000x128xf32, #tpu.memory_space<hbm>> -> memref<80x128xf32, #tpu.memory_space<hbm>>
      tpu.wait_dma2 semaphore(%arg51 : memref<!tpu.dma_semaphore, #tpu.memory_space<semaphore_mem>>) src(%arg24 : memref<80x128xf32, #tpu.memory_space<vmem>>) dst(%dma_wait3A_575 : memref<80x128xf32, #tpu.memory_space<hbm>>)
      %dma_wait3A_576 = arith.constant 0 : i32
      %dma_wait3A_577 = arith.constant 0 : i32
      %dma_wait3A_578 = tpu.memref_slice %arg56[%dma_wait3A_576, %dma_wait3A_577] : memref<2500x128xf32, #tpu.memory_space<vmem_shared>> -> memref<2500x128xf32, #tpu.memory_space<vmem_shared>>
      tpu.wait_indirect_dma semaphore(%arg52 : memref<!tpu.dma_semaphore, #tpu.memory_space<semaphore_mem>>) src(%arg27 : memref<80x128xf32, #tpu.memory_space<vmem>>) dst(%dma_wait3A_578 : memref<2500x128xf32, #tpu.memory_space<vmem_shared>>)
      %dma_wait3A_579 = arith.constant 0 : i32
      %dma_wait3A_580 = tpu.memref_slice %arg8[%add3A_495, %dma_wait3A_579] : memref<320000x128xf32, #tpu.memory_space<hbm>> -> memref<80x128xf32, #tpu.memory_space<hbm>>
      %dma_wait3A_581 = arith.constant 0 : i32
      %dma_wait3A_582 = tpu.memref_slice %arg8[%add3A_495, %dma_wait3A_581] : memref<320000x128xf32, #tpu.memory_space<hbm>> -> memref<80x128xf32, #tpu.memory_space<hbm>>
      tpu.wait_dma2 semaphore(%arg53 : memref<!tpu.dma_semaphore, #tpu.memory_space<semaphore_mem>>) src(%arg22 : memref<80x128xf32, #tpu.memory_space<vmem>>) dst(%dma_wait3A_582 : memref<80x128xf32, #tpu.memory_space<hbm>>)
      %dma_wait3A_583 = arith.constant 0 : i32
      %dma_wait3A_584 = tpu.memref_slice %arg9[%add3A_495, %dma_wait3A_583] : memref<320000x128xf32, #tpu.memory_space<hbm>> -> memref<80x128xf32, #tpu.memory_space<hbm>>
      %dma_wait3A_585 = arith.constant 0 : i32
      %dma_wait3A_586 = tpu.memref_slice %arg9[%add3A_495, %dma_wait3A_585] : memref<320000x128xf32, #tpu.memory_space<hbm>> -> memref<80x128xf32, #tpu.memory_space<hbm>>
      tpu.wait_dma2 semaphore(%arg54 : memref<!tpu.dma_semaphore, #tpu.memory_space<semaphore_mem>>) src(%arg25 : memref<80x128xf32, #tpu.memory_space<vmem>>) dst(%dma_wait3A_586 : memref<80x128xf32, #tpu.memory_space<hbm>>)
      %dma_wait3A_587 = arith.constant 0 : i32
      %dma_wait3A_588 = arith.constant 0 : i32
      %dma_wait3A_589 = tpu.memref_slice %arg56[%dma_wait3A_587, %dma_wait3A_588] : memref<2500x128xf32, #tpu.memory_space<vmem_shared>> -> memref<2500x128xf32, #tpu.memory_space<vmem_shared>>
      tpu.wait_indirect_dma semaphore(%arg55 : memref<!tpu.dma_semaphore, #tpu.memory_space<semaphore_mem>>) src(%arg28 : memref<80x128xf32, #tpu.memory_space<vmem>>) dst(%dma_wait3A_589 : memref<2500x128xf32, #tpu.memory_space<vmem_shared>>)
    }
    %scan3A_6 = arith.constant 41 : i32
    %mul3A_7 = arith.constant 10000 : i32
    %mul3A_8 = arith.muli %add3A, %mul3A_7 : i32
    %add3A_9 = arith.constant 9840 : i32
    %add3A_10 = arith.addi %mul3A_8, %add3A_9 : i32
    %dma_start3A = tpu.memref_slice %arg2[%add3A_10] : memref<320000xi32, #tpu.memory_space<hbm>> -> memref<80xi32, #tpu.memory_space<hbm>>
    %dma_start3A_11 = tpu.memref_slice %arg2[%add3A_10] : memref<320000xi32, #tpu.memory_space<hbm>> -> memref<80xi32, #tpu.memory_space<hbm>>
    tpu.enqueue_dma source(%dma_start3A_11 : memref<80xi32, #tpu.memory_space<hbm>>) target(%arg11 : memref<80xi32, #tpu.memory_space<vmem>>) target_semaphore(%arg29 : memref<!tpu.dma_semaphore, #tpu.memory_space<semaphore_mem>>)
    %dma_start3A_12 = tpu.memref_slice %arg3[%add3A_10] : memref<320000xi32, #tpu.memory_space<hbm>> -> memref<80xi32, #tpu.memory_space<hbm>>
    %dma_start3A_13 = tpu.memref_slice %arg3[%add3A_10] : memref<320000xi32, #tpu.memory_space<hbm>> -> memref<80xi32, #tpu.memory_space<hbm>>
    tpu.enqueue_dma source(%dma_start3A_13 : memref<80xi32, #tpu.memory_space<hbm>>) target(%arg14 : memref<80xi32, #tpu.memory_space<vmem>>) target_semaphore(%arg30 : memref<!tpu.dma_semaphore, #tpu.memory_space<semaphore_mem>>)
    %dma_wait3A = tpu.memref_slice %arg2[%add3A_10] : memref<320000xi32, #tpu.memory_space<hbm>> -> memref<80xi32, #tpu.memory_space<hbm>>
    %dma_wait3A_14 = tpu.memref_slice %arg2[%add3A_10] : memref<320000xi32, #tpu.memory_space<hbm>> -> memref<80xi32, #tpu.memory_space<hbm>>
    tpu.wait_dma2 semaphore(%arg29 : memref<!tpu.dma_semaphore, #tpu.memory_space<semaphore_mem>>) src(%dma_wait3A_14 : memref<80xi32, #tpu.memory_space<hbm>>) dst(%arg11 : memref<80xi32, #tpu.memory_space<vmem>>)
    %dma_wait3A_15 = tpu.memref_slice %arg3[%add3A_10] : memref<320000xi32, #tpu.memory_space<hbm>> -> memref<80xi32, #tpu.memory_space<hbm>>
    %dma_wait3A_16 = tpu.memref_slice %arg3[%add3A_10] : memref<320000xi32, #tpu.memory_space<hbm>> -> memref<80xi32, #tpu.memory_space<hbm>>
    tpu.wait_dma2 semaphore(%arg30 : memref<!tpu.dma_semaphore, #tpu.memory_space<semaphore_mem>>) src(%dma_wait3A_16 : memref<80xi32, #tpu.memory_space<hbm>>) dst(%arg14 : memref<80xi32, #tpu.memory_space<vmem>>)
    %mul3A_17 = arith.constant 10000 : i32
    %mul3A_18 = arith.muli %add3A, %mul3A_17 : i32
    %add3A_19 = arith.constant 9840 : i32
    %add3A_20 = arith.addi %mul3A_18, %add3A_19 : i32
    %dma_start3A_21 = arith.constant 0 : i32
    %dma_start3A_22 = arith.constant 0 : i32
    %dma_start3A_23 = tpu.memref_slice %arg4[%dma_start3A_21, %dma_start3A_22] : memref<10000x128xf32, #tpu.memory_space<hbm>> -> memref<10000x128xf32, #tpu.memory_space<hbm>>
    tpu.enqueue_indirect_dma source(%dma_start3A_23 : memref<10000x128xf32, #tpu.memory_space<hbm>>) target(%arg20 : memref<80x128xf32, #tpu.memory_space<vmem>>) offsets(%arg11 : memref<80xi32, #tpu.memory_space<vmem>>) semaphore(%arg38 : memref<!tpu.dma_semaphore, #tpu.memory_space<semaphore_mem>>)
    %dma_start3A_24 = arith.constant 0 : i32
    %dma_start3A_25 = arith.constant 0 : i32
    %dma_start3A_26 = tpu.memref_slice %arg5[%dma_start3A_24, %dma_start3A_25] : memref<10000x128xf32, #tpu.memory_space<hbm>> -> memref<10000x128xf32, #tpu.memory_space<hbm>>
    tpu.enqueue_indirect_dma source(%dma_start3A_26 : memref<10000x128xf32, #tpu.memory_space<hbm>>) target(%arg23 : memref<80x128xf32, #tpu.memory_space<vmem>>) offsets(%arg14 : memref<80xi32, #tpu.memory_space<vmem>>) semaphore(%arg39 : memref<!tpu.dma_semaphore, #tpu.memory_space<semaphore_mem>>)
    %dma_start3A_27 = arith.constant 0 : i32
    %dma_start3A_28 = tpu.memref_slice %arg6[%add3A_20, %dma_start3A_27] : memref<320000x128xf32, #tpu.memory_space<hbm>> -> memref<80x128xf32, #tpu.memory_space<hbm>>
    %dma_start3A_29 = arith.constant 0 : i32
    %dma_start3A_30 = tpu.memref_slice %arg6[%add3A_20, %dma_start3A_29] : memref<320000x128xf32, #tpu.memory_space<hbm>> -> memref<80x128xf32, #tpu.memory_space<hbm>>
    tpu.enqueue_dma source(%dma_start3A_30 : memref<80x128xf32, #tpu.memory_space<hbm>>) target(%arg26 : memref<80x128xf32, #tpu.memory_space<vmem>>) target_semaphore(%arg40 : memref<!tpu.dma_semaphore, #tpu.memory_space<semaphore_mem>>)
    %dma_wait3A_31 = arith.constant 0 : i32
    %dma_wait3A_32 = arith.constant 0 : i32
    %dma_wait3A_33 = tpu.memref_slice %arg4[%dma_wait3A_31, %dma_wait3A_32] : memref<10000x128xf32, #tpu.memory_space<hbm>> -> memref<10000x128xf32, #tpu.memory_space<hbm>>
    tpu.wait_indirect_dma semaphore(%arg38 : memref<!tpu.dma_semaphore, #tpu.memory_space<semaphore_mem>>) src(%dma_wait3A_33 : memref<10000x128xf32, #tpu.memory_space<hbm>>) dst(%arg20 : memref<80x128xf32, #tpu.memory_space<vmem>>)
    %dma_wait3A_34 = arith.constant 0 : i32
    %dma_wait3A_35 = arith.constant 0 : i32
    %dma_wait3A_36 = tpu.memref_slice %arg5[%dma_wait3A_34, %dma_wait3A_35] : memref<10000x128xf32, #tpu.memory_space<hbm>> -> memref<10000x128xf32, #tpu.memory_space<hbm>>
    tpu.wait_indirect_dma semaphore(%arg39 : memref<!tpu.dma_semaphore, #tpu.memory_space<semaphore_mem>>) src(%dma_wait3A_36 : memref<10000x128xf32, #tpu.memory_space<hbm>>) dst(%arg23 : memref<80x128xf32, #tpu.memory_space<vmem>>)
    %dma_wait3A_37 = arith.constant 0 : i32
    %dma_wait3A_38 = tpu.memref_slice %arg6[%add3A_20, %dma_wait3A_37] : memref<320000x128xf32, #tpu.memory_space<hbm>> -> memref<80x128xf32, #tpu.memory_space<hbm>>
    %dma_wait3A_39 = arith.constant 0 : i32
    %dma_wait3A_40 = tpu.memref_slice %arg6[%add3A_20, %dma_wait3A_39] : memref<320000x128xf32, #tpu.memory_space<hbm>> -> memref<80x128xf32, #tpu.memory_space<hbm>>
    tpu.wait_dma2 semaphore(%arg40 : memref<!tpu.dma_semaphore, #tpu.memory_space<semaphore_mem>>) src(%dma_wait3A_40 : memref<80x128xf32, #tpu.memory_space<hbm>>) dst(%arg26 : memref<80x128xf32, #tpu.memory_space<vmem>>)
    %mul3A_41 = arith.constant 10000 : i32
    %mul3A_42 = arith.muli %add3A, %mul3A_41 : i32
    %add3A_43 = arith.constant 9840 : i32
    %add3A_44 = arith.addi %mul3A_42, %add3A_43 : i32
    %dma_start3A_45 = arith.constant 0 : i32
    %dma_start3A_46 = tpu.memref_slice %arg8[%add3A_44, %dma_start3A_45] : memref<320000x128xf32, #tpu.memory_space<hbm>> -> memref<80x128xf32, #tpu.memory_space<hbm>>
    %dma_start3A_47 = arith.constant 0 : i32
    %dma_start3A_48 = tpu.memref_slice %arg8[%add3A_44, %dma_start3A_47] : memref<320000x128xf32, #tpu.memory_space<hbm>> -> memref<80x128xf32, #tpu.memory_space<hbm>>
    tpu.enqueue_dma source(%arg20 : memref<80x128xf32, #tpu.memory_space<vmem>>) target(%dma_start3A_48 : memref<80x128xf32, #tpu.memory_space<hbm>>) target_semaphore(%arg47 : memref<!tpu.dma_semaphore, #tpu.memory_space<semaphore_mem>>)
    %dma_start3A_49 = arith.constant 0 : i32
    %dma_start3A_50 = tpu.memref_slice %arg9[%add3A_44, %dma_start3A_49] : memref<320000x128xf32, #tpu.memory_space<hbm>> -> memref<80x128xf32, #tpu.memory_space<hbm>>
    %dma_start3A_51 = arith.constant 0 : i32
    %dma_start3A_52 = tpu.memref_slice %arg9[%add3A_44, %dma_start3A_51] : memref<320000x128xf32, #tpu.memory_space<hbm>> -> memref<80x128xf32, #tpu.memory_space<hbm>>
    tpu.enqueue_dma source(%arg23 : memref<80x128xf32, #tpu.memory_space<vmem>>) target(%dma_start3A_52 : memref<80x128xf32, #tpu.memory_space<hbm>>) target_semaphore(%arg48 : memref<!tpu.dma_semaphore, #tpu.memory_space<semaphore_mem>>)
    %get3A = arith.constant 0 : index
    %get3A_53 = tpu.vector_load %arg14[%get3A] {strides = array<i32>} : memref<80xi32, #tpu.memory_space<vmem>>, vector<16xi32>,
    %get3A_54 = vector.shape_cast %get3A_53 : vector<16xi32> to vector<16xi32>
    %shift_right_arithmetic3A = arith.constant 2 : i32
    %shift_right_arithmetic3A_55 = vector.broadcast %shift_right_arithmetic3A : i32 to vector<16xi32>
    %shift_right_arithmetic3A_56 = arith.shrsi %get3A_54, %shift_right_arithmetic3A_55 : vector<16xi32>
    %swap3A = arith.constant 0 : index
    %swap3A_57 = tpu.vector_load %arg17[%swap3A] {strides = array<i32>} : memref<80xi32, #tpu.memory_space<vmem>>, vector<16xi32>,
    %swap3A_58 = vector.shape_cast %swap3A_57 : vector<16xi32> to vector<16xi32>
    %swap3A_59 = vector.shape_cast %shift_right_arithmetic3A_56 : vector<16xi32> to vector<16xi32>
    tpu.vector_store %arg17[%swap3A], %swap3A_59 {strides = array<i32>} : memref<80xi32, #tpu.memory_space<vmem>>, vector<16xi32>,
    %get3A_60 = arith.constant 16 : index
    %get3A_61 = tpu.vector_load %arg14[%get3A_60] {strides = array<i32>} : memref<80xi32, #tpu.memory_space<vmem>>, vector<16xi32>,
    %get3A_62 = vector.shape_cast %get3A_61 : vector<16xi32> to vector<16xi32>
    %shift_right_arithmetic3A_63 = arith.constant 2 : i32
    %shift_right_arithmetic3A_64 = vector.broadcast %shift_right_arithmetic3A_63 : i32 to vector<16xi32>
    %shift_right_arithmetic3A_65 = arith.shrsi %get3A_62, %shift_right_arithmetic3A_64 : vector<16xi32>
    %swap3A_66 = arith.constant 16 : index
    %swap3A_67 = tpu.vector_load %arg17[%swap3A_66] {strides = array<i32>} : memref<80xi32, #tpu.memory_space<vmem>>, vector<16xi32>,
    %swap3A_68 = vector.shape_cast %swap3A_67 : vector<16xi32> to vector<16xi32>
    %swap3A_69 = vector.shape_cast %shift_right_arithmetic3A_65 : vector<16xi32> to vector<16xi32>
    tpu.vector_store %arg17[%swap3A_66], %swap3A_69 {strides = array<i32>} : memref<80xi32, #tpu.memory_space<vmem>>, vector<16xi32>,
    %get3A_70 = arith.constant 32 : index
    %get3A_71 = tpu.vector_load %arg14[%get3A_70] {strides = array<i32>} : memref<80xi32, #tpu.memory_space<vmem>>, vector<16xi32>,
    %get3A_72 = vector.shape_cast %get3A_71 : vector<16xi32> to vector<16xi32>
    %shift_right_arithmetic3A_73 = arith.constant 2 : i32
    %shift_right_arithmetic3A_74 = vector.broadcast %shift_right_arithmetic3A_73 : i32 to vector<16xi32>
    %shift_right_arithmetic3A_75 = arith.shrsi %get3A_72, %shift_right_arithmetic3A_74 : vector<16xi32>
    %swap3A_76 = arith.constant 32 : index
    %swap3A_77 = tpu.vector_load %arg17[%swap3A_76] {strides = array<i32>} : memref<80xi32, #tpu.memory_space<vmem>>, vector<16xi32>,
    %swap3A_78 = vector.shape_cast %swap3A_77 : vector<16xi32> to vector<16xi32>
    %swap3A_79 = vector.shape_cast %shift_right_arithmetic3A_75 : vector<16xi32> to vector<16xi32>
    tpu.vector_store %arg17[%swap3A_76], %swap3A_79 {strides = array<i32>} : memref<80xi32, #tpu.memory_space<vmem>>, vector<16xi32>,
    %get3A_80 = arith.constant 48 : index
    %get3A_81 = tpu.vector_load %arg14[%get3A_80] {strides = array<i32>} : memref<80xi32, #tpu.memory_space<vmem>>, vector<16xi32>,
    %get3A_82 = vector.shape_cast %get3A_81 : vector<16xi32> to vector<16xi32>
    %shift_right_arithmetic3A_83 = arith.constant 2 : i32
    %shift_right_arithmetic3A_84 = vector.broadcast %shift_right_arithmetic3A_83 : i32 to vector<16xi32>
    %shift_right_arithmetic3A_85 = arith.shrsi %get3A_82, %shift_right_arithmetic3A_84 : vector<16xi32>
    %swap3A_86 = arith.constant 48 : index
    %swap3A_87 = tpu.vector_load %arg17[%swap3A_86] {strides = array<i32>} : memref<80xi32, #tpu.memory_space<vmem>>, vector<16xi32>,
    %swap3A_88 = vector.shape_cast %swap3A_87 : vector<16xi32> to vector<16xi32>
    %swap3A_89 = vector.shape_cast %shift_right_arithmetic3A_85 : vector<16xi32> to vector<16xi32>
    tpu.vector_store %arg17[%swap3A_86], %swap3A_89 {strides = array<i32>} : memref<80xi32, #tpu.memory_space<vmem>>, vector<16xi32>,
    %get3A_90 = arith.constant 64 : index
    %get3A_91 = tpu.vector_load %arg14[%get3A_90] {strides = array<i32>} : memref<80xi32, #tpu.memory_space<vmem>>, vector<16xi32>,
    %get3A_92 = vector.shape_cast %get3A_91 : vector<16xi32> to vector<16xi32>
    %shift_right_arithmetic3A_93 = arith.constant 2 : i32
    %shift_right_arithmetic3A_94 = vector.broadcast %shift_right_arithmetic3A_93 : i32 to vector<16xi32>
    %shift_right_arithmetic3A_95 = arith.shrsi %get3A_92, %shift_right_arithmetic3A_94 : vector<16xi32>
    %swap3A_96 = arith.constant 64 : index
    %swap3A_97 = tpu.vector_load %arg17[%swap3A_96] {strides = array<i32>} : memref<80xi32, #tpu.memory_space<vmem>>, vector<16xi32>,
    %swap3A_98 = vector.shape_cast %swap3A_97 : vector<16xi32> to vector<16xi32>
    %swap3A_99 = vector.shape_cast %shift_right_arithmetic3A_95 : vector<16xi32> to vector<16xi32>
    tpu.vector_store %arg17[%swap3A_96], %swap3A_99 {strides = array<i32>} : memref<80xi32, #tpu.memory_space<vmem>>, vector<16xi32>,
    %dma_start3A_100 = arith.constant 0 : i32
    %dma_start3A_101 = arith.constant 0 : i32
    %dma_start3A_102 = tpu.memref_slice %arg56[%dma_start3A_100, %dma_start3A_101] : memref<2500x128xf32, #tpu.memory_space<vmem_shared>> -> memref<2500x128xf32, #tpu.memory_space<vmem_shared>>
    tpu.enqueue_indirect_dma source(%arg26 : memref<80x128xf32, #tpu.memory_space<vmem>>) target(%dma_start3A_102 : memref<2500x128xf32, #tpu.memory_space<vmem_shared>>) offsets(%arg17 : memref<80xi32, #tpu.memory_space<vmem>>) semaphore(%arg49 : memref<!tpu.dma_semaphore, #tpu.memory_space<semaphore_mem>>) {add = true}
    %dma_wait3A_103 = arith.constant 0 : i32
    %dma_wait3A_104 = tpu.memref_slice %arg8[%add3A_44, %dma_wait3A_103] : memref<320000x128xf32, #tpu.memory_space<hbm>> -> memref<80x128xf32, #tpu.memory_space<hbm>>
    %dma_wait3A_105 = arith.constant 0 : i32
    %dma_wait3A_106 = tpu.memref_slice %arg8[%add3A_44, %dma_wait3A_105] : memref<320000x128xf32, #tpu.memory_space<hbm>> -> memref<80x128xf32, #tpu.memory_space<hbm>>
    tpu.wait_dma2 semaphore(%arg47 : memref<!tpu.dma_semaphore, #tpu.memory_space<semaphore_mem>>) src(%arg20 : memref<80x128xf32, #tpu.memory_space<vmem>>) dst(%dma_wait3A_106 : memref<80x128xf32, #tpu.memory_space<hbm>>)
    %dma_wait3A_107 = arith.constant 0 : i32
    %dma_wait3A_108 = tpu.memref_slice %arg9[%add3A_44, %dma_wait3A_107] : memref<320000x128xf32, #tpu.memory_space<hbm>> -> memref<80x128xf32, #tpu.memory_space<hbm>>
    %dma_wait3A_109 = arith.constant 0 : i32
    %dma_wait3A_110 = tpu.memref_slice %arg9[%add3A_44, %dma_wait3A_109] : memref<320000x128xf32, #tpu.memory_space<hbm>> -> memref<80x128xf32, #tpu.memory_space<hbm>>
    tpu.wait_dma2 semaphore(%arg48 : memref<!tpu.dma_semaphore, #tpu.memory_space<semaphore_mem>>) src(%arg23 : memref<80x128xf32, #tpu.memory_space<vmem>>) dst(%dma_wait3A_110 : memref<80x128xf32, #tpu.memory_space<hbm>>)
    %dma_wait3A_111 = arith.constant 0 : i32
    %dma_wait3A_112 = arith.constant 0 : i32
    %dma_wait3A_113 = tpu.memref_slice %arg56[%dma_wait3A_111, %dma_wait3A_112] : memref<2500x128xf32, #tpu.memory_space<vmem_shared>> -> memref<2500x128xf32, #tpu.memory_space<vmem_shared>>
    tpu.wait_indirect_dma semaphore(%arg49 : memref<!tpu.dma_semaphore, #tpu.memory_space<semaphore_mem>>) src(%arg26 : memref<80x128xf32, #tpu.memory_space<vmem>>) dst(%dma_wait3A_113 : memref<2500x128xf32, #tpu.memory_space<vmem_shared>>)
    %mul3A_114 = arith.constant 10000 : i32
    %mul3A_115 = arith.muli %add3A, %mul3A_114 : i32
    %add3A_116 = arith.constant 9920 : i32
    %add3A_117 = arith.addi %mul3A_115, %add3A_116 : i32
    %dma_start3A_118 = tpu.memref_slice %arg2[%add3A_117] : memref<320000xi32, #tpu.memory_space<hbm>> -> memref<80xi32, #tpu.memory_space<hbm>>
    %dma_start3A_119 = tpu.memref_slice %arg2[%add3A_117] : memref<320000xi32, #tpu.memory_space<hbm>> -> memref<80xi32, #tpu.memory_space<hbm>>
    tpu.enqueue_dma source(%dma_start3A_119 : memref<80xi32, #tpu.memory_space<hbm>>) target(%arg11 : memref<80xi32, #tpu.memory_space<vmem>>) target_semaphore(%arg29 : memref<!tpu.dma_semaphore, #tpu.memory_space<semaphore_mem>>)
    %dma_start3A_120 = tpu.memref_slice %arg3[%add3A_117] : memref<320000xi32, #tpu.memory_space<hbm>> -> memref<80xi32, #tpu.memory_space<hbm>>
    %dma_start3A_121 = tpu.memref_slice %arg3[%add3A_117] : memref<320000xi32, #tpu.memory_space<hbm>> -> memref<80xi32, #tpu.memory_space<hbm>>
    tpu.enqueue_dma source(%dma_start3A_121 : memref<80xi32, #tpu.memory_space<hbm>>) target(%arg14 : memref<80xi32, #tpu.memory_space<vmem>>) target_semaphore(%arg30 : memref<!tpu.dma_semaphore, #tpu.memory_space<semaphore_mem>>)
    %dma_wait3A_122 = tpu.memref_slice %arg2[%add3A_117] : memref<320000xi32, #tpu.memory_space<hbm>> -> memref<80xi32, #tpu.memory_space<hbm>>
    %dma_wait3A_123 = tpu.memref_slice %arg2[%add3A_117] : memref<320000xi32, #tpu.memory_space<hbm>> -> memref<80xi32, #tpu.memory_space<hbm>>
    tpu.wait_dma2 semaphore(%arg29 : memref<!tpu.dma_semaphore, #tpu.memory_space<semaphore_mem>>) src(%dma_wait3A_123 : memref<80xi32, #tpu.memory_space<hbm>>) dst(%arg11 : memref<80xi32, #tpu.memory_space<vmem>>)
    %dma_wait3A_124 = tpu.memref_slice %arg3[%add3A_117] : memref<320000xi32, #tpu.memory_space<hbm>> -> memref<80xi32, #tpu.memory_space<hbm>>
    %dma_wait3A_125 = tpu.memref_slice %arg3[%add3A_117] : memref<320000xi32, #tpu.memory_space<hbm>> -> memref<80xi32, #tpu.memory_space<hbm>>
    tpu.wait_dma2 semaphore(%arg30 : memref<!tpu.dma_semaphore, #tpu.memory_space<semaphore_mem>>) src(%dma_wait3A_125 : memref<80xi32, #tpu.memory_space<hbm>>) dst(%arg14 : memref<80xi32, #tpu.memory_space<vmem>>)
    %mul3A_126 = arith.constant 10000 : i32
    %mul3A_127 = arith.muli %add3A, %mul3A_126 : i32
    %add3A_128 = arith.constant 9920 : i32
    %add3A_129 = arith.addi %mul3A_127, %add3A_128 : i32
    %dma_start3A_130 = arith.constant 0 : i32
    %dma_start3A_131 = arith.constant 0 : i32
    %dma_start3A_132 = tpu.memref_slice %arg4[%dma_start3A_130, %dma_start3A_131] : memref<10000x128xf32, #tpu.memory_space<hbm>> -> memref<10000x128xf32, #tpu.memory_space<hbm>>
    tpu.enqueue_indirect_dma source(%dma_start3A_132 : memref<10000x128xf32, #tpu.memory_space<hbm>>) target(%arg20 : memref<80x128xf32, #tpu.memory_space<vmem>>) offsets(%arg11 : memref<80xi32, #tpu.memory_space<vmem>>) semaphore(%arg38 : memref<!tpu.dma_semaphore, #tpu.memory_space<semaphore_mem>>)
    %dma_start3A_133 = arith.constant 0 : i32
    %dma_start3A_134 = arith.constant 0 : i32
    %dma_start3A_135 = tpu.memref_slice %arg5[%dma_start3A_133, %dma_start3A_134] : memref<10000x128xf32, #tpu.memory_space<hbm>> -> memref<10000x128xf32, #tpu.memory_space<hbm>>
    tpu.enqueue_indirect_dma source(%dma_start3A_135 : memref<10000x128xf32, #tpu.memory_space<hbm>>) target(%arg23 : memref<80x128xf32, #tpu.memory_space<vmem>>) offsets(%arg14 : memref<80xi32, #tpu.memory_space<vmem>>) semaphore(%arg39 : memref<!tpu.dma_semaphore, #tpu.memory_space<semaphore_mem>>)
    %dma_start3A_136 = arith.constant 0 : i32
    %dma_start3A_137 = tpu.memref_slice %arg6[%add3A_129, %dma_start3A_136] : memref<320000x128xf32, #tpu.memory_space<hbm>> -> memref<80x128xf32, #tpu.memory_space<hbm>>
    %dma_start3A_138 = arith.constant 0 : i32
    %dma_start3A_139 = tpu.memref_slice %arg6[%add3A_129, %dma_start3A_138] : memref<320000x128xf32, #tpu.memory_space<hbm>> -> memref<80x128xf32, #tpu.memory_space<hbm>>
    tpu.enqueue_dma source(%dma_start3A_139 : memref<80x128xf32, #tpu.memory_space<hbm>>) target(%arg26 : memref<80x128xf32, #tpu.memory_space<vmem>>) target_semaphore(%arg40 : memref<!tpu.dma_semaphore, #tpu.memory_space<semaphore_mem>>)
    %dma_wait3A_140 = arith.constant 0 : i32
    %dma_wait3A_141 = arith.constant 0 : i32
    %dma_wait3A_142 = tpu.memref_slice %arg4[%dma_wait3A_140, %dma_wait3A_141] : memref<10000x128xf32, #tpu.memory_space<hbm>> -> memref<10000x128xf32, #tpu.memory_space<hbm>>
    tpu.wait_indirect_dma semaphore(%arg38 : memref<!tpu.dma_semaphore, #tpu.memory_space<semaphore_mem>>) src(%dma_wait3A_142 : memref<10000x128xf32, #tpu.memory_space<hbm>>) dst(%arg20 : memref<80x128xf32, #tpu.memory_space<vmem>>)
    %dma_wait3A_143 = arith.constant 0 : i32
    %dma_wait3A_144 = arith.constant 0 : i32
    %dma_wait3A_145 = tpu.memref_slice %arg5[%dma_wait3A_143, %dma_wait3A_144] : memref<10000x128xf32, #tpu.memory_space<hbm>> -> memref<10000x128xf32, #tpu.memory_space<hbm>>
    tpu.wait_indirect_dma semaphore(%arg39 : memref<!tpu.dma_semaphore, #tpu.memory_space<semaphore_mem>>) src(%dma_wait3A_145 : memref<10000x128xf32, #tpu.memory_space<hbm>>) dst(%arg23 : memref<80x128xf32, #tpu.memory_space<vmem>>)
    %dma_wait3A_146 = arith.constant 0 : i32
    %dma_wait3A_147 = tpu.memref_slice %arg6[%add3A_129, %dma_wait3A_146] : memref<320000x128xf32, #tpu.memory_space<hbm>> -> memref<80x128xf32, #tpu.memory_space<hbm>>
    %dma_wait3A_148 = arith.constant 0 : i32
    %dma_wait3A_149 = tpu.memref_slice %arg6[%add3A_129, %dma_wait3A_148] : memref<320000x128xf32, #tpu.memory_space<hbm>> -> memref<80x128xf32, #tpu.memory_space<hbm>>
    tpu.wait_dma2 semaphore(%arg40 : memref<!tpu.dma_semaphore, #tpu.memory_space<semaphore_mem>>) src(%dma_wait3A_149 : memref<80x128xf32, #tpu.memory_space<hbm>>) dst(%arg26 : memref<80x128xf32, #tpu.memory_space<vmem>>)
    %mul3A_150 = arith.constant 10000 : i32
    %mul3A_151 = arith.muli %add3A, %mul3A_150 : i32
    %add3A_152 = arith.constant 9920 : i32
    %add3A_153 = arith.addi %mul3A_151, %add3A_152 : i32
    %dma_start3A_154 = arith.constant 0 : i32
    %dma_start3A_155 = tpu.memref_slice %arg8[%add3A_153, %dma_start3A_154] : memref<320000x128xf32, #tpu.memory_space<hbm>> -> memref<80x128xf32, #tpu.memory_space<hbm>>
    %dma_start3A_156 = arith.constant 0 : i32
    %dma_start3A_157 = tpu.memref_slice %arg8[%add3A_153, %dma_start3A_156] : memref<320000x128xf32, #tpu.memory_space<hbm>> -> memref<80x128xf32, #tpu.memory_space<hbm>>
    tpu.enqueue_dma source(%arg20 : memref<80x128xf32, #tpu.memory_space<vmem>>) target(%dma_start3A_157 : memref<80x128xf32, #tpu.memory_space<hbm>>) target_semaphore(%arg47 : memref<!tpu.dma_semaphore, #tpu.memory_space<semaphore_mem>>)
    %dma_start3A_158 = arith.constant 0 : i32
    %dma_start3A_159 = tpu.memref_slice %arg9[%add3A_153, %dma_start3A_158] : memref<320000x128xf32, #tpu.memory_space<hbm>> -> memref<80x128xf32, #tpu.memory_space<hbm>>
    %dma_start3A_160 = arith.constant 0 : i32
    %dma_start3A_161 = tpu.memref_slice %arg9[%add3A_153, %dma_start3A_160] : memref<320000x128xf32, #tpu.memory_space<hbm>> -> memref<80x128xf32, #tpu.memory_space<hbm>>
    tpu.enqueue_dma source(%arg23 : memref<80x128xf32, #tpu.memory_space<vmem>>) target(%dma_start3A_161 : memref<80x128xf32, #tpu.memory_space<hbm>>) target_semaphore(%arg48 : memref<!tpu.dma_semaphore, #tpu.memory_space<semaphore_mem>>)
    %get3A_162 = arith.constant 0 : index
    %get3A_163 = tpu.vector_load %arg14[%get3A_162] {strides = array<i32>} : memref<80xi32, #tpu.memory_space<vmem>>, vector<16xi32>,
    %get3A_164 = vector.shape_cast %get3A_163 : vector<16xi32> to vector<16xi32>
    %shift_right_arithmetic3A_165 = arith.constant 2 : i32
    %shift_right_arithmetic3A_166 = vector.broadcast %shift_right_arithmetic3A_165 : i32 to vector<16xi32>
    %shift_right_arithmetic3A_167 = arith.shrsi %get3A_164, %shift_right_arithmetic3A_166 : vector<16xi32>
    %swap3A_168 = arith.constant 0 : index
    %swap3A_169 = tpu.vector_load %arg17[%swap3A_168] {strides = array<i32>} : memref<80xi32, #tpu.memory_space<vmem>>, vector<16xi32>,
    %swap3A_170 = vector.shape_cast %swap3A_169 : vector<16xi32> to vector<16xi32>
    %swap3A_171 = vector.shape_cast %shift_right_arithmetic3A_167 : vector<16xi32> to vector<16xi32>
    tpu.vector_store %arg17[%swap3A_168], %swap3A_171 {strides = array<i32>} : memref<80xi32, #tpu.memory_space<vmem>>, vector<16xi32>,
    %get3A_172 = arith.constant 16 : index
    %get3A_173 = tpu.vector_load %arg14[%get3A_172] {strides = array<i32>} : memref<80xi32, #tpu.memory_space<vmem>>, vector<16xi32>,
    %get3A_174 = vector.shape_cast %get3A_173 : vector<16xi32> to vector<16xi32>
    %shift_right_arithmetic3A_175 = arith.constant 2 : i32
    %shift_right_arithmetic3A_176 = vector.broadcast %shift_right_arithmetic3A_175 : i32 to vector<16xi32>
    %shift_right_arithmetic3A_177 = arith.shrsi %get3A_174, %shift_right_arithmetic3A_176 : vector<16xi32>
    %swap3A_178 = arith.constant 16 : index
    %swap3A_179 = tpu.vector_load %arg17[%swap3A_178] {strides = array<i32>} : memref<80xi32, #tpu.memory_space<vmem>>, vector<16xi32>,
    %swap3A_180 = vector.shape_cast %swap3A_179 : vector<16xi32> to vector<16xi32>
    %swap3A_181 = vector.shape_cast %shift_right_arithmetic3A_177 : vector<16xi32> to vector<16xi32>
    tpu.vector_store %arg17[%swap3A_178], %swap3A_181 {strides = array<i32>} : memref<80xi32, #tpu.memory_space<vmem>>, vector<16xi32>,
    %get3A_182 = arith.constant 32 : index
    %get3A_183 = tpu.vector_load %arg14[%get3A_182] {strides = array<i32>} : memref<80xi32, #tpu.memory_space<vmem>>, vector<16xi32>,
    %get3A_184 = vector.shape_cast %get3A_183 : vector<16xi32> to vector<16xi32>
    %shift_right_arithmetic3A_185 = arith.constant 2 : i32
    %shift_right_arithmetic3A_186 = vector.broadcast %shift_right_arithmetic3A_185 : i32 to vector<16xi32>
    %shift_right_arithmetic3A_187 = arith.shrsi %get3A_184, %shift_right_arithmetic3A_186 : vector<16xi32>
    %swap3A_188 = arith.constant 32 : index
    %swap3A_189 = tpu.vector_load %arg17[%swap3A_188] {strides = array<i32>} : memref<80xi32, #tpu.memory_space<vmem>>, vector<16xi32>,
    %swap3A_190 = vector.shape_cast %swap3A_189 : vector<16xi32> to vector<16xi32>
    %swap3A_191 = vector.shape_cast %shift_right_arithmetic3A_187 : vector<16xi32> to vector<16xi32>
    tpu.vector_store %arg17[%swap3A_188], %swap3A_191 {strides = array<i32>} : memref<80xi32, #tpu.memory_space<vmem>>, vector<16xi32>,
    %get3A_192 = arith.constant 48 : index
    %get3A_193 = tpu.vector_load %arg14[%get3A_192] {strides = array<i32>} : memref<80xi32, #tpu.memory_space<vmem>>, vector<16xi32>,
    %get3A_194 = vector.shape_cast %get3A_193 : vector<16xi32> to vector<16xi32>
    %shift_right_arithmetic3A_195 = arith.constant 2 : i32
    %shift_right_arithmetic3A_196 = vector.broadcast %shift_right_arithmetic3A_195 : i32 to vector<16xi32>
    %shift_right_arithmetic3A_197 = arith.shrsi %get3A_194, %shift_right_arithmetic3A_196 : vector<16xi32>
    %swap3A_198 = arith.constant 48 : index
    %swap3A_199 = tpu.vector_load %arg17[%swap3A_198] {strides = array<i32>} : memref<80xi32, #tpu.memory_space<vmem>>, vector<16xi32>,
    %swap3A_200 = vector.shape_cast %swap3A_199 : vector<16xi32> to vector<16xi32>
    %swap3A_201 = vector.shape_cast %shift_right_arithmetic3A_197 : vector<16xi32> to vector<16xi32>
    tpu.vector_store %arg17[%swap3A_198], %swap3A_201 {strides = array<i32>} : memref<80xi32, #tpu.memory_space<vmem>>, vector<16xi32>,
    %get3A_202 = arith.constant 64 : index
    %get3A_203 = tpu.vector_load %arg14[%get3A_202] {strides = array<i32>} : memref<80xi32, #tpu.memory_space<vmem>>, vector<16xi32>,
    %get3A_204 = vector.shape_cast %get3A_203 : vector<16xi32> to vector<16xi32>
    %shift_right_arithmetic3A_205 = arith.constant 2 : i32
    %shift_right_arithmetic3A_206 = vector.broadcast %shift_right_arithmetic3A_205 : i32 to vector<16xi32>
    %shift_right_arithmetic3A_207 = arith.shrsi %get3A_204, %shift_right_arithmetic3A_206 : vector<16xi32>
    %swap3A_208 = arith.constant 64 : index
    %swap3A_209 = tpu.vector_load %arg17[%swap3A_208] {strides = array<i32>} : memref<80xi32, #tpu.memory_space<vmem>>, vector<16xi32>,
    %swap3A_210 = vector.shape_cast %swap3A_209 : vector<16xi32> to vector<16xi32>
    %swap3A_211 = vector.shape_cast %shift_right_arithmetic3A_207 : vector<16xi32> to vector<16xi32>
    tpu.vector_store %arg17[%swap3A_208], %swap3A_211 {strides = array<i32>} : memref<80xi32, #tpu.memory_space<vmem>>, vector<16xi32>,
    %dma_start3A_212 = arith.constant 0 : i32
    %dma_start3A_213 = arith.constant 0 : i32
    %dma_start3A_214 = tpu.memref_slice %arg56[%dma_start3A_212, %dma_start3A_213] : memref<2500x128xf32, #tpu.memory_space<vmem_shared>> -> memref<2500x128xf32, #tpu.memory_space<vmem_shared>>
    tpu.enqueue_indirect_dma source(%arg26 : memref<80x128xf32, #tpu.memory_space<vmem>>) target(%dma_start3A_214 : memref<2500x128xf32, #tpu.memory_space<vmem_shared>>) offsets(%arg17 : memref<80xi32, #tpu.memory_space<vmem>>) semaphore(%arg49 : memref<!tpu.dma_semaphore, #tpu.memory_space<semaphore_mem>>) {add = true}
    %dma_wait3A_215 = arith.constant 0 : i32
    %dma_wait3A_216 = tpu.memref_slice %arg8[%add3A_153, %dma_wait3A_215] : memref<320000x128xf32, #tpu.memory_space<hbm>> -> memref<80x128xf32, #tpu.memory_space<hbm>>
    %dma_wait3A_217 = arith.constant 0 : i32
    %dma_wait3A_218 = tpu.memref_slice %arg8[%add3A_153, %dma_wait3A_217] : memref<320000x128xf32, #tpu.memory_space<hbm>> -> memref<80x128xf32, #tpu.memory_space<hbm>>
    tpu.wait_dma2 semaphore(%arg47 : memref<!tpu.dma_semaphore, #tpu.memory_space<semaphore_mem>>) src(%arg20 : memref<80x128xf32, #tpu.memory_space<vmem>>) dst(%dma_wait3A_218 : memref<80x128xf32, #tpu.memory_space<hbm>>)
    %dma_wait3A_219 = arith.constant 0 : i32
    %dma_wait3A_220 = tpu.memref_slice %arg9[%add3A_153, %dma_wait3A_219] : memref<320000x128xf32, #tpu.memory_space<hbm>> -> memref<80x128xf32, #tpu.memory_space<hbm>>
    %dma_wait3A_221 = arith.constant 0 : i32
    %dma_wait3A_222 = tpu.memref_slice %arg9[%add3A_153, %dma_wait3A_221] : memref<320000x128xf32, #tpu.memory_space<hbm>> -> memref<80x128xf32, #tpu.memory_space<hbm>>
    tpu.wait_dma2 semaphore(%arg48 : memref<!tpu.dma_semaphore, #tpu.memory_space<semaphore_mem>>) src(%arg23 : memref<80x128xf32, #tpu.memory_space<vmem>>) dst(%dma_wait3A_222 : memref<80x128xf32, #tpu.memory_space<hbm>>)
    %dma_wait3A_223 = arith.constant 0 : i32
    %dma_wait3A_224 = arith.constant 0 : i32
    %dma_wait3A_225 = tpu.memref_slice %arg56[%dma_wait3A_223, %dma_wait3A_224] : memref<2500x128xf32, #tpu.memory_space<vmem_shared>> -> memref<2500x128xf32, #tpu.memory_space<vmem_shared>>
    tpu.wait_indirect_dma semaphore(%arg49 : memref<!tpu.dma_semaphore, #tpu.memory_space<semaphore_mem>>) src(%arg26 : memref<80x128xf32, #tpu.memory_space<vmem>>) dst(%dma_wait3A_225 : memref<2500x128xf32, #tpu.memory_space<vmem_shared>>)
    %barrier3A_226 = arith.constant 0 : index
    tpu.barrier barrier_id(%barrier3A_226)
    %eq3A_227 = arith.constant 0 : i32
    %eq3A_228 = arith.cmpi eq, %arg1, %eq3A_227 : i32
    %convert_element_type3A_229 = arith.extui %eq3A_228 : i1 to i32
    %cond3A_230 = arith.constant 0 : i32
    %cond3A_231 = arith.cmpi ne, %convert_element_type3A_229, %cond3A_230 : i32
    scf.if %cond3A_231 {
      "tpu.region"() ({
        %run_scoped3A = tpu.sem_alloc : memref<!tpu.dma_semaphore, #tpu.memory_space<semaphore_mem>>
        %dma_start3A_232 = arith.constant 0 : i32
        %dma_start3A_233 = arith.constant 0 : i32
        %dma_start3A_234 = tpu.memref_slice %arg10[%arg0, %dma_start3A_232, %dma_start3A_233] : memref<2x2500x128xf32, #tpu.memory_space<hbm>> -> memref<1x2500x128xf32, #tpu.memory_space<hbm>>
        %dma_start3A_235 = tpu.memref_squeeze %dma_start3A_234 : memref<1x2500x128xf32, #tpu.memory_space<hbm>> -> memref<2500x128xf32, #tpu.memory_space<hbm>>
        tpu.enqueue_dma source(%arg56 : memref<2500x128xf32, #tpu.memory_space<vmem_shared>>) target(%dma_start3A_235 : memref<2500x128xf32, #tpu.memory_space<hbm>>) target_semaphore(%run_scoped3A : memref<!tpu.dma_semaphore, #tpu.memory_space<semaphore_mem>>)
        %dma_wait3A_236 = arith.constant 0 : i32
        %dma_wait3A_237 = arith.constant 0 : i32
        %dma_wait3A_238 = tpu.memref_slice %arg10[%arg0, %dma_wait3A_236, %dma_wait3A_237] : memref<2x2500x128xf32, #tpu.memory_space<hbm>> -> memref<1x2500x128xf32, #tpu.memory_space<hbm>>
        %dma_wait3A_239 = tpu.memref_squeeze %dma_wait3A_238 : memref<1x2500x128xf32, #tpu.memory_space<hbm>> -> memref<2500x128xf32, #tpu.memory_space<hbm>>
        tpu.wait_dma2 semaphore(%run_scoped3A : memref<!tpu.dma_semaphore, #tpu.memory_space<semaphore_mem>>) src(%arg56 : memref<2500x128xf32, #tpu.memory_space<vmem_shared>>) dst(%dma_wait3A_239 : memref<2500x128xf32, #tpu.memory_space<hbm>>)
        tpu.yield
      }) : () -> ()
    } else {
    }
    return
  }
}

#map = affine_map<(d0, d1) -> (0)>
#map1 = affine_map<(d0, d1) -> (0, 0)>
#map2 = affine_map<(d0, d1) -> (0, 0, 0)>
module attributes {stable_mosaic.version = 14 : i64} {
  func.func @_sc_scatter_body(%arg0: i32, %arg1: i32, %arg2: memref<320000xi32, #tpu.memory_space<hbm>>, %arg3: memref<320000x128xf32, #tpu.memory_space<hbm>>, %arg4: memref<320000x128xf32, #tpu.memory_space<hbm>>, %arg5: memref<10000x128xf32, #tpu.memory_space<hbm>>, %arg6: memref<625x128xf32, #tpu.memory_space<hbm>>, %arg7: memref<2x10000x128xf32, #tpu.memory_space<hbm>>, %arg8: memref<2x625x128xf32, #tpu.memory_space<hbm>>, %arg9: memref<80xi32, #tpu.memory_space<vmem>>, %arg10: memref<80xi32, #tpu.memory_space<vmem>>, %arg11: memref<80xi32, #tpu.memory_space<vmem>>, %arg12: memref<80xi32, #tpu.memory_space<vmem>>, %arg13: memref<80xi32, #tpu.memory_space<vmem>>, %arg14: memref<80xi32, #tpu.memory_space<vmem>>, %arg15: memref<80x128xf32, #tpu.memory_space<vmem>>, %arg16: memref<80x128xf32, #tpu.memory_space<vmem>>, %arg17: memref<80x128xf32, #tpu.memory_space<vmem>>, %arg18: memref<80x128xf32, #tpu.memory_space<vmem>>, %arg19: memref<!tpu.dma_semaphore, #tpu.memory_space<semaphore_mem>>, %arg20: memref<!tpu.dma_semaphore, #tpu.memory_space<semaphore_mem>>, %arg21: memref<!tpu.dma_semaphore, #tpu.memory_space<semaphore_mem>>, %arg22: memref<!tpu.dma_semaphore, #tpu.memory_space<semaphore_mem>>, %arg23: memref<!tpu.dma_semaphore, #tpu.memory_space<semaphore_mem>>, %arg24: memref<!tpu.dma_semaphore, #tpu.memory_space<semaphore_mem>>, %arg25: memref<!tpu.dma_semaphore, #tpu.memory_space<semaphore_mem>>, %arg26: memref<!tpu.dma_semaphore, #tpu.memory_space<semaphore_mem>>, %arg27: memref<!tpu.dma_semaphore, #tpu.memory_space<semaphore_mem>>, %arg28: memref<!tpu.dma_semaphore, #tpu.memory_space<semaphore_mem>>, %arg29: memref<10000x128xf32, #tpu.memory_space<vmem_shared>>, %arg30: memref<625x128xf32, #tpu.memory_space<vmem_shared>>) attributes {dimension_semantics = [#tpu.dimension_semantics<core_parallel>, #tpu.dimension_semantics<subcore_parallel>], iteration_bounds = array<i64: 2, 16>, scalar_prefetch = 0 : i64, scratch_operands = 22 : i64, tpu.core_type = #tpu.core_type<sc_vector_subcore>, window_params = [{transform_indices = #map}, {transform_indices = #map1}, {transform_indices = #map1}, {transform_indices = #map1}, {transform_indices = #map1}, {transform_indices = #map2}, {transform_indices = #map2}]} {
    %mul3A = arith.constant 2 : i32
    %mul3A_0 = arith.muli %arg1, %mul3A : i32
    %add3A = arith.addi %mul3A_0, %arg0 : i32
    %eq3A = arith.constant 0 : i32
    %eq3A_1 = arith.cmpi eq, %arg1, %eq3A : i32
    %convert_element_type3A = arith.extui %eq3A_1 : i1 to i32
    %cond3A = arith.constant 0 : i32
    %cond3A_2 = arith.cmpi ne, %convert_element_type3A, %cond3A : i32
    scf.if %cond3A_2 {
      "tpu.region"() ({
        %run_scoped3A = tpu.sem_alloc : memref<!tpu.dma_semaphore, #tpu.memory_space<semaphore_mem>>
        tpu.enqueue_dma source(%arg5 : memref<10000x128xf32, #tpu.memory_space<hbm>>) target(%arg29 : memref<10000x128xf32, #tpu.memory_space<vmem_shared>>) target_semaphore(%run_scoped3A : memref<!tpu.dma_semaphore, #tpu.memory_space<semaphore_mem>>)
        tpu.wait_dma2 semaphore(%run_scoped3A : memref<!tpu.dma_semaphore, #tpu.memory_space<semaphore_mem>>) src(%arg5 : memref<10000x128xf32, #tpu.memory_space<hbm>>) dst(%arg29 : memref<10000x128xf32, #tpu.memory_space<vmem_shared>>)
        tpu.yield
      }) : () -> ()
    } else {
    }
    %eq3A_3 = arith.constant 1 : i32
    %eq3A_4 = arith.cmpi eq, %arg1, %eq3A_3 : i32
    %convert_element_type3A_5 = arith.extui %eq3A_4 : i1 to i32
    %cond3A_6 = arith.constant 0 : i32
    %cond3A_7 = arith.cmpi ne, %convert_element_type3A_5, %cond3A_6 : i32
    scf.if %cond3A_7 {
      "tpu.region"() ({
        %run_scoped3A = tpu.sem_alloc : memref<!tpu.dma_semaphore, #tpu.memory_space<semaphore_mem>>
        tpu.enqueue_dma source(%arg6 : memref<625x128xf32, #tpu.memory_space<hbm>>) target(%arg30 : memref<625x128xf32, #tpu.memory_space<vmem_shared>>) target_semaphore(%run_scoped3A : memref<!tpu.dma_semaphore, #tpu.memory_space<semaphore_mem>>)
        tpu.wait_dma2 semaphore(%run_scoped3A : memref<!tpu.dma_semaphore, #tpu.memory_space<semaphore_mem>>) src(%arg6 : memref<625x128xf32, #tpu.memory_space<hbm>>) dst(%arg30 : memref<625x128xf32, #tpu.memory_space<vmem_shared>>)
        tpu.yield
      }) : () -> ()
    } else {
    }
    %barrier3A = arith.constant 0 : index
    tpu.barrier barrier_id(%barrier3A)
    %scan3A = arith.constant 0 : i32
    %scan3A_8 = arith.constant 62 : i32
    %scan3A_9 = arith.addi %scan3A, %scan3A_8 : i32
    %scan3A_10 = arith.constant 1 : i32
    scf.for %scan3A_103 = %scan3A to %scan3A_9 step %scan3A_10  : i32 {
      %mul3A_104 = arith.constant 2 : i32
      %mul3A_105 = arith.muli %mul3A_104, %scan3A_103 : i32
      %add3A_106 = arith.constant 0 : i32
      %add3A_107 = arith.addi %mul3A_105, %add3A_106 : i32
      %mul3A_108 = arith.constant 2 : i32
      %mul3A_109 = arith.muli %mul3A_108, %scan3A_103 : i32
      %add3A_110 = arith.constant 1 : i32
      %add3A_111 = arith.addi %mul3A_109, %add3A_110 : i32
      %mul3A_112 = arith.constant 10000 : i32
      %mul3A_113 = arith.muli %add3A, %mul3A_112 : i32
      %mul3A_114 = arith.constant 80 : i32
      %mul3A_115 = arith.muli %add3A_107, %mul3A_114 : i32
      %add3A_116 = arith.addi %mul3A_113, %mul3A_115 : i32
      %dma_start3A_117 = tpu.memref_slice %arg2[%add3A_116] : memref<320000xi32, #tpu.memory_space<hbm>> -> memref<80xi32, #tpu.memory_space<hbm>>
      %dma_start3A_118 = tpu.memref_slice %arg2[%add3A_116] : memref<320000xi32, #tpu.memory_space<hbm>> -> memref<80xi32, #tpu.memory_space<hbm>>
      tpu.enqueue_dma source(%dma_start3A_118 : memref<80xi32, #tpu.memory_space<hbm>>) target(%arg9 : memref<80xi32, #tpu.memory_space<vmem>>) target_semaphore(%arg19 : memref<!tpu.dma_semaphore, #tpu.memory_space<semaphore_mem>>)
      %dma_start3A_119 = arith.constant 0 : i32
      %dma_start3A_120 = tpu.memref_slice %arg3[%add3A_116, %dma_start3A_119] : memref<320000x128xf32, #tpu.memory_space<hbm>> -> memref<80x128xf32, #tpu.memory_space<hbm>>
      %dma_start3A_121 = arith.constant 0 : i32
      %dma_start3A_122 = tpu.memref_slice %arg3[%add3A_116, %dma_start3A_121] : memref<320000x128xf32, #tpu.memory_space<hbm>> -> memref<80x128xf32, #tpu.memory_space<hbm>>
      tpu.enqueue_dma source(%dma_start3A_122 : memref<80x128xf32, #tpu.memory_space<hbm>>) target(%arg15 : memref<80x128xf32, #tpu.memory_space<vmem>>) target_semaphore(%arg20 : memref<!tpu.dma_semaphore, #tpu.memory_space<semaphore_mem>>)
      %dma_start3A_123 = arith.constant 0 : i32
      %dma_start3A_124 = tpu.memref_slice %arg4[%add3A_116, %dma_start3A_123] : memref<320000x128xf32, #tpu.memory_space<hbm>> -> memref<80x128xf32, #tpu.memory_space<hbm>>
      %dma_start3A_125 = arith.constant 0 : i32
      %dma_start3A_126 = tpu.memref_slice %arg4[%add3A_116, %dma_start3A_125] : memref<320000x128xf32, #tpu.memory_space<hbm>> -> memref<80x128xf32, #tpu.memory_space<hbm>>
      tpu.enqueue_dma source(%dma_start3A_126 : memref<80x128xf32, #tpu.memory_space<hbm>>) target(%arg17 : memref<80x128xf32, #tpu.memory_space<vmem>>) target_semaphore(%arg21 : memref<!tpu.dma_semaphore, #tpu.memory_space<semaphore_mem>>)
      %mul3A_127 = arith.constant 10000 : i32
      %mul3A_128 = arith.muli %add3A, %mul3A_127 : i32
      %mul3A_129 = arith.constant 80 : i32
      %mul3A_130 = arith.muli %add3A_111, %mul3A_129 : i32
      %add3A_131 = arith.addi %mul3A_128, %mul3A_130 : i32
      %dma_start3A_132 = tpu.memref_slice %arg2[%add3A_131] : memref<320000xi32, #tpu.memory_space<hbm>> -> memref<80xi32, #tpu.memory_space<hbm>>
      %dma_start3A_133 = tpu.memref_slice %arg2[%add3A_131] : memref<320000xi32, #tpu.memory_space<hbm>> -> memref<80xi32, #tpu.memory_space<hbm>>
      tpu.enqueue_dma source(%dma_start3A_133 : memref<80xi32, #tpu.memory_space<hbm>>) target(%arg10 : memref<80xi32, #tpu.memory_space<vmem>>) target_semaphore(%arg22 : memref<!tpu.dma_semaphore, #tpu.memory_space<semaphore_mem>>)
      %dma_start3A_134 = arith.constant 0 : i32
      %dma_start3A_135 = tpu.memref_slice %arg3[%add3A_131, %dma_start3A_134] : memref<320000x128xf32, #tpu.memory_space<hbm>> -> memref<80x128xf32, #tpu.memory_space<hbm>>
      %dma_start3A_136 = arith.constant 0 : i32
      %dma_start3A_137 = tpu.memref_slice %arg3[%add3A_131, %dma_start3A_136] : memref<320000x128xf32, #tpu.memory_space<hbm>> -> memref<80x128xf32, #tpu.memory_space<hbm>>
      tpu.enqueue_dma source(%dma_start3A_137 : memref<80x128xf32, #tpu.memory_space<hbm>>) target(%arg16 : memref<80x128xf32, #tpu.memory_space<vmem>>) target_semaphore(%arg23 : memref<!tpu.dma_semaphore, #tpu.memory_space<semaphore_mem>>)
      %dma_start3A_138 = arith.constant 0 : i32
      %dma_start3A_139 = tpu.memref_slice %arg4[%add3A_131, %dma_start3A_138] : memref<320000x128xf32, #tpu.memory_space<hbm>> -> memref<80x128xf32, #tpu.memory_space<hbm>>
      %dma_start3A_140 = arith.constant 0 : i32
      %dma_start3A_141 = tpu.memref_slice %arg4[%add3A_131, %dma_start3A_140] : memref<320000x128xf32, #tpu.memory_space<hbm>> -> memref<80x128xf32, #tpu.memory_space<hbm>>
      tpu.enqueue_dma source(%dma_start3A_141 : memref<80x128xf32, #tpu.memory_space<hbm>>) target(%arg18 : memref<80x128xf32, #tpu.memory_space<vmem>>) target_semaphore(%arg24 : memref<!tpu.dma_semaphore, #tpu.memory_space<semaphore_mem>>)
      %dma_wait3A_142 = tpu.memref_slice %arg2[%add3A_116] : memref<320000xi32, #tpu.memory_space<hbm>> -> memref<80xi32, #tpu.memory_space<hbm>>
      %dma_wait3A_143 = tpu.memref_slice %arg2[%add3A_116] : memref<320000xi32, #tpu.memory_space<hbm>> -> memref<80xi32, #tpu.memory_space<hbm>>
      tpu.wait_dma2 semaphore(%arg19 : memref<!tpu.dma_semaphore, #tpu.memory_space<semaphore_mem>>) src(%dma_wait3A_143 : memref<80xi32, #tpu.memory_space<hbm>>) dst(%arg9 : memref<80xi32, #tpu.memory_space<vmem>>)
      %dma_wait3A_144 = arith.constant 0 : i32
      %dma_wait3A_145 = tpu.memref_slice %arg3[%add3A_116, %dma_wait3A_144] : memref<320000x128xf32, #tpu.memory_space<hbm>> -> memref<80x128xf32, #tpu.memory_space<hbm>>
      %dma_wait3A_146 = arith.constant 0 : i32
      %dma_wait3A_147 = tpu.memref_slice %arg3[%add3A_116, %dma_wait3A_146] : memref<320000x128xf32, #tpu.memory_space<hbm>> -> memref<80x128xf32, #tpu.memory_space<hbm>>
      tpu.wait_dma2 semaphore(%arg20 : memref<!tpu.dma_semaphore, #tpu.memory_space<semaphore_mem>>) src(%dma_wait3A_147 : memref<80x128xf32, #tpu.memory_space<hbm>>) dst(%arg15 : memref<80x128xf32, #tpu.memory_space<vmem>>)
      %dma_wait3A_148 = arith.constant 0 : i32
      %dma_wait3A_149 = tpu.memref_slice %arg4[%add3A_116, %dma_wait3A_148] : memref<320000x128xf32, #tpu.memory_space<hbm>> -> memref<80x128xf32, #tpu.memory_space<hbm>>
      %dma_wait3A_150 = arith.constant 0 : i32
      %dma_wait3A_151 = tpu.memref_slice %arg4[%add3A_116, %dma_wait3A_150] : memref<320000x128xf32, #tpu.memory_space<hbm>> -> memref<80x128xf32, #tpu.memory_space<hbm>>
      tpu.wait_dma2 semaphore(%arg21 : memref<!tpu.dma_semaphore, #tpu.memory_space<semaphore_mem>>) src(%dma_wait3A_151 : memref<80x128xf32, #tpu.memory_space<hbm>>) dst(%arg17 : memref<80x128xf32, #tpu.memory_space<vmem>>)
      %get3A_152 = arith.constant 0 : index
      %get3A_153 = tpu.vector_load %arg9[%get3A_152] {strides = array<i32>} : memref<80xi32, #tpu.memory_space<vmem>>, vector<16xi32>,
      %get3A_154 = vector.shape_cast %get3A_153 : vector<16xi32> to vector<16xi32>
      %shift_right_arithmetic3A_155 = arith.constant 4 : i32
      %shift_right_arithmetic3A_156 = vector.broadcast %shift_right_arithmetic3A_155 : i32 to vector<16xi32>
      %shift_right_arithmetic3A_157 = arith.shrsi %get3A_154, %shift_right_arithmetic3A_156 : vector<16xi32>
      %swap3A_158 = arith.constant 0 : index
      %swap3A_159 = tpu.vector_load %arg13[%swap3A_158] {strides = array<i32>} : memref<80xi32, #tpu.memory_space<vmem>>, vector<16xi32>,
      %swap3A_160 = vector.shape_cast %swap3A_159 : vector<16xi32> to vector<16xi32>
      %swap3A_161 = vector.shape_cast %shift_right_arithmetic3A_157 : vector<16xi32> to vector<16xi32>
      tpu.vector_store %arg13[%swap3A_158], %swap3A_161 {strides = array<i32>} : memref<80xi32, #tpu.memory_space<vmem>>, vector<16xi32>,
      %get3A_162 = arith.constant 16 : index
      %get3A_163 = tpu.vector_load %arg9[%get3A_162] {strides = array<i32>} : memref<80xi32, #tpu.memory_space<vmem>>, vector<16xi32>,
      %get3A_164 = vector.shape_cast %get3A_163 : vector<16xi32> to vector<16xi32>
      %shift_right_arithmetic3A_165 = arith.constant 4 : i32
      %shift_right_arithmetic3A_166 = vector.broadcast %shift_right_arithmetic3A_165 : i32 to vector<16xi32>
      %shift_right_arithmetic3A_167 = arith.shrsi %get3A_164, %shift_right_arithmetic3A_166 : vector<16xi32>
      %swap3A_168 = arith.constant 16 : index
      %swap3A_169 = tpu.vector_load %arg13[%swap3A_168] {strides = array<i32>} : memref<80xi32, #tpu.memory_space<vmem>>, vector<16xi32>,
      %swap3A_170 = vector.shape_cast %swap3A_169 : vector<16xi32> to vector<16xi32>
      %swap3A_171 = vector.shape_cast %shift_right_arithmetic3A_167 : vector<16xi32> to vector<16xi32>
      tpu.vector_store %arg13[%swap3A_168], %swap3A_171 {strides = array<i32>} : memref<80xi32, #tpu.memory_space<vmem>>, vector<16xi32>,
      %get3A_172 = arith.constant 32 : index
      %get3A_173 = tpu.vector_load %arg9[%get3A_172] {strides = array<i32>} : memref<80xi32, #tpu.memory_space<vmem>>, vector<16xi32>,
      %get3A_174 = vector.shape_cast %get3A_173 : vector<16xi32> to vector<16xi32>
      %shift_right_arithmetic3A_175 = arith.constant 4 : i32
      %shift_right_arithmetic3A_176 = vector.broadcast %shift_right_arithmetic3A_175 : i32 to vector<16xi32>
      %shift_right_arithmetic3A_177 = arith.shrsi %get3A_174, %shift_right_arithmetic3A_176 : vector<16xi32>
      %swap3A_178 = arith.constant 32 : index
      %swap3A_179 = tpu.vector_load %arg13[%swap3A_178] {strides = array<i32>} : memref<80xi32, #tpu.memory_space<vmem>>, vector<16xi32>,
      %swap3A_180 = vector.shape_cast %swap3A_179 : vector<16xi32> to vector<16xi32>
      %swap3A_181 = vector.shape_cast %shift_right_arithmetic3A_177 : vector<16xi32> to vector<16xi32>
      tpu.vector_store %arg13[%swap3A_178], %swap3A_181 {strides = array<i32>} : memref<80xi32, #tpu.memory_space<vmem>>, vector<16xi32>,
      %get3A_182 = arith.constant 48 : index
      %get3A_183 = tpu.vector_load %arg9[%get3A_182] {strides = array<i32>} : memref<80xi32, #tpu.memory_space<vmem>>, vector<16xi32>,
      %get3A_184 = vector.shape_cast %get3A_183 : vector<16xi32> to vector<16xi32>
      %shift_right_arithmetic3A_185 = arith.constant 4 : i32
      %shift_right_arithmetic3A_186 = vector.broadcast %shift_right_arithmetic3A_185 : i32 to vector<16xi32>
      %shift_right_arithmetic3A_187 = arith.shrsi %get3A_184, %shift_right_arithmetic3A_186 : vector<16xi32>
      %swap3A_188 = arith.constant 48 : index
      %swap3A_189 = tpu.vector_load %arg13[%swap3A_188] {strides = array<i32>} : memref<80xi32, #tpu.memory_space<vmem>>, vector<16xi32>,
      %swap3A_190 = vector.shape_cast %swap3A_189 : vector<16xi32> to vector<16xi32>
      %swap3A_191 = vector.shape_cast %shift_right_arithmetic3A_187 : vector<16xi32> to vector<16xi32>
      tpu.vector_store %arg13[%swap3A_188], %swap3A_191 {strides = array<i32>} : memref<80xi32, #tpu.memory_space<vmem>>, vector<16xi32>,
      %get3A_192 = arith.constant 64 : index
      %get3A_193 = tpu.vector_load %arg9[%get3A_192] {strides = array<i32>} : memref<80xi32, #tpu.memory_space<vmem>>, vector<16xi32>,
      %get3A_194 = vector.shape_cast %get3A_193 : vector<16xi32> to vector<16xi32>
      %shift_right_arithmetic3A_195 = arith.constant 4 : i32
      %shift_right_arithmetic3A_196 = vector.broadcast %shift_right_arithmetic3A_195 : i32 to vector<16xi32>
      %shift_right_arithmetic3A_197 = arith.shrsi %get3A_194, %shift_right_arithmetic3A_196 : vector<16xi32>
      %swap3A_198 = arith.constant 64 : index
      %swap3A_199 = tpu.vector_load %arg13[%swap3A_198] {strides = array<i32>} : memref<80xi32, #tpu.memory_space<vmem>>, vector<16xi32>,
      %swap3A_200 = vector.shape_cast %swap3A_199 : vector<16xi32> to vector<16xi32>
      %swap3A_201 = vector.shape_cast %shift_right_arithmetic3A_197 : vector<16xi32> to vector<16xi32>
      tpu.vector_store %arg13[%swap3A_198], %swap3A_201 {strides = array<i32>} : memref<80xi32, #tpu.memory_space<vmem>>, vector<16xi32>,
      %dma_start3A_202 = arith.constant 0 : i32
      %dma_start3A_203 = arith.constant 0 : i32
      %dma_start3A_204 = tpu.memref_slice %arg29[%dma_start3A_202, %dma_start3A_203] : memref<10000x128xf32, #tpu.memory_space<vmem_shared>> -> memref<10000x128xf32, #tpu.memory_space<vmem_shared>>
      tpu.enqueue_indirect_dma source(%arg15 : memref<80x128xf32, #tpu.memory_space<vmem>>) target(%dma_start3A_204 : memref<10000x128xf32, #tpu.memory_space<vmem_shared>>) offsets(%arg9 : memref<80xi32, #tpu.memory_space<vmem>>) semaphore(%arg25 : memref<!tpu.dma_semaphore, #tpu.memory_space<semaphore_mem>>) {add = true}
      %dma_start3A_205 = arith.constant 0 : i32
      %dma_start3A_206 = arith.constant 0 : i32
      %dma_start3A_207 = tpu.memref_slice %arg30[%dma_start3A_205, %dma_start3A_206] : memref<625x128xf32, #tpu.memory_space<vmem_shared>> -> memref<625x128xf32, #tpu.memory_space<vmem_shared>>
      tpu.enqueue_indirect_dma source(%arg17 : memref<80x128xf32, #tpu.memory_space<vmem>>) target(%dma_start3A_207 : memref<625x128xf32, #tpu.memory_space<vmem_shared>>) offsets(%arg13 : memref<80xi32, #tpu.memory_space<vmem>>) semaphore(%arg26 : memref<!tpu.dma_semaphore, #tpu.memory_space<semaphore_mem>>) {add = true}
      %dma_wait3A_208 = tpu.memref_slice %arg2[%add3A_131] : memref<320000xi32, #tpu.memory_space<hbm>> -> memref<80xi32, #tpu.memory_space<hbm>>
      %dma_wait3A_209 = tpu.memref_slice %arg2[%add3A_131] : memref<320000xi32, #tpu.memory_space<hbm>> -> memref<80xi32, #tpu.memory_space<hbm>>
      tpu.wait_dma2 semaphore(%arg22 : memref<!tpu.dma_semaphore, #tpu.memory_space<semaphore_mem>>) src(%dma_wait3A_209 : memref<80xi32, #tpu.memory_space<hbm>>) dst(%arg10 : memref<80xi32, #tpu.memory_space<vmem>>)
      %dma_wait3A_210 = arith.constant 0 : i32
      %dma_wait3A_211 = tpu.memref_slice %arg3[%add3A_131, %dma_wait3A_210] : memref<320000x128xf32, #tpu.memory_space<hbm>> -> memref<80x128xf32, #tpu.memory_space<hbm>>
      %dma_wait3A_212 = arith.constant 0 : i32
      %dma_wait3A_213 = tpu.memref_slice %arg3[%add3A_131, %dma_wait3A_212] : memref<320000x128xf32, #tpu.memory_space<hbm>> -> memref<80x128xf32, #tpu.memory_space<hbm>>
      tpu.wait_dma2 semaphore(%arg23 : memref<!tpu.dma_semaphore, #tpu.memory_space<semaphore_mem>>) src(%dma_wait3A_213 : memref<80x128xf32, #tpu.memory_space<hbm>>) dst(%arg16 : memref<80x128xf32, #tpu.memory_space<vmem>>)
      %dma_wait3A_214 = arith.constant 0 : i32
      %dma_wait3A_215 = tpu.memref_slice %arg4[%add3A_131, %dma_wait3A_214] : memref<320000x128xf32, #tpu.memory_space<hbm>> -> memref<80x128xf32, #tpu.memory_space<hbm>>
      %dma_wait3A_216 = arith.constant 0 : i32
      %dma_wait3A_217 = tpu.memref_slice %arg4[%add3A_131, %dma_wait3A_216] : memref<320000x128xf32, #tpu.memory_space<hbm>> -> memref<80x128xf32, #tpu.memory_space<hbm>>
      tpu.wait_dma2 semaphore(%arg24 : memref<!tpu.dma_semaphore, #tpu.memory_space<semaphore_mem>>) src(%dma_wait3A_217 : memref<80x128xf32, #tpu.memory_space<hbm>>) dst(%arg18 : memref<80x128xf32, #tpu.memory_space<vmem>>)
      %get3A_218 = arith.constant 0 : index
      %get3A_219 = tpu.vector_load %arg10[%get3A_218] {strides = array<i32>} : memref<80xi32, #tpu.memory_space<vmem>>, vector<16xi32>,
      %get3A_220 = vector.shape_cast %get3A_219 : vector<16xi32> to vector<16xi32>
      %shift_right_arithmetic3A_221 = arith.constant 4 : i32
      %shift_right_arithmetic3A_222 = vector.broadcast %shift_right_arithmetic3A_221 : i32 to vector<16xi32>
      %shift_right_arithmetic3A_223 = arith.shrsi %get3A_220, %shift_right_arithmetic3A_222 : vector<16xi32>
      %swap3A_224 = arith.constant 0 : index
      %swap3A_225 = tpu.vector_load %arg14[%swap3A_224] {strides = array<i32>} : memref<80xi32, #tpu.memory_space<vmem>>, vector<16xi32>,
      %swap3A_226 = vector.shape_cast %swap3A_225 : vector<16xi32> to vector<16xi32>
      %swap3A_227 = vector.shape_cast %shift_right_arithmetic3A_223 : vector<16xi32> to vector<16xi32>
      tpu.vector_store %arg14[%swap3A_224], %swap3A_227 {strides = array<i32>} : memref<80xi32, #tpu.memory_space<vmem>>, vector<16xi32>,
      %get3A_228 = arith.constant 16 : index
      %get3A_229 = tpu.vector_load %arg10[%get3A_228] {strides = array<i32>} : memref<80xi32, #tpu.memory_space<vmem>>, vector<16xi32>,
      %get3A_230 = vector.shape_cast %get3A_229 : vector<16xi32> to vector<16xi32>
      %shift_right_arithmetic3A_231 = arith.constant 4 : i32
      %shift_right_arithmetic3A_232 = vector.broadcast %shift_right_arithmetic3A_231 : i32 to vector<16xi32>
      %shift_right_arithmetic3A_233 = arith.shrsi %get3A_230, %shift_right_arithmetic3A_232 : vector<16xi32>
      %swap3A_234 = arith.constant 16 : index
      %swap3A_235 = tpu.vector_load %arg14[%swap3A_234] {strides = array<i32>} : memref<80xi32, #tpu.memory_space<vmem>>, vector<16xi32>,
      %swap3A_236 = vector.shape_cast %swap3A_235 : vector<16xi32> to vector<16xi32>
      %swap3A_237 = vector.shape_cast %shift_right_arithmetic3A_233 : vector<16xi32> to vector<16xi32>
      tpu.vector_store %arg14[%swap3A_234], %swap3A_237 {strides = array<i32>} : memref<80xi32, #tpu.memory_space<vmem>>, vector<16xi32>,
      %get3A_238 = arith.constant 32 : index
      %get3A_239 = tpu.vector_load %arg10[%get3A_238] {strides = array<i32>} : memref<80xi32, #tpu.memory_space<vmem>>, vector<16xi32>,
      %get3A_240 = vector.shape_cast %get3A_239 : vector<16xi32> to vector<16xi32>
      %shift_right_arithmetic3A_241 = arith.constant 4 : i32
      %shift_right_arithmetic3A_242 = vector.broadcast %shift_right_arithmetic3A_241 : i32 to vector<16xi32>
      %shift_right_arithmetic3A_243 = arith.shrsi %get3A_240, %shift_right_arithmetic3A_242 : vector<16xi32>
      %swap3A_244 = arith.constant 32 : index
      %swap3A_245 = tpu.vector_load %arg14[%swap3A_244] {strides = array<i32>} : memref<80xi32, #tpu.memory_space<vmem>>, vector<16xi32>,
      %swap3A_246 = vector.shape_cast %swap3A_245 : vector<16xi32> to vector<16xi32>
      %swap3A_247 = vector.shape_cast %shift_right_arithmetic3A_243 : vector<16xi32> to vector<16xi32>
      tpu.vector_store %arg14[%swap3A_244], %swap3A_247 {strides = array<i32>} : memref<80xi32, #tpu.memory_space<vmem>>, vector<16xi32>,
      %get3A_248 = arith.constant 48 : index
      %get3A_249 = tpu.vector_load %arg10[%get3A_248] {strides = array<i32>} : memref<80xi32, #tpu.memory_space<vmem>>, vector<16xi32>,
      %get3A_250 = vector.shape_cast %get3A_249 : vector<16xi32> to vector<16xi32>
      %shift_right_arithmetic3A_251 = arith.constant 4 : i32
      %shift_right_arithmetic3A_252 = vector.broadcast %shift_right_arithmetic3A_251 : i32 to vector<16xi32>
      %shift_right_arithmetic3A_253 = arith.shrsi %get3A_250, %shift_right_arithmetic3A_252 : vector<16xi32>
      %swap3A_254 = arith.constant 48 : index
      %swap3A_255 = tpu.vector_load %arg14[%swap3A_254] {strides = array<i32>} : memref<80xi32, #tpu.memory_space<vmem>>, vector<16xi32>,
      %swap3A_256 = vector.shape_cast %swap3A_255 : vector<16xi32> to vector<16xi32>
      %swap3A_257 = vector.shape_cast %shift_right_arithmetic3A_253 : vector<16xi32> to vector<16xi32>
      tpu.vector_store %arg14[%swap3A_254], %swap3A_257 {strides = array<i32>} : memref<80xi32, #tpu.memory_space<vmem>>, vector<16xi32>,
      %get3A_258 = arith.constant 64 : index
      %get3A_259 = tpu.vector_load %arg10[%get3A_258] {strides = array<i32>} : memref<80xi32, #tpu.memory_space<vmem>>, vector<16xi32>,
      %get3A_260 = vector.shape_cast %get3A_259 : vector<16xi32> to vector<16xi32>
      %shift_right_arithmetic3A_261 = arith.constant 4 : i32
      %shift_right_arithmetic3A_262 = vector.broadcast %shift_right_arithmetic3A_261 : i32 to vector<16xi32>
      %shift_right_arithmetic3A_263 = arith.shrsi %get3A_260, %shift_right_arithmetic3A_262 : vector<16xi32>
      %swap3A_264 = arith.constant 64 : index
      %swap3A_265 = tpu.vector_load %arg14[%swap3A_264] {strides = array<i32>} : memref<80xi32, #tpu.memory_space<vmem>>, vector<16xi32>,
      %swap3A_266 = vector.shape_cast %swap3A_265 : vector<16xi32> to vector<16xi32>
      %swap3A_267 = vector.shape_cast %shift_right_arithmetic3A_263 : vector<16xi32> to vector<16xi32>
      tpu.vector_store %arg14[%swap3A_264], %swap3A_267 {strides = array<i32>} : memref<80xi32, #tpu.memory_space<vmem>>, vector<16xi32>,
      %dma_start3A_268 = arith.constant 0 : i32
      %dma_start3A_269 = arith.constant 0 : i32
      %dma_start3A_270 = tpu.memref_slice %arg29[%dma_start3A_268, %dma_start3A_269] : memref<10000x128xf32, #tpu.memory_space<vmem_shared>> -> memref<10000x128xf32, #tpu.memory_space<vmem_shared>>
      tpu.enqueue_indirect_dma source(%arg16 : memref<80x128xf32, #tpu.memory_space<vmem>>) target(%dma_start3A_270 : memref<10000x128xf32, #tpu.memory_space<vmem_shared>>) offsets(%arg10 : memref<80xi32, #tpu.memory_space<vmem>>) semaphore(%arg27 : memref<!tpu.dma_semaphore, #tpu.memory_space<semaphore_mem>>) {add = true}
      %dma_start3A_271 = arith.constant 0 : i32
      %dma_start3A_272 = arith.constant 0 : i32
      %dma_start3A_273 = tpu.memref_slice %arg30[%dma_start3A_271, %dma_start3A_272] : memref<625x128xf32, #tpu.memory_space<vmem_shared>> -> memref<625x128xf32, #tpu.memory_space<vmem_shared>>
      tpu.enqueue_indirect_dma source(%arg18 : memref<80x128xf32, #tpu.memory_space<vmem>>) target(%dma_start3A_273 : memref<625x128xf32, #tpu.memory_space<vmem_shared>>) offsets(%arg14 : memref<80xi32, #tpu.memory_space<vmem>>) semaphore(%arg28 : memref<!tpu.dma_semaphore, #tpu.memory_space<semaphore_mem>>) {add = true}
      %dma_wait3A_274 = arith.constant 0 : i32
      %dma_wait3A_275 = arith.constant 0 : i32
      %dma_wait3A_276 = tpu.memref_slice %arg29[%dma_wait3A_274, %dma_wait3A_275] : memref<10000x128xf32, #tpu.memory_space<vmem_shared>> -> memref<10000x128xf32, #tpu.memory_space<vmem_shared>>
      tpu.wait_indirect_dma semaphore(%arg25 : memref<!tpu.dma_semaphore, #tpu.memory_space<semaphore_mem>>) src(%arg15 : memref<80x128xf32, #tpu.memory_space<vmem>>) dst(%dma_wait3A_276 : memref<10000x128xf32, #tpu.memory_space<vmem_shared>>)
      %dma_wait3A_277 = arith.constant 0 : i32
      %dma_wait3A_278 = arith.constant 0 : i32
      %dma_wait3A_279 = tpu.memref_slice %arg30[%dma_wait3A_277, %dma_wait3A_278] : memref<625x128xf32, #tpu.memory_space<vmem_shared>> -> memref<625x128xf32, #tpu.memory_space<vmem_shared>>
      tpu.wait_indirect_dma semaphore(%arg26 : memref<!tpu.dma_semaphore, #tpu.memory_space<semaphore_mem>>) src(%arg17 : memref<80x128xf32, #tpu.memory_space<vmem>>) dst(%dma_wait3A_279 : memref<625x128xf32, #tpu.memory_space<vmem_shared>>)
      %dma_wait3A_280 = arith.constant 0 : i32
      %dma_wait3A_281 = arith.constant 0 : i32
      %dma_wait3A_282 = tpu.memref_slice %arg29[%dma_wait3A_280, %dma_wait3A_281] : memref<10000x128xf32, #tpu.memory_space<vmem_shared>> -> memref<10000x128xf32, #tpu.memory_space<vmem_shared>>
      tpu.wait_indirect_dma semaphore(%arg27 : memref<!tpu.dma_semaphore, #tpu.memory_space<semaphore_mem>>) src(%arg16 : memref<80x128xf32, #tpu.memory_space<vmem>>) dst(%dma_wait3A_282 : memref<10000x128xf32, #tpu.memory_space<vmem_shared>>)
      %dma_wait3A_283 = arith.constant 0 : i32
      %dma_wait3A_284 = arith.constant 0 : i32
      %dma_wait3A_285 = tpu.memref_slice %arg30[%dma_wait3A_283, %dma_wait3A_284] : memref<625x128xf32, #tpu.memory_space<vmem_shared>> -> memref<625x128xf32, #tpu.memory_space<vmem_shared>>
      tpu.wait_indirect_dma semaphore(%arg28 : memref<!tpu.dma_semaphore, #tpu.memory_space<semaphore_mem>>) src(%arg18 : memref<80x128xf32, #tpu.memory_space<vmem>>) dst(%dma_wait3A_285 : memref<625x128xf32, #tpu.memory_space<vmem_shared>>)
    }
    %scan3A_11 = arith.constant 62 : i32
    %mul3A_12 = arith.constant 10000 : i32
    %mul3A_13 = arith.muli %add3A, %mul3A_12 : i32
    %add3A_14 = arith.constant 9920 : i32
    %add3A_15 = arith.addi %mul3A_13, %add3A_14 : i32
    %dma_start3A = tpu.memref_slice %arg2[%add3A_15] : memref<320000xi32, #tpu.memory_space<hbm>> -> memref<80xi32, #tpu.memory_space<hbm>>
    %dma_start3A_16 = tpu.memref_slice %arg2[%add3A_15] : memref<320000xi32, #tpu.memory_space<hbm>> -> memref<80xi32, #tpu.memory_space<hbm>>
    tpu.enqueue_dma source(%dma_start3A_16 : memref<80xi32, #tpu.memory_space<hbm>>) target(%arg9 : memref<80xi32, #tpu.memory_space<vmem>>) target_semaphore(%arg19 : memref<!tpu.dma_semaphore, #tpu.memory_space<semaphore_mem>>)
    %dma_start3A_17 = arith.constant 0 : i32
    %dma_start3A_18 = tpu.memref_slice %arg3[%add3A_15, %dma_start3A_17] : memref<320000x128xf32, #tpu.memory_space<hbm>> -> memref<80x128xf32, #tpu.memory_space<hbm>>
    %dma_start3A_19 = arith.constant 0 : i32
    %dma_start3A_20 = tpu.memref_slice %arg3[%add3A_15, %dma_start3A_19] : memref<320000x128xf32, #tpu.memory_space<hbm>> -> memref<80x128xf32, #tpu.memory_space<hbm>>
    tpu.enqueue_dma source(%dma_start3A_20 : memref<80x128xf32, #tpu.memory_space<hbm>>) target(%arg15 : memref<80x128xf32, #tpu.memory_space<vmem>>) target_semaphore(%arg20 : memref<!tpu.dma_semaphore, #tpu.memory_space<semaphore_mem>>)
    %dma_start3A_21 = arith.constant 0 : i32
    %dma_start3A_22 = tpu.memref_slice %arg4[%add3A_15, %dma_start3A_21] : memref<320000x128xf32, #tpu.memory_space<hbm>> -> memref<80x128xf32, #tpu.memory_space<hbm>>
    %dma_start3A_23 = arith.constant 0 : i32
    %dma_start3A_24 = tpu.memref_slice %arg4[%add3A_15, %dma_start3A_23] : memref<320000x128xf32, #tpu.memory_space<hbm>> -> memref<80x128xf32, #tpu.memory_space<hbm>>
    tpu.enqueue_dma source(%dma_start3A_24 : memref<80x128xf32, #tpu.memory_space<hbm>>) target(%arg17 : memref<80x128xf32, #tpu.memory_space<vmem>>) target_semaphore(%arg21 : memref<!tpu.dma_semaphore, #tpu.memory_space<semaphore_mem>>)
    %dma_wait3A = tpu.memref_slice %arg2[%add3A_15] : memref<320000xi32, #tpu.memory_space<hbm>> -> memref<80xi32, #tpu.memory_space<hbm>>
    %dma_wait3A_25 = tpu.memref_slice %arg2[%add3A_15] : memref<320000xi32, #tpu.memory_space<hbm>> -> memref<80xi32, #tpu.memory_space<hbm>>
    tpu.wait_dma2 semaphore(%arg19 : memref<!tpu.dma_semaphore, #tpu.memory_space<semaphore_mem>>) src(%dma_wait3A_25 : memref<80xi32, #tpu.memory_space<hbm>>) dst(%arg9 : memref<80xi32, #tpu.memory_space<vmem>>)
    %dma_wait3A_26 = arith.constant 0 : i32
    %dma_wait3A_27 = tpu.memref_slice %arg3[%add3A_15, %dma_wait3A_26] : memref<320000x128xf32, #tpu.memory_space<hbm>> -> memref<80x128xf32, #tpu.memory_space<hbm>>
    %dma_wait3A_28 = arith.constant 0 : i32
    %dma_wait3A_29 = tpu.memref_slice %arg3[%add3A_15, %dma_wait3A_28] : memref<320000x128xf32, #tpu.memory_space<hbm>> -> memref<80x128xf32, #tpu.memory_space<hbm>>
    tpu.wait_dma2 semaphore(%arg20 : memref<!tpu.dma_semaphore, #tpu.memory_space<semaphore_mem>>) src(%dma_wait3A_29 : memref<80x128xf32, #tpu.memory_space<hbm>>) dst(%arg15 : memref<80x128xf32, #tpu.memory_space<vmem>>)
    %dma_wait3A_30 = arith.constant 0 : i32
    %dma_wait3A_31 = tpu.memref_slice %arg4[%add3A_15, %dma_wait3A_30] : memref<320000x128xf32, #tpu.memory_space<hbm>> -> memref<80x128xf32, #tpu.memory_space<hbm>>
    %dma_wait3A_32 = arith.constant 0 : i32
    %dma_wait3A_33 = tpu.memref_slice %arg4[%add3A_15, %dma_wait3A_32] : memref<320000x128xf32, #tpu.memory_space<hbm>> -> memref<80x128xf32, #tpu.memory_space<hbm>>
    tpu.wait_dma2 semaphore(%arg21 : memref<!tpu.dma_semaphore, #tpu.memory_space<semaphore_mem>>) src(%dma_wait3A_33 : memref<80x128xf32, #tpu.memory_space<hbm>>) dst(%arg17 : memref<80x128xf32, #tpu.memory_space<vmem>>)
    %get3A = arith.constant 0 : index
    %get3A_34 = tpu.vector_load %arg9[%get3A] {strides = array<i32>} : memref<80xi32, #tpu.memory_space<vmem>>, vector<16xi32>,
    %get3A_35 = vector.shape_cast %get3A_34 : vector<16xi32> to vector<16xi32>
    %shift_right_arithmetic3A = arith.constant 4 : i32
    %shift_right_arithmetic3A_36 = vector.broadcast %shift_right_arithmetic3A : i32 to vector<16xi32>
    %shift_right_arithmetic3A_37 = arith.shrsi %get3A_35, %shift_right_arithmetic3A_36 : vector<16xi32>
    %swap3A = arith.constant 0 : index
    %swap3A_38 = tpu.vector_load %arg13[%swap3A] {strides = array<i32>} : memref<80xi32, #tpu.memory_space<vmem>>, vector<16xi32>,
    %swap3A_39 = vector.shape_cast %swap3A_38 : vector<16xi32> to vector<16xi32>
    %swap3A_40 = vector.shape_cast %shift_right_arithmetic3A_37 : vector<16xi32> to vector<16xi32>
    tpu.vector_store %arg13[%swap3A], %swap3A_40 {strides = array<i32>} : memref<80xi32, #tpu.memory_space<vmem>>, vector<16xi32>,
    %get3A_41 = arith.constant 16 : index
    %get3A_42 = tpu.vector_load %arg9[%get3A_41] {strides = array<i32>} : memref<80xi32, #tpu.memory_space<vmem>>, vector<16xi32>,
    %get3A_43 = vector.shape_cast %get3A_42 : vector<16xi32> to vector<16xi32>
    %shift_right_arithmetic3A_44 = arith.constant 4 : i32
    %shift_right_arithmetic3A_45 = vector.broadcast %shift_right_arithmetic3A_44 : i32 to vector<16xi32>
    %shift_right_arithmetic3A_46 = arith.shrsi %get3A_43, %shift_right_arithmetic3A_45 : vector<16xi32>
    %swap3A_47 = arith.constant 16 : index
    %swap3A_48 = tpu.vector_load %arg13[%swap3A_47] {strides = array<i32>} : memref<80xi32, #tpu.memory_space<vmem>>, vector<16xi32>,
    %swap3A_49 = vector.shape_cast %swap3A_48 : vector<16xi32> to vector<16xi32>
    %swap3A_50 = vector.shape_cast %shift_right_arithmetic3A_46 : vector<16xi32> to vector<16xi32>
    tpu.vector_store %arg13[%swap3A_47], %swap3A_50 {strides = array<i32>} : memref<80xi32, #tpu.memory_space<vmem>>, vector<16xi32>,
    %get3A_51 = arith.constant 32 : index
    %get3A_52 = tpu.vector_load %arg9[%get3A_51] {strides = array<i32>} : memref<80xi32, #tpu.memory_space<vmem>>, vector<16xi32>,
    %get3A_53 = vector.shape_cast %get3A_52 : vector<16xi32> to vector<16xi32>
    %shift_right_arithmetic3A_54 = arith.constant 4 : i32
    %shift_right_arithmetic3A_55 = vector.broadcast %shift_right_arithmetic3A_54 : i32 to vector<16xi32>
    %shift_right_arithmetic3A_56 = arith.shrsi %get3A_53, %shift_right_arithmetic3A_55 : vector<16xi32>
    %swap3A_57 = arith.constant 32 : index
    %swap3A_58 = tpu.vector_load %arg13[%swap3A_57] {strides = array<i32>} : memref<80xi32, #tpu.memory_space<vmem>>, vector<16xi32>,
    %swap3A_59 = vector.shape_cast %swap3A_58 : vector<16xi32> to vector<16xi32>
    %swap3A_60 = vector.shape_cast %shift_right_arithmetic3A_56 : vector<16xi32> to vector<16xi32>
    tpu.vector_store %arg13[%swap3A_57], %swap3A_60 {strides = array<i32>} : memref<80xi32, #tpu.memory_space<vmem>>, vector<16xi32>,
    %get3A_61 = arith.constant 48 : index
    %get3A_62 = tpu.vector_load %arg9[%get3A_61] {strides = array<i32>} : memref<80xi32, #tpu.memory_space<vmem>>, vector<16xi32>,
    %get3A_63 = vector.shape_cast %get3A_62 : vector<16xi32> to vector<16xi32>
    %shift_right_arithmetic3A_64 = arith.constant 4 : i32
    %shift_right_arithmetic3A_65 = vector.broadcast %shift_right_arithmetic3A_64 : i32 to vector<16xi32>
    %shift_right_arithmetic3A_66 = arith.shrsi %get3A_63, %shift_right_arithmetic3A_65 : vector<16xi32>
    %swap3A_67 = arith.constant 48 : index
    %swap3A_68 = tpu.vector_load %arg13[%swap3A_67] {strides = array<i32>} : memref<80xi32, #tpu.memory_space<vmem>>, vector<16xi32>,
    %swap3A_69 = vector.shape_cast %swap3A_68 : vector<16xi32> to vector<16xi32>
    %swap3A_70 = vector.shape_cast %shift_right_arithmetic3A_66 : vector<16xi32> to vector<16xi32>
    tpu.vector_store %arg13[%swap3A_67], %swap3A_70 {strides = array<i32>} : memref<80xi32, #tpu.memory_space<vmem>>, vector<16xi32>,
    %get3A_71 = arith.constant 64 : index
    %get3A_72 = tpu.vector_load %arg9[%get3A_71] {strides = array<i32>} : memref<80xi32, #tpu.memory_space<vmem>>, vector<16xi32>,
    %get3A_73 = vector.shape_cast %get3A_72 : vector<16xi32> to vector<16xi32>
    %shift_right_arithmetic3A_74 = arith.constant 4 : i32
    %shift_right_arithmetic3A_75 = vector.broadcast %shift_right_arithmetic3A_74 : i32 to vector<16xi32>
    %shift_right_arithmetic3A_76 = arith.shrsi %get3A_73, %shift_right_arithmetic3A_75 : vector<16xi32>
    %swap3A_77 = arith.constant 64 : index
    %swap3A_78 = tpu.vector_load %arg13[%swap3A_77] {strides = array<i32>} : memref<80xi32, #tpu.memory_space<vmem>>, vector<16xi32>,
    %swap3A_79 = vector.shape_cast %swap3A_78 : vector<16xi32> to vector<16xi32>
    %swap3A_80 = vector.shape_cast %shift_right_arithmetic3A_76 : vector<16xi32> to vector<16xi32>
    tpu.vector_store %arg13[%swap3A_77], %swap3A_80 {strides = array<i32>} : memref<80xi32, #tpu.memory_space<vmem>>, vector<16xi32>,
    %dma_start3A_81 = arith.constant 0 : i32
    %dma_start3A_82 = arith.constant 0 : i32
    %dma_start3A_83 = tpu.memref_slice %arg29[%dma_start3A_81, %dma_start3A_82] : memref<10000x128xf32, #tpu.memory_space<vmem_shared>> -> memref<10000x128xf32, #tpu.memory_space<vmem_shared>>
    tpu.enqueue_indirect_dma source(%arg15 : memref<80x128xf32, #tpu.memory_space<vmem>>) target(%dma_start3A_83 : memref<10000x128xf32, #tpu.memory_space<vmem_shared>>) offsets(%arg9 : memref<80xi32, #tpu.memory_space<vmem>>) semaphore(%arg25 : memref<!tpu.dma_semaphore, #tpu.memory_space<semaphore_mem>>) {add = true}
    %dma_start3A_84 = arith.constant 0 : i32
    %dma_start3A_85 = arith.constant 0 : i32
    %dma_start3A_86 = tpu.memref_slice %arg30[%dma_start3A_84, %dma_start3A_85] : memref<625x128xf32, #tpu.memory_space<vmem_shared>> -> memref<625x128xf32, #tpu.memory_space<vmem_shared>>
    tpu.enqueue_indirect_dma source(%arg17 : memref<80x128xf32, #tpu.memory_space<vmem>>) target(%dma_start3A_86 : memref<625x128xf32, #tpu.memory_space<vmem_shared>>) offsets(%arg13 : memref<80xi32, #tpu.memory_space<vmem>>) semaphore(%arg26 : memref<!tpu.dma_semaphore, #tpu.memory_space<semaphore_mem>>) {add = true}
    %dma_wait3A_87 = arith.constant 0 : i32
    %dma_wait3A_88 = arith.constant 0 : i32
    %dma_wait3A_89 = tpu.memref_slice %arg29[%dma_wait3A_87, %dma_wait3A_88] : memref<10000x128xf32, #tpu.memory_space<vmem_shared>> -> memref<10000x128xf32, #tpu.memory_space<vmem_shared>>
    tpu.wait_indirect_dma semaphore(%arg25 : memref<!tpu.dma_semaphore, #tpu.memory_space<semaphore_mem>>) src(%arg15 : memref<80x128xf32, #tpu.memory_space<vmem>>) dst(%dma_wait3A_89 : memref<10000x128xf32, #tpu.memory_space<vmem_shared>>)
    %dma_wait3A_90 = arith.constant 0 : i32
    %dma_wait3A_91 = arith.constant 0 : i32
    %dma_wait3A_92 = tpu.memref_slice %arg30[%dma_wait3A_90, %dma_wait3A_91] : memref<625x128xf32, #tpu.memory_space<vmem_shared>> -> memref<625x128xf32, #tpu.memory_space<vmem_shared>>
    tpu.wait_indirect_dma semaphore(%arg26 : memref<!tpu.dma_semaphore, #tpu.memory_space<semaphore_mem>>) src(%arg17 : memref<80x128xf32, #tpu.memory_space<vmem>>) dst(%dma_wait3A_92 : memref<625x128xf32, #tpu.memory_space<vmem_shared>>)
    %barrier3A_93 = arith.constant 0 : index
    tpu.barrier barrier_id(%barrier3A_93)
    %lt3A = arith.constant 10 : i32
    %lt3A_94 = arith.cmpi slt, %arg1, %lt3A : i32
    %convert_element_type3A_95 = arith.extui %lt3A_94 : i1 to i32
    %cond3A_96 = arith.constant 0 : i32
    %cond3A_97 = arith.cmpi ne, %convert_element_type3A_95, %cond3A_96 : i32
    scf.if %cond3A_97 {
      %mul3A_103 = arith.constant 1000 : i32
      %mul3A_104 = arith.muli %arg1, %mul3A_103 : i32
      "tpu.region"() ({
        %run_scoped3A = tpu.sem_alloc : memref<!tpu.dma_semaphore, #tpu.memory_space<semaphore_mem>>
        %dma_start3A_105 = arith.constant 0 : i32
        %dma_start3A_106 = tpu.memref_slice %arg7[%arg0, %mul3A_104, %dma_start3A_105] : memref<2x10000x128xf32, #tpu.memory_space<hbm>> -> memref<1x1000x128xf32, #tpu.memory_space<hbm>>
        %dma_start3A_107 = tpu.memref_squeeze %dma_start3A_106 : memref<1x1000x128xf32, #tpu.memory_space<hbm>> -> memref<1000x128xf32, #tpu.memory_space<hbm>>
        %dma_start3A_108 = arith.constant 0 : i32
        %dma_start3A_109 = tpu.memref_slice %arg29[%mul3A_104, %dma_start3A_108] : memref<10000x128xf32, #tpu.memory_space<vmem_shared>> -> memref<1000x128xf32, #tpu.memory_space<vmem_shared>>
        tpu.enqueue_dma source(%dma_start3A_109 : memref<1000x128xf32, #tpu.memory_space<vmem_shared>>) target(%dma_start3A_107 : memref<1000x128xf32, #tpu.memory_space<hbm>>) target_semaphore(%run_scoped3A : memref<!tpu.dma_semaphore, #tpu.memory_space<semaphore_mem>>)
        %dma_wait3A_110 = arith.constant 0 : i32
        %dma_wait3A_111 = tpu.memref_slice %arg7[%arg0, %mul3A_104, %dma_wait3A_110] : memref<2x10000x128xf32, #tpu.memory_space<hbm>> -> memref<1x1000x128xf32, #tpu.memory_space<hbm>>
        %dma_wait3A_112 = tpu.memref_squeeze %dma_wait3A_111 : memref<1x1000x128xf32, #tpu.memory_space<hbm>> -> memref<1000x128xf32, #tpu.memory_space<hbm>>
        %dma_wait3A_113 = arith.constant 0 : i32
        %dma_wait3A_114 = tpu.memref_slice %arg29[%mul3A_104, %dma_wait3A_113] : memref<10000x128xf32, #tpu.memory_space<vmem_shared>> -> memref<1000x128xf32, #tpu.memory_space<vmem_shared>>
        tpu.wait_dma2 semaphore(%run_scoped3A : memref<!tpu.dma_semaphore, #tpu.memory_space<semaphore_mem>>) src(%dma_wait3A_114 : memref<1000x128xf32, #tpu.memory_space<vmem_shared>>) dst(%dma_wait3A_112 : memref<1000x128xf32, #tpu.memory_space<hbm>>)
        tpu.yield
      }) : () -> ()
    } else {
    }
    %eq3A_98 = arith.constant 10 : i32
    %eq3A_99 = arith.cmpi eq, %arg1, %eq3A_98 : i32
    %convert_element_type3A_100 = arith.extui %eq3A_99 : i1 to i32
    %cond3A_101 = arith.constant 0 : i32
    %cond3A_102 = arith.cmpi ne, %convert_element_type3A_100, %cond3A_101 : i32
    scf.if %cond3A_102 {
      "tpu.region"() ({
        %run_scoped3A = tpu.sem_alloc : memref<!tpu.dma_semaphore, #tpu.memory_space<semaphore_mem>>
        %dma_start3A_103 = arith.constant 0 : i32
        %dma_start3A_104 = arith.constant 0 : i32
        %dma_start3A_105 = tpu.memref_slice %arg8[%arg0, %dma_start3A_103, %dma_start3A_104] : memref<2x625x128xf32, #tpu.memory_space<hbm>> -> memref<1x625x128xf32, #tpu.memory_space<hbm>>
        %dma_start3A_106 = tpu.memref_squeeze %dma_start3A_105 : memref<1x625x128xf32, #tpu.memory_space<hbm>> -> memref<625x128xf32, #tpu.memory_space<hbm>>
        tpu.enqueue_dma source(%arg30 : memref<625x128xf32, #tpu.memory_space<vmem_shared>>) target(%dma_start3A_106 : memref<625x128xf32, #tpu.memory_space<hbm>>) target_semaphore(%run_scoped3A : memref<!tpu.dma_semaphore, #tpu.memory_space<semaphore_mem>>)
        %dma_wait3A_107 = arith.constant 0 : i32
        %dma_wait3A_108 = arith.constant 0 : i32
        %dma_wait3A_109 = tpu.memref_slice %arg8[%arg0, %dma_wait3A_107, %dma_wait3A_108] : memref<2x625x128xf32, #tpu.memory_space<hbm>> -> memref<1x625x128xf32, #tpu.memory_space<hbm>>
        %dma_wait3A_110 = tpu.memref_squeeze %dma_wait3A_109 : memref<1x625x128xf32, #tpu.memory_space<hbm>> -> memref<625x128xf32, #tpu.memory_space<hbm>>
        tpu.wait_dma2 semaphore(%run_scoped3A : memref<!tpu.dma_semaphore, #tpu.memory_space<semaphore_mem>>) src(%arg30 : memref<625x128xf32, #tpu.memory_space<vmem_shared>>) dst(%dma_wait3A_110 : memref<625x128xf32, #tpu.memory_space<hbm>>)
        tpu.yield
      }) : () -> ()
    } else {
    }
    return
  }
}

module attributes {stable_mosaic.version = 14 : i64} {
  func.func @_proj_body(%arg0: memref<10000x128xf32, #tpu.memory_space<vmem>>, %arg1: memref<128x128xf32, #tpu.memory_space<vmem>>, %arg2: memref<128xf32, #tpu.memory_space<vmem>>, %arg3: memref<128x128xf32, #tpu.memory_space<vmem>>, %arg4: memref<128xf32, #tpu.memory_space<vmem>>, %arg5: memref<10000x128xf32, #tpu.memory_space<vmem>>, %arg6: memref<10000x128xf32, #tpu.memory_space<vmem>>) attributes {dimension_semantics = [], scalar_prefetch = 0 : i64, scratch_operands = 0 : i64, tpu.core_type = #tpu.core_type<tc>} {
    %get3A = arith.constant 0 : index
    %get3A_0 = arith.constant 0 : index
    %get3A_1 = vector.load %arg0[%get3A, %get3A_0] : memref<10000x128xf32, #tpu.memory_space<vmem>>, vector<10000x128xf32>
    %get3A_2 = arith.constant 0 : index
    %get3A_3 = arith.constant 0 : index
    %get3A_4 = vector.load %arg1[%get3A_2, %get3A_3] : memref<128x128xf32, #tpu.memory_space<vmem>>, vector<128x128xf32>
    %dot_general3A = arith.constant dense<0.000000e+00> : vector<10000x128xf32>
    %dot_general3A_5 = tpu.matmul %get3A_1, %get3A_4, %dot_general3A {dimension_numbers = #tpu.dot_dimension_numbers<[1], [0], [0], [1], [0, 0, 1, 1], [], []>, transpose_lhs_hint = false} : vector<10000x128xf32>, vector<128x128xf32>, vector<10000x128xf32> -> vector<10000x128xf32>
    %get3A_6 = arith.constant 0 : index
    %get3A_7 = vector.load %arg2[%get3A_6] : memref<128xf32, #tpu.memory_space<vmem>>, vector<128xf32>
    %broadcast_in_dim3A = vector.shape_cast %get3A_7 : vector<128xf32> to vector<1x128xf32>
    %add3A = vector.broadcast %broadcast_in_dim3A : vector<1x128xf32> to vector<10000x128xf32>
    %add3A_8 = arith.addf %dot_general3A_5, %add3A : vector<10000x128xf32>
    %swap3A = arith.constant 0 : index
    %swap3A_9 = arith.constant 0 : index
    %swap3A_10 = vector.load %arg5[%swap3A, %swap3A_9] : memref<10000x128xf32, #tpu.memory_space<vmem>>, vector<10000x128xf32>
    tpu.vector_store %arg5[%swap3A, %swap3A_9], %add3A_8 {strides = array<i32>} : memref<10000x128xf32, #tpu.memory_space<vmem>>, vector<10000x128xf32>,
    %get3A_11 = arith.constant 0 : index
    %get3A_12 = arith.constant 0 : index
    %get3A_13 = vector.load %arg3[%get3A_11, %get3A_12] : memref<128x128xf32, #tpu.memory_space<vmem>>, vector<128x128xf32>
    %dot_general3A_14 = arith.constant dense<0.000000e+00> : vector<10000x128xf32>
    %dot_general3A_15 = tpu.matmul %get3A_1, %get3A_13, %dot_general3A_14 {dimension_numbers = #tpu.dot_dimension_numbers<[1], [0], [0], [1], [0, 0, 1, 1], [], []>, transpose_lhs_hint = false} : vector<10000x128xf32>, vector<128x128xf32>, vector<10000x128xf32> -> vector<10000x128xf32>
    %get3A_16 = arith.constant 0 : index
    %get3A_17 = vector.load %arg4[%get3A_16] : memref<128xf32, #tpu.memory_space<vmem>>, vector<128xf32>
    %broadcast_in_dim3A_18 = vector.shape_cast %get3A_17 : vector<128xf32> to vector<1x128xf32>
    %add3A_19 = vector.broadcast %broadcast_in_dim3A_18 : vector<1x128xf32> to vector<10000x128xf32>
    %add3A_20 = arith.addf %dot_general3A_15, %add3A_19 : vector<10000x128xf32>
    %swap3A_21 = arith.constant 0 : index
    %swap3A_22 = arith.constant 0 : index
    %swap3A_23 = vector.load %arg6[%swap3A_21, %swap3A_22] : memref<10000x128xf32, #tpu.memory_space<vmem>>, vector<10000x128xf32>
    tpu.vector_store %arg6[%swap3A_21, %swap3A_22], %add3A_20 {strides = array<i32>} : memref<10000x128xf32, #tpu.memory_space<vmem>>, vector<10000x128xf32>,
    return
  }
}

module attributes {stable_mosaic.version = 14 : i64} {
  func.func @_edgeprep_body(%arg0: i32, %arg1: memref<2000x16xf32, #tpu.memory_space<vmem>>, %arg2: memref<16x128xf32, #tpu.memory_space<vmem>>, %arg3: memref<1x2000x1xi32, #tpu.memory_space<vmem>>, %arg4: memref<1x2000x1xi32, #tpu.memory_space<vmem>>, %arg5: memref<16x128xf32, #tpu.memory_space<vmem>>, %arg6: memref<2000x128xf32, #tpu.memory_space<vmem>>, %arg7: memref<2000x128xf32, #tpu.memory_space<vmem>>) attributes {dimension_semantics = [#tpu.dimension_semantics<arbitrary>], iteration_bounds = array<i64: 160>, scalar_prefetch = 0 : i64, scratch_operands = 0 : i64, tpu.core_type = #tpu.core_type<tc>, window_params = [{transform_indices = @transform_0, window_bounds = array<i64: 2000, 16>}, {pipeline_mode = #tpu.pipeline_mode<synchronous>, transform_indices = @transform_1, window_bounds = array<i64: 16, 128>}, {transform_indices = @transform_2, window_bounds = array<i64: 1, 2000, 1>}, {transform_indices = @transform_3, window_bounds = array<i64: 1, 2000, 1>}, {pipeline_mode = #tpu.pipeline_mode<synchronous>, transform_indices = @transform_4, window_bounds = array<i64: 16, 128>}, {transform_indices = @transform_5, window_bounds = array<i64: 2000, 128>}, {transform_indices = @transform_6, window_bounds = array<i64: 2000, 128>}]} {
    %get3A = arith.constant 0 : index
    %get3A_0 = arith.constant 0 : index
    %get3A_1 = vector.load %arg1[%get3A, %get3A_0] : memref<2000x16xf32, #tpu.memory_space<vmem>>, vector<2000x16xf32>
    %get3A_2 = arith.constant 0 : index
    %get3A_3 = arith.constant 0 : index
    %get3A_4 = arith.constant 0 : index
    %get3A_5 = vector.load %arg3[%get3A_2, %get3A_3, %get3A_4] : memref<1x2000x1xi32, #tpu.memory_space<vmem>>, vector<1x2000x1xi32>
    %get3A_6 = vector.shape_cast %get3A_5 : vector<1x2000x1xi32> to vector<2000x1xi32>
    %get3A_7 = arith.constant 0 : index
    %get3A_8 = arith.constant 0 : index
    %get3A_9 = arith.constant 0 : index
    %get3A_10 = vector.load %arg4[%get3A_7, %get3A_8, %get3A_9] : memref<1x2000x1xi32, #tpu.memory_space<vmem>>, vector<1x2000x1xi32>
    %get3A_11 = vector.shape_cast %get3A_10 : vector<1x2000x1xi32> to vector<2000x1xi32>
    %ne3A = arith.cmpi ne, %get3A_6, %get3A_11 : vector<2000x1xi32>
    %convert_element_type3A = arith.extui %ne3A : vector<2000x1xi1> to vector<2000x1xi32>
    %convert_element_type3A_12 = arith.sitofp %convert_element_type3A : vector<2000x1xi32> to vector<2000x1xf32>
    %get3A_13 = arith.constant 0 : index
    %get3A_14 = arith.constant 0 : index
    %get3A_15 = vector.load %arg2[%get3A_13, %get3A_14] : memref<16x128xf32, #tpu.memory_space<vmem>>, vector<16x128xf32>
    %dot_general3A = arith.constant dense<0.000000e+00> : vector<2000x128xf32>
    %dot_general3A_16 = tpu.matmul %get3A_1, %get3A_15, %dot_general3A {dimension_numbers = #tpu.dot_dimension_numbers<[1], [0], [0], [1], [0, 0, 1, 1], [], []>, transpose_lhs_hint = false} : vector<2000x16xf32>, vector<16x128xf32>, vector<2000x128xf32> -> vector<2000x128xf32>
    %swap3A = arith.constant 0 : index
    %swap3A_17 = arith.constant 0 : index
    %swap3A_18 = vector.load %arg6[%swap3A, %swap3A_17] : memref<2000x128xf32, #tpu.memory_space<vmem>>, vector<2000x128xf32>
    tpu.vector_store %arg6[%swap3A, %swap3A_17], %dot_general3A_16 {strides = array<i32>} : memref<2000x128xf32, #tpu.memory_space<vmem>>, vector<2000x128xf32>,
    %iota3A = tpu.iota {dimensions = array<i32: 1>} : vector<2000x128xi32>
    %get3A_19 = arith.constant 0 : index
    %get3A_20 = arith.constant 0 : index
    %get3A_21 = vector.load %arg5[%get3A_19, %get3A_20] : memref<16x128xf32, #tpu.memory_space<vmem>>, vector<16x128xf32>
    %dot_general3A_22 = arith.constant dense<0.000000e+00> : vector<2000x128xf32>
    %dot_general3A_23 = tpu.matmul %get3A_1, %get3A_21, %dot_general3A_22 {dimension_numbers = #tpu.dot_dimension_numbers<[1], [0], [0], [1], [0, 0, 1, 1], [], []>, transpose_lhs_hint = false} : vector<2000x16xf32>, vector<16x128xf32>, vector<2000x128xf32> -> vector<2000x128xf32>
    %jit3A = arith.constant 32 : i32
    %eq3A = arith.constant 0 : i32
    %eq3A_24 = arith.cmpi eq, %jit3A, %eq3A : i32
    %jit3A_25 = arith.constant 1 : i32
    %select_n3A = arith.select %eq3A_24, %jit3A_25, %jit3A : i32
    %rem3A = vector.broadcast %select_n3A : i32 to vector<2000x128xi32>
    %rem3A_26 = arith.remsi %iota3A, %rem3A : vector<2000x128xi32>
    %ne3A_27 = arith.constant 0 : i32
    %ne3A_28 = vector.broadcast %ne3A_27 : i32 to vector<2000x128xi32>
    %ne3A_29 = arith.cmpi ne, %rem3A_26, %ne3A_28 : vector<2000x128xi32>
    %lt3A = arith.constant 0 : i32
    %lt3A_30 = vector.broadcast %lt3A : i32 to vector<2000x128xi32>
    %lt3A_31 = arith.cmpi slt, %rem3A_26, %lt3A_30 : vector<2000x128xi32>
    %lt3A_32 = arith.constant 0 : i32
    %lt3A_33 = arith.cmpi slt, %select_n3A, %lt3A_32 : i32
    %ne3A_34 = vector.broadcast %lt3A_33 : i1 to vector<2000x128xi1>
    %ne3A_35 = vector.broadcast %ne3A_34 : vector<2000x128xi1> to vector<2000x128xi1>
    %ne3A_36 = arith.xori %lt3A_31, %ne3A_35 : vector<2000x128xi1>
    %and3A = arith.andi %ne3A_36, %ne3A_29 : vector<2000x128xi1>
    %add3A = vector.broadcast %select_n3A : i32 to vector<2000x128xi32>
    %add3A_37 = arith.addi %rem3A_26, %add3A : vector<2000x128xi32>
    %select_n3A_38 = arith.select %and3A, %add3A_37, %rem3A_26 : vector<2000x128xi1>, vector<2000x128xi32>
    %eq3A_39 = arith.constant 16 : i32
    %eq3A_40 = vector.broadcast %eq3A_39 : i32 to vector<2000x128xi32>
    %eq3A_41 = arith.cmpi eq, %select_n3A_38, %eq3A_40 : vector<2000x128xi32>
    %jit3A_42 = arith.constant 1.000000e+00 : f32
    %broadcast_in_dim3A = vector.broadcast %jit3A_42 : f32 to vector<2000x128xf32>
    %select_n3A_43 = arith.select %eq3A_41, %broadcast_in_dim3A, %dot_general3A_23 : vector<2000x128xi1>, vector<2000x128xf32>
    %jit3A_44 = arith.constant 32 : i32
    %div3A = vector.broadcast %jit3A_44 : i32 to vector<2000x128xi32>
    %div3A_45 = arith.divsi %iota3A, %div3A : vector<2000x128xi32>
    %sign3A = arith.constant 0 : i32
    %sign3A_46 = vector.broadcast %sign3A : i32 to vector<2000x128xi32>
    %sign3A_47 = arith.cmpi sgt, %iota3A, %sign3A_46 : vector<2000x128xi32>
    %sign3A_48 = arith.extui %sign3A_47 : vector<2000x128xi1> to vector<2000x128xi32>
    %sign3A_49 = arith.constant 0 : i32
    %sign3A_50 = vector.broadcast %sign3A_49 : i32 to vector<2000x128xi32>
    %sign3A_51 = arith.cmpi slt, %iota3A, %sign3A_50 : vector<2000x128xi32>
    %sign3A_52 = arith.extui %sign3A_51 : vector<2000x128xi1> to vector<2000x128xi32>
    %sign3A_53 = arith.subi %sign3A_48, %sign3A_52 : vector<2000x128xi32>
    %sign3A_54 = arith.constant 0 : i32
    %sign3A_55 = arith.cmpi sgt, %jit3A_44, %sign3A_54 : i32
    %sign3A_56 = arith.extui %sign3A_55 : i1 to i32
    %sign3A_57 = arith.constant 0 : i32
    %sign3A_58 = arith.cmpi slt, %jit3A_44, %sign3A_57 : i32
    %sign3A_59 = arith.extui %sign3A_58 : i1 to i32
    %sign3A_60 = arith.subi %sign3A_56, %sign3A_59 : i32
    %ne3A_61 = vector.broadcast %sign3A_60 : i32 to vector<2000x128xi32>
    %ne3A_62 = arith.cmpi ne, %sign3A_53, %ne3A_61 : vector<2000x128xi32>
    %rem3A_63 = vector.broadcast %jit3A_44 : i32 to vector<2000x128xi32>
    %rem3A_64 = arith.remsi %iota3A, %rem3A_63 : vector<2000x128xi32>
    %ne3A_65 = arith.constant 0 : i32
    %ne3A_66 = vector.broadcast %ne3A_65 : i32 to vector<2000x128xi32>
    %ne3A_67 = arith.cmpi ne, %rem3A_64, %ne3A_66 : vector<2000x128xi32>
    %and3A_68 = arith.andi %ne3A_62, %ne3A_67 : vector<2000x128xi1>
    %sub3A = arith.constant 1 : i32
    %sub3A_69 = vector.broadcast %sub3A : i32 to vector<2000x128xi32>
    %sub3A_70 = arith.subi %div3A_45, %sub3A_69 : vector<2000x128xi32>
    %select_n3A_71 = arith.select %and3A_68, %sub3A_70, %div3A_45 : vector<2000x128xi1>, vector<2000x128xi32>
    %jit3A_72 = arith.constant 4 : i32
    %eq3A_73 = arith.constant 0 : i32
    %eq3A_74 = arith.cmpi eq, %jit3A_72, %eq3A_73 : i32
    %jit3A_75 = arith.constant 1 : i32
    %select_n3A_76 = arith.select %eq3A_74, %jit3A_75, %jit3A_72 : i32
    %rem3A_77 = vector.broadcast %select_n3A_76 : i32 to vector<2000x1xi32>
    %rem3A_78 = arith.remsi %get3A_11, %rem3A_77 : vector<2000x1xi32>
    %ne3A_79 = arith.constant 0 : i32
    %ne3A_80 = vector.broadcast %ne3A_79 : i32 to vector<2000x1xi32>
    %ne3A_81 = arith.cmpi ne, %rem3A_78, %ne3A_80 : vector<2000x1xi32>
    %lt3A_82 = arith.constant 0 : i32
    %lt3A_83 = vector.broadcast %lt3A_82 : i32 to vector<2000x1xi32>
    %lt3A_84 = arith.cmpi slt, %rem3A_78, %lt3A_83 : vector<2000x1xi32>
    %lt3A_85 = arith.constant 0 : i32
    %lt3A_86 = arith.cmpi slt, %select_n3A_76, %lt3A_85 : i32
    %ne3A_87 = vector.broadcast %lt3A_86 : i1 to vector<2000x1xi1>
    %ne3A_88 = vector.broadcast %ne3A_87 : vector<2000x1xi1> to vector<2000x1xi1>
    %ne3A_89 = arith.xori %lt3A_84, %ne3A_88 : vector<2000x1xi1>
    %and3A_90 = arith.andi %ne3A_89, %ne3A_81 : vector<2000x1xi1>
    %add3A_91 = vector.broadcast %select_n3A_76 : i32 to vector<2000x1xi32>
    %add3A_92 = arith.addi %rem3A_78, %add3A_91 : vector<2000x1xi32>
    %select_n3A_93 = arith.select %and3A_90, %add3A_92, %rem3A_78 : vector<2000x1xi1>, vector<2000x1xi32>
    %eq3A_94 = vector.broadcast %select_n3A_93 : vector<2000x1xi32> to vector<2000x128xi32>
    %eq3A_95 = arith.cmpi eq, %select_n3A_71, %eq3A_94 : vector<2000x128xi32>
    %convert_element_type3A_96 = arith.extui %eq3A_95 : vector<2000x128xi1> to vector<2000x128xi32>
    %convert_element_type3A_97 = arith.sitofp %convert_element_type3A_96 : vector<2000x128xi32> to vector<2000x128xf32>
    %mul3A = vector.broadcast %convert_element_type3A_12 : vector<2000x1xf32> to vector<2000x128xf32>
    %mul3A_98 = arith.mulf %select_n3A_43, %mul3A : vector<2000x128xf32>
    %mul3A_99 = arith.mulf %mul3A_98, %convert_element_type3A_97 : vector<2000x128xf32>
    %swap3A_100 = arith.constant 0 : index
    %swap3A_101 = arith.constant 0 : index
    %swap3A_102 = vector.load %arg7[%swap3A_100, %swap3A_101] : memref<2000x128xf32, #tpu.memory_space<vmem>>, vector<2000x128xf32>
    tpu.vector_store %arg7[%swap3A_100, %swap3A_101], %mul3A_99 {strides = array<i32>} : memref<2000x128xf32, #tpu.memory_space<vmem>>, vector<2000x128xf32>,
    return
  }
  func.func @transform_0(%arg0: i32) -> (i32, i32) {
    %c0_i32 = arith.constant 0 : i32
    %c0_i32_0 = arith.constant 0 : i32
    return %arg0, %c0_i32 : i32, i32
  }
  func.func @transform_1(%arg0: i32) -> (i32, i32) {
    %c0_i32 = arith.constant 0 : i32
    %c0_i32_0 = arith.constant 0 : i32
    %c0_i32_1 = arith.constant 0 : i32
    return %c0_i32, %c0_i32_0 : i32, i32
  }
  func.func @transform_2(%arg0: i32) -> (i32, i32, i32) {
    %c0_i32 = arith.constant 0 : i32
    %c0_i32_0 = arith.constant 0 : i32
    %c0_i32_1 = arith.constant 0 : i32
    return %arg0, %c0_i32, %c0_i32_0 : i32, i32, i32
  }
  func.func @transform_3(%arg0: i32) -> (i32, i32, i32) {
    %c0_i32 = arith.constant 0 : i32
    %c0_i32_0 = arith.constant 0 : i32
    %c0_i32_1 = arith.constant 0 : i32
    return %arg0, %c0_i32, %c0_i32_0 : i32, i32, i32
  }
  func.func @transform_4(%arg0: i32) -> (i32, i32) {
    %c0_i32 = arith.constant 0 : i32
    %c0_i32_0 = arith.constant 0 : i32
    %c0_i32_1 = arith.constant 0 : i32
    return %c0_i32, %c0_i32_0 : i32, i32
  }
  func.func @transform_5(%arg0: i32) -> (i32, i32) {
    %c0_i32 = arith.constant 0 : i32
    %c0_i32_0 = arith.constant 0 : i32
    return %arg0, %c0_i32 : i32, i32
  }
  func.func @transform_6(%arg0: i32) -> (i32, i32) {
    %c0_i32 = arith.constant 0 : i32
    %c0_i32_0 = arith.constant 0 : i32
    return %arg0, %c0_i32 : i32, i32
  }
}

module attributes {stable_mosaic.version = 14 : i64} {
  func.func @_edge_body(%arg0: i32, %arg1: memref<2000x128xf32, #tpu.memory_space<vmem>>, %arg2: memref<2000x128xf32, #tpu.memory_space<vmem>>, %arg3: memref<2000x128xf32, #tpu.memory_space<vmem>>, %arg4: memref<1x2000x1xi32, #tpu.memory_space<vmem>>, %arg5: memref<1x2000x1xi32, #tpu.memory_space<vmem>>, %arg6: memref<128x8xf32, #tpu.memory_space<vmem>>, %arg7: memref<8x128xf32, #tpu.memory_space<vmem>>, %arg8: memref<8x128xf32, #tpu.memory_space<vmem>>, %arg9: memref<2000x128xf32, #tpu.memory_space<vmem>>, %arg10: memref<2000x128xf32, #tpu.memory_space<vmem>>) attributes {dimension_semantics = [#tpu.dimension_semantics<arbitrary>], iteration_bounds = array<i64: 160>, scalar_prefetch = 0 : i64, scratch_operands = 0 : i64, tpu.core_type = #tpu.core_type<tc>, window_params = [{transform_indices = @transform_0, window_bounds = array<i64: 2000, 128>}, {transform_indices = @transform_1, window_bounds = array<i64: 2000, 128>}, {transform_indices = @transform_2, window_bounds = array<i64: 2000, 128>}, {transform_indices = @transform_3, window_bounds = array<i64: 1, 2000, 1>}, {transform_indices = @transform_4, window_bounds = array<i64: 1, 2000, 1>}, {pipeline_mode = #tpu.pipeline_mode<synchronous>, transform_indices = @transform_5, window_bounds = array<i64: 128, 8>}, {pipeline_mode = #tpu.pipeline_mode<synchronous>, transform_indices = @transform_6, window_bounds = array<i64: 8, 128>}, {pipeline_mode = #tpu.pipeline_mode<synchronous>, transform_indices = @transform_7, window_bounds = array<i64: 8, 128>}, {transform_indices = @transform_8, window_bounds = array<i64: 2000, 128>}, {transform_indices = @transform_9, window_bounds = array<i64: 2000, 128>}]} {
    %get3A = arith.constant 0 : index
    %get3A_0 = arith.constant 0 : index
    %get3A_1 = vector.load %arg1[%get3A, %get3A_0] : memref<2000x128xf32, #tpu.memory_space<vmem>>, vector<2000x128xf32>
    %get3A_2 = arith.constant 0 : index
    %get3A_3 = arith.constant 0 : index
    %get3A_4 = vector.load %arg2[%get3A_2, %get3A_3] : memref<2000x128xf32, #tpu.memory_space<vmem>>, vector<2000x128xf32>
    %add3A = arith.addf %get3A_1, %get3A_4 : vector<2000x128xf32>
    %get3A_5 = arith.constant 0 : index
    %get3A_6 = arith.constant 0 : index
    %get3A_7 = vector.load %arg3[%get3A_5, %get3A_6] : memref<2000x128xf32, #tpu.memory_space<vmem>>, vector<2000x128xf32>
    %add3A_8 = arith.addf %add3A, %get3A_7 : vector<2000x128xf32>
    %gt3A = arith.constant 0.000000e+00 : f32
    %gt3A_9 = vector.broadcast %gt3A : f32 to vector<2000x128xf32>
    %gt3A_10 = arith.cmpf ogt, %add3A_8, %gt3A_9 : vector<2000x128xf32>
    %mul3A = arith.constant 2.000000e-01 : f32
    %mul3A_11 = vector.broadcast %mul3A : f32 to vector<2000x128xf32>
    %mul3A_12 = arith.mulf %mul3A_11, %add3A_8 : vector<2000x128xf32>
    %select_n3A = arith.select %gt3A_10, %add3A_8, %mul3A_12 : vector<2000x128xi1>, vector<2000x128xf32>
    %get3A_13 = arith.constant 0 : index
    %get3A_14 = arith.constant 0 : index
    %get3A_15 = vector.load %arg6[%get3A_13, %get3A_14] : memref<128x8xf32, #tpu.memory_space<vmem>>, vector<128x8xf32>
    %dot_general3A = arith.constant dense<0.000000e+00> : vector<2000x8xf32>
    %dot_general3A_16 = tpu.matmul %select_n3A, %get3A_15, %dot_general3A {dimension_numbers = #tpu.dot_dimension_numbers<[1], [0], [0], [1], [0, 0, 1, 1], [], []>, transpose_lhs_hint = false} : vector<2000x128xf32>, vector<128x8xf32>, vector<2000x8xf32> -> vector<2000x8xf32>
    %get3A_17 = arith.constant 0 : index
    %get3A_18 = arith.constant 0 : index
    %get3A_19 = arith.constant 0 : index
    %get3A_20 = vector.load %arg4[%get3A_17, %get3A_18, %get3A_19] : memref<1x2000x1xi32, #tpu.memory_space<vmem>>, vector<1x2000x1xi32>
    %get3A_21 = vector.shape_cast %get3A_20 : vector<1x2000x1xi32> to vector<2000x1xi32>
    %get3A_22 = arith.constant 0 : index
    %get3A_23 = arith.constant 0 : index
    %get3A_24 = arith.constant 0 : index
    %get3A_25 = vector.load %arg5[%get3A_22, %get3A_23, %get3A_24] : memref<1x2000x1xi32, #tpu.memory_space<vmem>>, vector<1x2000x1xi32>
    %get3A_26 = vector.shape_cast %get3A_25 : vector<1x2000x1xi32> to vector<2000x1xi32>
    %ne3A = arith.cmpi ne, %get3A_21, %get3A_26 : vector<2000x1xi32>
    %convert_element_type3A = arith.extui %ne3A : vector<2000x1xi1> to vector<2000x1xi32>
    %convert_element_type3A_27 = arith.sitofp %convert_element_type3A : vector<2000x1xi32> to vector<2000x1xf32>
    %exp3A = math.exp %dot_general3A_16 : vector<2000x8xf32>
    %mul3A_28 = vector.broadcast %convert_element_type3A_27 : vector<2000x1xf32> to vector<2000x8xf32>
    %mul3A_29 = arith.mulf %exp3A, %mul3A_28 : vector<2000x8xf32>
    %get3A_30 = arith.constant 0 : index
    %get3A_31 = arith.constant 0 : index
    %get3A_32 = vector.load %arg7[%get3A_30, %get3A_31] : memref<8x128xf32, #tpu.memory_space<vmem>>, vector<8x128xf32>
    %dot_general3A_33 = arith.constant dense<0.000000e+00> : vector<2000x128xf32>
    %dot_general3A_34 = tpu.matmul %mul3A_29, %get3A_32, %dot_general3A_33 {dimension_numbers = #tpu.dot_dimension_numbers<[1], [0], [0], [1], [0, 0, 1, 1], [], []>, transpose_lhs_hint = false} : vector<2000x8xf32>, vector<8x128xf32>, vector<2000x128xf32> -> vector<2000x128xf32>
    %mul3A_35 = arith.mulf %dot_general3A_34, %get3A_1 : vector<2000x128xf32>
    %swap3A = arith.constant 0 : index
    %swap3A_36 = arith.constant 0 : index
    %swap3A_37 = vector.load %arg9[%swap3A, %swap3A_36] : memref<2000x128xf32, #tpu.memory_space<vmem>>, vector<2000x128xf32>
    tpu.vector_store %arg9[%swap3A, %swap3A_36], %mul3A_35 {strides = array<i32>} : memref<2000x128xf32, #tpu.memory_space<vmem>>, vector<2000x128xf32>,
    %iota3A = tpu.iota {dimensions = array<i32: 1>} : vector<2000x128xi32>
    %get3A_38 = arith.constant 0 : index
    %get3A_39 = arith.constant 0 : index
    %get3A_40 = vector.load %arg8[%get3A_38, %get3A_39] : memref<8x128xf32, #tpu.memory_space<vmem>>, vector<8x128xf32>
    %dot_general3A_41 = arith.constant dense<0.000000e+00> : vector<2000x128xf32>
    %dot_general3A_42 = tpu.matmul %mul3A_29, %get3A_40, %dot_general3A_41 {dimension_numbers = #tpu.dot_dimension_numbers<[1], [0], [0], [1], [0, 0, 1, 1], [], []>, transpose_lhs_hint = false} : vector<2000x8xf32>, vector<8x128xf32>, vector<2000x128xf32> -> vector<2000x128xf32>
    %jit3A = arith.constant 8 : i32
    %div3A = vector.broadcast %jit3A : i32 to vector<2000x128xi32>
    %div3A_43 = arith.divsi %iota3A, %div3A : vector<2000x128xi32>
    %sign3A = arith.constant 0 : i32
    %sign3A_44 = vector.broadcast %sign3A : i32 to vector<2000x128xi32>
    %sign3A_45 = arith.cmpi sgt, %iota3A, %sign3A_44 : vector<2000x128xi32>
    %sign3A_46 = arith.extui %sign3A_45 : vector<2000x128xi1> to vector<2000x128xi32>
    %sign3A_47 = arith.constant 0 : i32
    %sign3A_48 = vector.broadcast %sign3A_47 : i32 to vector<2000x128xi32>
    %sign3A_49 = arith.cmpi slt, %iota3A, %sign3A_48 : vector<2000x128xi32>
    %sign3A_50 = arith.extui %sign3A_49 : vector<2000x128xi1> to vector<2000x128xi32>
    %sign3A_51 = arith.subi %sign3A_46, %sign3A_50 : vector<2000x128xi32>
    %sign3A_52 = arith.constant 0 : i32
    %sign3A_53 = arith.cmpi sgt, %jit3A, %sign3A_52 : i32
    %sign3A_54 = arith.extui %sign3A_53 : i1 to i32
    %sign3A_55 = arith.constant 0 : i32
    %sign3A_56 = arith.cmpi slt, %jit3A, %sign3A_55 : i32
    %sign3A_57 = arith.extui %sign3A_56 : i1 to i32
    %sign3A_58 = arith.subi %sign3A_54, %sign3A_57 : i32
    %ne3A_59 = vector.broadcast %sign3A_58 : i32 to vector<2000x128xi32>
    %ne3A_60 = arith.cmpi ne, %sign3A_51, %ne3A_59 : vector<2000x128xi32>
    %rem3A = vector.broadcast %jit3A : i32 to vector<2000x128xi32>
    %rem3A_61 = arith.remsi %iota3A, %rem3A : vector<2000x128xi32>
    %ne3A_62 = arith.constant 0 : i32
    %ne3A_63 = vector.broadcast %ne3A_62 : i32 to vector<2000x128xi32>
    %ne3A_64 = arith.cmpi ne, %rem3A_61, %ne3A_63 : vector<2000x128xi32>
    %and3A = arith.andi %ne3A_60, %ne3A_64 : vector<2000x128xi1>
    %sub3A = arith.constant 1 : i32
    %sub3A_65 = vector.broadcast %sub3A : i32 to vector<2000x128xi32>
    %sub3A_66 = arith.subi %div3A_43, %sub3A_65 : vector<2000x128xi32>
    %select_n3A_67 = arith.select %and3A, %sub3A_66, %div3A_43 : vector<2000x128xi1>, vector<2000x128xi32>
    %jit3A_68 = arith.constant 16 : i32
    %eq3A = arith.constant 0 : i32
    %eq3A_69 = arith.cmpi eq, %jit3A_68, %eq3A : i32
    %jit3A_70 = arith.constant 1 : i32
    %select_n3A_71 = arith.select %eq3A_69, %jit3A_70, %jit3A_68 : i32
    %rem3A_72 = vector.broadcast %select_n3A_71 : i32 to vector<2000x1xi32>
    %rem3A_73 = arith.remsi %get3A_26, %rem3A_72 : vector<2000x1xi32>
    %ne3A_74 = arith.constant 0 : i32
    %ne3A_75 = vector.broadcast %ne3A_74 : i32 to vector<2000x1xi32>
    %ne3A_76 = arith.cmpi ne, %rem3A_73, %ne3A_75 : vector<2000x1xi32>
    %lt3A = arith.constant 0 : i32
    %lt3A_77 = vector.broadcast %lt3A : i32 to vector<2000x1xi32>
    %lt3A_78 = arith.cmpi slt, %rem3A_73, %lt3A_77 : vector<2000x1xi32>
    %lt3A_79 = arith.constant 0 : i32
    %lt3A_80 = arith.cmpi slt, %select_n3A_71, %lt3A_79 : i32
    %ne3A_81 = vector.broadcast %lt3A_80 : i1 to vector<2000x1xi1>
    %ne3A_82 = vector.broadcast %ne3A_81 : vector<2000x1xi1> to vector<2000x1xi1>
    %ne3A_83 = arith.xori %lt3A_78, %ne3A_82 : vector<2000x1xi1>
    %and3A_84 = arith.andi %ne3A_83, %ne3A_76 : vector<2000x1xi1>
    %add3A_85 = vector.broadcast %select_n3A_71 : i32 to vector<2000x1xi32>
    %add3A_86 = arith.addi %rem3A_73, %add3A_85 : vector<2000x1xi32>
    %select_n3A_87 = arith.select %and3A_84, %add3A_86, %rem3A_73 : vector<2000x1xi1>, vector<2000x1xi32>
    %eq3A_88 = vector.broadcast %select_n3A_87 : vector<2000x1xi32> to vector<2000x128xi32>
    %eq3A_89 = arith.cmpi eq, %select_n3A_67, %eq3A_88 : vector<2000x128xi32>
    %convert_element_type3A_90 = arith.extui %eq3A_89 : vector<2000x128xi1> to vector<2000x128xi32>
    %convert_element_type3A_91 = arith.sitofp %convert_element_type3A_90 : vector<2000x128xi32> to vector<2000x128xf32>
    %mul3A_92 = arith.mulf %dot_general3A_42, %convert_element_type3A_91 : vector<2000x128xf32>
    %swap3A_93 = arith.constant 0 : index
    %swap3A_94 = arith.constant 0 : index
    %swap3A_95 = vector.load %arg10[%swap3A_93, %swap3A_94] : memref<2000x128xf32, #tpu.memory_space<vmem>>, vector<2000x128xf32>
    tpu.vector_store %arg10[%swap3A_93, %swap3A_94], %mul3A_92 {strides = array<i32>} : memref<2000x128xf32, #tpu.memory_space<vmem>>, vector<2000x128xf32>,
    return
  }
  func.func @transform_0(%arg0: i32) -> (i32, i32) {
    %c0_i32 = arith.constant 0 : i32
    %c0_i32_0 = arith.constant 0 : i32
    return %arg0, %c0_i32 : i32, i32
  }
  func.func @transform_1(%arg0: i32) -> (i32, i32) {
    %c0_i32 = arith.constant 0 : i32
    %c0_i32_0 = arith.constant 0 : i32
    return %arg0, %c0_i32 : i32, i32
  }
  func.func @transform_2(%arg0: i32) -> (i32, i32) {
    %c0_i32 = arith.constant 0 : i32
    %c0_i32_0 = arith.constant 0 : i32
    return %arg0, %c0_i32 : i32, i32
  }
  func.func @transform_3(%arg0: i32) -> (i32, i32, i32) {
    %c0_i32 = arith.constant 0 : i32
    %c0_i32_0 = arith.constant 0 : i32
    %c0_i32_1 = arith.constant 0 : i32
    return %arg0, %c0_i32, %c0_i32_0 : i32, i32, i32
  }
  func.func @transform_4(%arg0: i32) -> (i32, i32, i32) {
    %c0_i32 = arith.constant 0 : i32
    %c0_i32_0 = arith.constant 0 : i32
    %c0_i32_1 = arith.constant 0 : i32
    return %arg0, %c0_i32, %c0_i32_0 : i32, i32, i32
  }
  func.func @transform_5(%arg0: i32) -> (i32, i32) {
    %c0_i32 = arith.constant 0 : i32
    %c0_i32_0 = arith.constant 0 : i32
    %c0_i32_1 = arith.constant 0 : i32
    return %c0_i32, %c0_i32_0 : i32, i32
  }
  func.func @transform_6(%arg0: i32) -> (i32, i32) {
    %c0_i32 = arith.constant 0 : i32
    %c0_i32_0 = arith.constant 0 : i32
    %c0_i32_1 = arith.constant 0 : i32
    return %c0_i32, %c0_i32_0 : i32, i32
  }
  func.func @transform_7(%arg0: i32) -> (i32, i32) {
    %c0_i32 = arith.constant 0 : i32
    %c0_i32_0 = arith.constant 0 : i32
    %c0_i32_1 = arith.constant 0 : i32
    return %c0_i32, %c0_i32_0 : i32, i32
  }
  func.func @transform_8(%arg0: i32) -> (i32, i32) {
    %c0_i32 = arith.constant 0 : i32
    %c0_i32_0 = arith.constant 0 : i32
    return %arg0, %c0_i32 : i32, i32
  }
  func.func @transform_9(%arg0: i32) -> (i32, i32) {
    %c0_i32 = arith.constant 0 : i32
    %c0_i32_0 = arith.constant 0 : i32
    return %arg0, %c0_i32 : i32, i32
  }
}

module attributes {stable_mosaic.version = 14 : i64} {
  func.func @_final_body(%arg0: i32, %arg1: memref<2x2000x32xf32, #tpu.memory_space<vmem>>, %arg2: memref<2x2000x128xf32, #tpu.memory_space<vmem>>, %arg3: memref<2x2000x8xf32, #tpu.memory_space<vmem>>, %arg4: memref<2000x128xf32, #tpu.memory_space<vmem>>, %arg5: memref<2000x128xf32, #tpu.memory_space<vmem>>, %arg6: memref<16x128xf32, #tpu.memory_space<vmem>>, %arg7: memref<128x8xf32, #tpu.memory_space<vmem>>, %arg8: memref<8x128xf32, #tpu.memory_space<vmem>>, %arg9: memref<128xf32, #tpu.memory_space<vmem>>, %arg10: memref<2000x128xf32, #tpu.memory_space<vmem>>) attributes {dimension_semantics = [#tpu.dimension_semantics<arbitrary>], iteration_bounds = array<i64: 5>, scalar_prefetch = 0 : i64, scratch_operands = 0 : i64, tpu.core_type = #tpu.core_type<tc>, window_params = [{transform_indices = @transform_0, window_bounds = array<i64: 2, 2000, 32>}, {transform_indices = @transform_1, window_bounds = array<i64: 2, 2000, 128>}, {transform_indices = @transform_2, window_bounds = array<i64: 2, 2000, 8>}, {transform_indices = @transform_3, window_bounds = array<i64: 2000, 128>}, {transform_indices = @transform_4, window_bounds = array<i64: 2000, 128>}, {pipeline_mode = #tpu.pipeline_mode<synchronous>, transform_indices = @transform_5, window_bounds = array<i64: 16, 128>}, {pipeline_mode = #tpu.pipeline_mode<synchronous>, transform_indices = @transform_6, window_bounds = array<i64: 128, 8>}, {pipeline_mode = #tpu.pipeline_mode<synchronous>, transform_indices = @transform_7, window_bounds = array<i64: 8, 128>}, {pipeline_mode = #tpu.pipeline_mode<synchronous>, transform_indices = @transform_8, window_bounds = array<i64: 128>}, {transform_indices = @transform_9, window_bounds = array<i64: 2000, 128>}]} {
    %get3A = arith.constant 0 : index
    %get3A_0 = arith.constant 0 : index
    %get3A_1 = arith.constant 0 : index
    %get3A_2 = vector.load %arg1[%get3A, %get3A_0, %get3A_1] : memref<2x2000x32xf32, #tpu.memory_space<vmem>>, vector<1x2000x32xf32>
    %get3A_3 = vector.shape_cast %get3A_2 : vector<1x2000x32xf32> to vector<2000x32xf32>
    %get3A_4 = arith.constant 1 : index
    %get3A_5 = arith.constant 0 : index
    %get3A_6 = arith.constant 0 : index
    %get3A_7 = vector.load %arg1[%get3A_4, %get3A_5, %get3A_6] : memref<2x2000x32xf32, #tpu.memory_space<vmem>>, vector<1x2000x32xf32>
    %get3A_8 = vector.shape_cast %get3A_7 : vector<1x2000x32xf32> to vector<2000x32xf32>
    %add3A = arith.addf %get3A_3, %get3A_8 : vector<2000x32xf32>
    %slice3A = vector.extract_strided_slice %add3A {offsets = [0, 16], sizes = [2000, 1], strides = [1, 1]} : vector<2000x32xf32> to vector<2000x1xf32>
    %slice3A_9 = vector.extract_strided_slice %add3A {offsets = [0, 0], sizes = [2000, 16], strides = [1, 1]} : vector<2000x32xf32> to vector<2000x16xf32>
    %max3A = arith.constant 1.000000e+00 : f32
    %max3A_10 = vector.broadcast %max3A : f32 to vector<2000x1xf32>
    %max3A_11 = arith.maximumf %slice3A, %max3A_10 : vector<2000x1xf32>
    %div3A = vector.broadcast %max3A_11 : vector<2000x1xf32> to vector<2000x16xf32>
    %div3A_12 = arith.divf %slice3A_9, %div3A : vector<2000x16xf32>
    %get3A_13 = arith.constant 0 : index
    %get3A_14 = arith.constant 0 : index
    %get3A_15 = vector.load %arg6[%get3A_13, %get3A_14] : memref<16x128xf32, #tpu.memory_space<vmem>>, vector<16x128xf32>
    %dot_general3A = arith.constant dense<0.000000e+00> : vector<2000x128xf32>
    %dot_general3A_16 = tpu.matmul %div3A_12, %get3A_15, %dot_general3A {dimension_numbers = #tpu.dot_dimension_numbers<[1], [0], [0], [1], [0, 0, 1, 1], [], []>, transpose_lhs_hint = false} : vector<2000x16xf32>, vector<16x128xf32>, vector<2000x128xf32> -> vector<2000x128xf32>
    %get3A_17 = arith.constant 0 : index
    %get3A_18 = arith.constant 0 : index
    %get3A_19 = vector.load %arg4[%get3A_17, %get3A_18] : memref<2000x128xf32, #tpu.memory_space<vmem>>, vector<2000x128xf32>
    %get3A_20 = arith.constant 0 : index
    %get3A_21 = arith.constant 0 : index
    %get3A_22 = vector.load %arg5[%get3A_20, %get3A_21] : memref<2000x128xf32, #tpu.memory_space<vmem>>, vector<2000x128xf32>
    %add3A_23 = arith.addf %get3A_19, %get3A_22 : vector<2000x128xf32>
    %add3A_24 = arith.addf %add3A_23, %dot_general3A_16 : vector<2000x128xf32>
    %gt3A = arith.constant 0.000000e+00 : f32
    %gt3A_25 = vector.broadcast %gt3A : f32 to vector<2000x128xf32>
    %gt3A_26 = arith.cmpf ogt, %add3A_24, %gt3A_25 : vector<2000x128xf32>
    %mul3A = arith.constant 2.000000e-01 : f32
    %mul3A_27 = vector.broadcast %mul3A : f32 to vector<2000x128xf32>
    %mul3A_28 = arith.mulf %mul3A_27, %add3A_24 : vector<2000x128xf32>
    %select_n3A = arith.select %gt3A_26, %add3A_24, %mul3A_28 : vector<2000x128xi1>, vector<2000x128xf32>
    %get3A_29 = arith.constant 0 : index
    %get3A_30 = arith.constant 0 : index
    %get3A_31 = vector.load %arg7[%get3A_29, %get3A_30] : memref<128x8xf32, #tpu.memory_space<vmem>>, vector<128x8xf32>
    %dot_general3A_32 = arith.constant dense<0.000000e+00> : vector<2000x8xf32>
    %dot_general3A_33 = tpu.matmul %select_n3A, %get3A_31, %dot_general3A_32 {dimension_numbers = #tpu.dot_dimension_numbers<[1], [0], [0], [1], [0, 0, 1, 1], [], []>, transpose_lhs_hint = false} : vector<2000x128xf32>, vector<128x8xf32>, vector<2000x8xf32> -> vector<2000x8xf32>
    %exp3A = math.exp %dot_general3A_33 : vector<2000x8xf32>
    %get3A_34 = arith.constant 0 : index
    %get3A_35 = arith.constant 0 : index
    %get3A_36 = arith.constant 0 : index
    %get3A_37 = vector.load %arg3[%get3A_34, %get3A_35, %get3A_36] : memref<2x2000x8xf32, #tpu.memory_space<vmem>>, vector<1x2000x8xf32>
    %get3A_38 = vector.shape_cast %get3A_37 : vector<1x2000x8xf32> to vector<2000x8xf32>
    %get3A_39 = arith.constant 1 : index
    %get3A_40 = arith.constant 0 : index
    %get3A_41 = arith.constant 0 : index
    %get3A_42 = vector.load %arg3[%get3A_39, %get3A_40, %get3A_41] : memref<2x2000x8xf32, #tpu.memory_space<vmem>>, vector<1x2000x8xf32>
    %get3A_43 = vector.shape_cast %get3A_42 : vector<1x2000x8xf32> to vector<2000x8xf32>
    %add3A_44 = arith.addf %get3A_38, %get3A_43 : vector<2000x8xf32>
    %add3A_45 = arith.addf %add3A_44, %exp3A : vector<2000x8xf32>
    %get3A_46 = arith.constant 0 : index
    %get3A_47 = arith.constant 0 : index
    %get3A_48 = vector.load %arg8[%get3A_46, %get3A_47] : memref<8x128xf32, #tpu.memory_space<vmem>>, vector<8x128xf32>
    %get3A_49 = arith.constant 0 : index
    %get3A_50 = arith.constant 0 : index
    %get3A_51 = arith.constant 0 : index
    %get3A_52 = vector.load %arg2[%get3A_49, %get3A_50, %get3A_51] : memref<2x2000x128xf32, #tpu.memory_space<vmem>>, vector<1x2000x128xf32>
    %get3A_53 = vector.shape_cast %get3A_52 : vector<1x2000x128xf32> to vector<2000x128xf32>
    %get3A_54 = arith.constant 1 : index
    %get3A_55 = arith.constant 0 : index
    %get3A_56 = arith.constant 0 : index
    %get3A_57 = vector.load %arg2[%get3A_54, %get3A_55, %get3A_56] : memref<2x2000x128xf32, #tpu.memory_space<vmem>>, vector<1x2000x128xf32>
    %get3A_58 = vector.shape_cast %get3A_57 : vector<1x2000x128xf32> to vector<2000x128xf32>
    %add3A_59 = arith.addf %get3A_53, %get3A_58 : vector<2000x128xf32>
    %dot_general3A_60 = arith.constant dense<0.000000e+00> : vector<2000x128xf32>
    %dot_general3A_61 = tpu.matmul %exp3A, %get3A_48, %dot_general3A_60 {dimension_numbers = #tpu.dot_dimension_numbers<[1], [0], [0], [1], [0, 0, 1, 1], [], []>, transpose_lhs_hint = false} : vector<2000x8xf32>, vector<8x128xf32>, vector<2000x128xf32> -> vector<2000x128xf32>
    %mul3A_62 = arith.mulf %dot_general3A_61, %get3A_19 : vector<2000x128xf32>
    %add3A_63 = arith.addf %add3A_59, %mul3A_62 : vector<2000x128xf32>
    %dot_general3A_64 = arith.constant dense<0.000000e+00> : vector<2000x128xf32>
    %dot_general3A_65 = tpu.matmul %add3A_45, %get3A_48, %dot_general3A_64 {dimension_numbers = #tpu.dot_dimension_numbers<[1], [0], [0], [1], [0, 0, 1, 1], [], []>, transpose_lhs_hint = false} : vector<2000x8xf32>, vector<8x128xf32>, vector<2000x128xf32> -> vector<2000x128xf32>
    %add3A_66 = arith.constant 1.000000e-30 : f32
    %add3A_67 = vector.broadcast %add3A_66 : f32 to vector<2000x128xf32>
    %add3A_68 = arith.addf %dot_general3A_65, %add3A_67 : vector<2000x128xf32>
    %div3A_69 = arith.divf %add3A_63, %add3A_68 : vector<2000x128xf32>
    %get3A_70 = arith.constant 0 : index
    %get3A_71 = vector.load %arg9[%get3A_70] : memref<128xf32, #tpu.memory_space<vmem>>, vector<128xf32>
    %broadcast_in_dim3A = vector.shape_cast %get3A_71 : vector<128xf32> to vector<1x128xf32>
    %add3A_72 = vector.broadcast %broadcast_in_dim3A : vector<1x128xf32> to vector<2000x128xf32>
    %add3A_73 = arith.addf %div3A_69, %add3A_72 : vector<2000x128xf32>
    %swap3A = arith.constant 0 : index
    %swap3A_74 = arith.constant 0 : index
    %swap3A_75 = vector.load %arg10[%swap3A, %swap3A_74] : memref<2000x128xf32, #tpu.memory_space<vmem>>, vector<2000x128xf32>
    tpu.vector_store %arg10[%swap3A, %swap3A_74], %add3A_73 {strides = array<i32>} : memref<2000x128xf32, #tpu.memory_space<vmem>>, vector<2000x128xf32>,
    return
  }
  func.func @transform_0(%arg0: i32) -> (i32, i32, i32) {
    %c0_i32 = arith.constant 0 : i32
    %c0_i32_0 = arith.constant 0 : i32
    %c0_i32_1 = arith.constant 0 : i32
    return %c0_i32, %arg0, %c0_i32_0 : i32, i32, i32
  }
  func.func @transform_1(%arg0: i32) -> (i32, i32, i32) {
    %c0_i32 = arith.constant 0 : i32
    %c0_i32_0 = arith.constant 0 : i32
    %c0_i32_1 = arith.constant 0 : i32
    return %c0_i32, %arg0, %c0_i32_0 : i32, i32, i32
  }
  func.func @transform_2(%arg0: i32) -> (i32, i32, i32) {
    %c0_i32 = arith.constant 0 : i32
    %c0_i32_0 = arith.constant 0 : i32
    %c0_i32_1 = arith.constant 0 : i32
    return %c0_i32, %arg0, %c0_i32_0 : i32, i32, i32
  }
  func.func @transform_3(%arg0: i32) -> (i32, i32) {
    %c0_i32 = arith.constant 0 : i32
    %c0_i32_0 = arith.constant 0 : i32
    return %arg0, %c0_i32 : i32, i32
  }
  func.func @transform_4(%arg0: i32) -> (i32, i32) {
    %c0_i32 = arith.constant 0 : i32
    %c0_i32_0 = arith.constant 0 : i32
    return %arg0, %c0_i32 : i32, i32
  }
  func.func @transform_5(%arg0: i32) -> (i32, i32) {
    %c0_i32 = arith.constant 0 : i32
    %c0_i32_0 = arith.constant 0 : i32
    %c0_i32_1 = arith.constant 0 : i32
    return %c0_i32, %c0_i32_0 : i32, i32
  }
  func.func @transform_6(%arg0: i32) -> (i32, i32) {
    %c0_i32 = arith.constant 0 : i32
    %c0_i32_0 = arith.constant 0 : i32
    %c0_i32_1 = arith.constant 0 : i32
    return %c0_i32, %c0_i32_0 : i32, i32
  }
  func.func @transform_7(%arg0: i32) -> (i32, i32) {
    %c0_i32 = arith.constant 0 : i32
    %c0_i32_0 = arith.constant 0 : i32
    %c0_i32_1 = arith.constant 0 : i32
    return %c0_i32, %c0_i32_0 : i32, i32
  }
  func.func @transform_8(%arg0: i32) -> i32 {
    %c0_i32 = arith.constant 0 : i32
    %c0_i32_0 = arith.constant 0 : i32
    return %c0_i32 : i32
  }
  func.func @transform_9(%arg0: i32) -> (i32, i32) {
    %c0_i32 = arith.constant 0 : i32
    %c0_i32_0 = arith.constant 0 : i32
    return %arg0, %c0_i32 : i32, i32
  }
}

</mosaic_0001>

<sc_bundles>
// kernel: kernel.11.cloned.1.call-start
scs
__scs_entry_jumppad:
0x0: {  	(pc) =	sbr.rel $0x88, $3  }
0x1: {  	(tag) =	ssettag $0x0;
	lr =	simm.s32 $0x1  }
0x2: {  	[smem:$0x3F97] =	sst lr;
	_ =	strace $0xD0000000  }
0x3: {  	_ = 	snop  }
0x4: {  	_ = 	snop  }
0x5: {  	_ = 	snop  }
0x6: {  	_ = 	snop  }
0x7: {  	_ = 	snop  }
__scs_overlays_trampoline_lowered:
0x8: {  	[smem:$0x3FA6] =	sst s0  }
0x9: {  	[smem:$0x3FA7] =	sst s1  }
0xa: {  	[smem:$0x3FA8] =	sst s2  }
0xb: {  	[smem:$0x3FA9] =	sst s3  }
0xc: {  	[smem:$0x3FAA] =	sst s4  }
0xd: {  	[smem:$0x3FAB] =	sst s5  }
0xe: {  	[smem:$0x3FAC] =	sst s6  }
0xf: {  	[smem:$0x3FAD] =	sst s7  }
0x10: {  	[smem:$0x3FAE] =	sst s8  }
0x11: {  	[smem:$0x3FAF] =	sst s9;
	s0 =	simm.s32 @!p0 $0x0  }
0x12: {  	s1 =	sld [smem:$0x3F95];
	s0 =	simm.s32 @p0 $0x1  }
0x13: {  	[smem:$0x3FB0] =	sst s0;
	s0 =	simm.s32 @!p1 $0x0  }
0x14: {  	s2 =	sld [smem:$0x3F94];
	s0 =	simm.s32 @p1 $0x1  }
0x15: {  	[smem:$0x3FB1] =	sst s0;
	s0 =	simm.s32 @!p2 $0x0  }
0x16: {  	s3 =	sld [smem:$0x3FDB];
	s0 =	simm.s32 @p2 $0x1  }
0x17: {  	s4 =	simm.s32 $0x1BF5;
	[smem:$0x3FB3] =	sst s0  }
0x18: {  	s0 =	sld [smem:$0x3F96];
	_ =	swait.ge [sflag:s4], $0x0  }
0x19: {  	s7 =	sld [smem:$0x3F97]  }
0x1a: {  	s8 =	sadd.s32 $0xFFFFE003, lr  }
0x1b: {  	s9 =	sadd.s32 $0xFFFFFEF7, lr;
	s5 =	simm.s32 $0xFFFFFFFF;
	p2 =	slt.u32 s8, $0xFFFFF086  }
0x1c: {  	p1 =	slt.u32 s9, $0xF7A;
	s5 =	simm.s32 @!p2 $0x0  }
0x1d: {  	s5 =	simm.s32 @p1 $0x1;
	p0 =	seq.s32 s7, s2  }
0x1e: {  	s7 =	smul.u32 @!p0 $0xF7A, s2;
	p2 =	seq.s32 @!p0 s5, $0x0  }
0x1f: {  	s9 =	smul.u32 $0xF7A, s1;
	s8 =	simm.s32 @!p0 $0x1BF5;
	p2 =	por !p2, p0  }
0x20: {  	[sflag:s8] =	ssyncset.s32 @!p0 $0xFFFFF086;
	s6 =	sadd.s32 @!p0 s3, s7;
	s7 =	simm.s32 @!p0 $0x108  }
0x21: {  	s3 =	sadd.s32 s3, s9;
	s6 =	sadd.s32 @!p0 $0x88, s6;
	s7 =	simm.s32 @p2 $0x1082  }
0x22: {  	[simem:s7], [sflag:s8] =	dma.local @!p0 [hbm:s6], $0xF7A  }
0x23: {  	s9 =	sor.u32 $0xD0000000, s2;
	s6 =	simm.s32 $0x108;
	_ =	swait.ge @!p0 [sflag:s8], $0x0  }
0x24: {  	s3 =	sadd.s32 $0x88, s3;
	s6 =	simm.s32 @!p1 $0x1082;
	[sflag:s4] =	ssyncset.s32 $0xFFFFF086  }
0x25: {  	[simem:s6], [sflag:s4] =	dma.local [hbm:s3], $0xF7A  }
0x26: {  	[smem:$0x3F97] =	sst s1;
	(tag) =	ssettag s2;
	_ =	strace s9  }
0x27: {  	s1 =	sld [smem:$0x3FA7]  }
0x28: {  	s2 =	sld [smem:$0x3FA8]  }
0x29: {  	s4 =	sld [smem:$0x3FAA]  }
0x2a: {  	p0 =	seq.s32 s5, $0x0;
	s5 =	sld [smem:$0x3FAB]  }
0x2b: {  	s6 =	sld [smem:$0x3FAC]  }
0x2c: {  	s7 =	sld [smem:$0x3FAD]  }
0x2d: {  	s3 =	simm.s32 $0x108;
	s8 =	sld [smem:$0x3FAE]  }
0x2e: {  	s3 =	simm.s32 @!p0 $0x1082;
	s9 =	sld [smem:$0x3FAF]  }
0x2f: {  	lr =	sadd.s32 s0, s3;
	s0 =	sld [smem:$0x3FA6]  }
0x30: {  	s3 =	sld [smem:$0x3FA9]  }
0x31: {  	[smem:$0x3FB2] =	sst s10  }
0x32: {  	s10 =	sld [smem:$0x3FB0];
	_ =	sdelay $0x3  }
0x33: {  	p0 =	seq.s32 s10, $0x1;
	s10 =	sld [smem:$0x3FB2];
	_ =	sdelay $0x3  }
0x34: {  	[smem:$0x3FB2] =	sst s10  }
0x35: {  	s10 =	sld [smem:$0x3FB1];
	_ =	sdelay $0x3  }
0x36: {  	p1 =	seq.s32 s10, $0x1;
	s10 =	sld [smem:$0x3FB2];
	_ =	sdelay $0x3  }
0x37: {  	[smem:$0x3FB2] =	sst s10  }
0x38: {  	s10 =	sld [smem:$0x3FB3]  }
0x39: {  	_ = 	snop;
	(pc) =	sbr.ind lr, $3  }
0x3a: {  	_ = 	snop  }
0x3b: {  	_ = 	snop  }
0x3c: {  	p2 =	seq.s32 s10, $0x1;
	s10 =	sld [smem:$0x3FB2]  }
0x3d: {  	_ =	shalt  }
0x3e: {  	_ =	shalt  }
0x3f: {  	_ =	shalt  }
0x40: {  	_ =	shalt  }
0x41: {  	_ =	shalt  }
0x42: {  	_ =	shalt  }
0x43: {  	_ =	shalt  }
0x44: {  	_ =	shalt  }
0x45: {  	_ =	shalt  }
0x46: {  	_ =	shalt  }
0x47: {  	_ =	shalt  }
0x48: {  	_ =	shalt  }
0x49: {  	_ =	shalt  }
0x4a: {  	_ =	shalt  }
0x4b: {  	_ =	shalt  }
0x4c: {  	_ =	shalt  }
0x4d: {  	_ =	shalt  }
0x4e: {  	_ =	shalt  }
0x4f: {  	_ =	shalt  }
0x50: {  	_ =	shalt  }
0x51: {  	_ =	shalt  }
0x52: {  	_ =	shalt  }
0x53: {  	_ =	shalt  }
0x54: {  	_ =	shalt  }
0x55: {  	_ =	shalt  }
0x56: {  	_ =	shalt  }
0x57: {  	_ =	shalt  }
0x58: {  	_ =	shalt  }
0x59: {  	_ =	shalt  }
0x5a: {  	_ =	shalt  }
0x5b: {  	_ =	shalt  }
0x5c: {  	_ =	shalt  }
0x5d: {  	_ =	shalt  }
0x5e: {  	_ =	shalt  }
0x5f: {  	_ =	shalt  }
0x60: {  	_ =	shalt  }
0x61: {  	_ =	shalt  }
0x62: {  	_ =	shalt  }
0x63: {  	_ =	shalt  }
0x64: {  	_ =	shalt  }
0x65: {  	_ =	shalt  }
0x66: {  	_ =	shalt  }
0x67: {  	_ =	shalt  }
0x68: {  	_ =	shalt  }
0x69: {  	_ =	shalt  }
0x6a: {  	_ =	shalt  }
0x6b: {  	_ =	shalt  }
0x6c: {  	_ =	shalt  }
0x6d: {  	_ =	shalt  }
0x6e: {  	_ =	shalt  }
0x6f: {  	_ =	shalt  }
0x70: {  	_ =	shalt  }
0x71: {  	_ =	shalt  }
0x72: {  	_ =	shalt  }
0x73: {  	_ =	shalt  }
0x74: {  	_ =	shalt  }
0x75: {  	_ =	shalt  }
0x76: {  	_ =	shalt  }
0x77: {  	_ =	shalt  }
0x78: {  	_ =	shalt  }
0x79: {  	_ =	shalt  }
0x7a: {  	_ =	shalt  }
0x7b: {  	_ =	shalt  }
0x7c: {  	_ =	shalt  }
0x7d: {  	_ =	shalt  }
0x7e: {  	_ =	shalt  }
0x7f: {  	_ =	shalt  }
0x80: {  	_ =	shalt  }
0x81: {  	_ =	shalt  }
0x82: {  	_ =	shalt  }
0x83: {  	_ =	shalt  }
0x84: {  	_ =	shalt  }
0x85: {  	_ =	shalt  }
0x86: {  	_ =	shalt  }
0x87: {  	_ =	shalt  }
.Lfunc_end0:
.L_simem_size_0:
called_computation.1_lowered:
.L_overlay_start_0:
0x88: {  	s2 =	sld [smem:$0x3FD9]  }
0x89: {  	s3 =	sld [smem:$0x3FFE];
	_ =	sdelay $0x1  }
0x8a: {  	s1 =	srdreg.scid  }
0x8b: {  	s0 =	sand.u32 $0x1, s1  }
0x8c: {  	s16 =	sshll.u32 s0, $0xA;
	s2 =	sadd.s32 s3, s2  }
0x8d: {  	s2 =	sadd.s32 s2, s16  }
0x8e: {  	[smem:$0x3FBE] =	sst s2  }
0x8f: {  	_ = 	snop  }
0x90: {  	(tm) =	ssettm $0x1  }
0x91: {  	s17 =	sld [smem:$0x3FFB];
	_ =	sdelay $0x3  }
0x92: {  	_ =	strace s17  }
0x93: {  	s2 =	sld [smem:$0x3FFC];
	_ =	sdelay $0x3  }
0x94: {  	_ =	strace s2  }
0x95: {  	s2 =	sld [smem:$0x3FFD];
	_ =	sdelay $0x3  }
0x96: {  	_ =	strace s2  }
0x97: {  	_ =	strace $0x8FFFFFFF  }
0x98: {  	s18 =	sld [smem:$0x3FDB];
	_ =	sdelay $0x1  }
0x99: {  	s19 =	simm.s32 $_scs_section_size  }
0x9a: {  	s4 =	simm.s32 $_size__tile_overlayer_lowered;
	s5 =	simm.s32 $_tile_overlayer_lowered  }
0x9b: {  	s22 =	simm.s32 $0x1BFF;
	s21 =	sshll.u32 s5, $0x1;
	s2 =	sadd.s32 s19, s18  }
0x9c: {  	s6 =	simm.s32 $0x0;
	s20 =	sshll.u32 s4, $0x1;
	s4 =	sadd.s32 s21, s2  }
0x9d: {  	[timem:s6], [sflag:s22] =	dma.local [hbm:s4], s20  }
0x9e: {  	_ =	swait.ge [sflag:s22], s20  }
0x9f: {  	s3 =	ssub.s32 $0x0, s20;
	[sflag:s22] =	ssyncset.done $0x0  }
0xa0: {  	[sflag:s22] =	ssyncadd.s32 s3;
	_ =	sdelay $0x1  }
0xa1: {  	s23 =	simm.s32 $0x1B8B  }
0xa2: {  	_ =	swait.ge [sflag:s23], $0x1  }
0xa3: {  	[sflag:s23] =	ssyncset.done $0x0  }
0xa4: {  	s25 =	simm.s32 $0x1B8E;
	s24 =	sld [smem:$0x3FFE];
	[sflag:s23] =	ssyncadd.s32 $0xFFFFFFFF  }
0xa5: {  	s26 =	simm.s32 $execute0_lowered;
	[smem:$0x3FD2] =	sst s25  }
0xa6: {  	s4 =	sshll.u32 s26, $0x1;
	_ =	strace $0x80000049;
	[dreg:$0x1] =	wrdreg $0xFFFFFFFF  }
0xa7: {  	s28 =	simm.s32 $_size_execute0_lowered;
	s2 =	sadd.s32 s2, s4;
	[dreg:$0x0] =	wrdreg $0x0  }
0xa8: {  	s4 =	sshll.u32 s28, $0x1;
	[dreg:$0x2] =	wrdreg s2  }
0xa9: {  	[dreg:$0x3] =	wrdreg s4  }
0xaa: {  	[dreg:$0x4] =	wrdreg $0xC0  }
0xab: {  	_ =	task [dreg:s6], $0x5FFFF  }
0xac: {  	[dreg:$0x1] =	wrdreg $0xFFFFFFFF  }
0xad: {  	[dreg:$0x0] =	wrdreg $0x60  }
0xae: {  	[dreg:$0x2] =	wrdreg s24  }
0xaf: {  	[dreg:$0x3] =	wrdreg $0xA2000  }
0xb0: {  	[dreg:$0x4] =	wrdreg $0x1DA800  }
0xb1: {  	[dreg:$0x5] =	wrdreg $0x9  }
0xb2: {  	_ =	task.clear_ibuf [dreg:s6], $0x6FFFF;
	_ =	strace $0x90000049  }
0xb3: {  	s29 =	simm.s32 $0x9;
	_ =	strace $0x8000004B  }
0xb4: {  	_ =	swait.ge [sflag:s29], $0x1  }
0xb5: {  	[sflag:s29] =	ssyncadd.s32 $0xFFFFFFFF  }
0xb6: {  	_ =	strace $0x9000004B  }
0xb7: {  	_ =	sfence  }
0xb8: {  	s30 =	sld [smem:$0x0];
	_ =	sdelay $0x2  }
0xb9: {  	s31 =	sshll.u32 s1, $0xD;
	s1 =	sshrl.u32 s1, $0x2  }
0xba: {  	s3 =	sand.u32 $0x4000, s31;
	s1 =	sadd.s32 s1, s30  }
0xbb: {  	s0 =	sor.u32 s3, s0;
	s1 =	sshll.u32 s1, $0x11  }
0xbc: {  	s0 =	sor.u32 s1, s0  }
0xbd: {  	s0 =	sadd.s32 $0x8F2B, s0  }
0xbe: {  	[sflag:s0] =	ssyncadd.remote.s32 $0x1  }
0xbf: {  	_ =	sfence.sel $0xFFFF  }
0xc0: {  	[dreg:$0x0] =	wrdreg $0xFFFFFFFF;
	(pc) =	sbr.abs _section_cstart, $3  }
0xc1: {  	[dreg:$0x1] =	wrdreg $0xFFFFFFFF  }
0xc2: {  	_ =	task.clear_ibuf [dreg:s6], $0x2FFFF;
	_ =	strace $0x9FFFFFFF  }
0xc3: {  	(tm) =	ssettm $0x7FFFFFFF  }
tec
execute0_lowered:
.L_overlay_start_1:
0x0: {  	(tag) =	ssettag $0x1  }
0x1: {  	s0 =	rddreg [dreg:$0x0]  }
0x2: {  	s1 =	rddreg [dreg:$0x1]  }
0x3: {  	s2 =	rddreg [dreg:$0x2];
	s3 =	simm.s32 $0x0;
	s4 =	srdreg.scid  }
0x4: {  	s13 =	stileid.u32;
	s28 =	simm.s32 $0x50;
	s29 =	simm.s32 $0x100  }
0x5: {  	s30 =	simm.s32 $0x4;
	s31 =	simm.s32 $0x5;
	[smem:$0x7FF] =	sst s3  }
0x6: {  	s4 =	sand.u32 $0x1, s4;
	s7 =	sadd.s32 $0xA22A00, s0;
	s8 =	smul.u32 $0x1F400, s13  }
0x7: {  	s6 =	sadd.s32 $0x5A00, s0;
	s9 =	sadd.s32 $0x2247600, s0;
	s19 =	smul.u32 $0x4E20, s13  }
0x8: {  	s10 =	sadd.s32 $0xF800, s0;
	s14 =	sshll.u32 s13, $0x1;
	s22 =	smul.u32 $0x7D000, s13  }
0x9: {  	s12 =	sadd.s32 $0xA04800, s0;
	s24 =	smul.u32 $0x4E200, s13;
	p2 =	sgt.u32 s13, $0x9  }
0xa: {  	p0 =	seq.s32 s13, $0x1;
	_ =	strace $0x8000004A;
	s5 =	smul.u32 $0x138800, s4  }
0xb: {  	[dreg:$0x5] =	wrdreg s10;
	s15 =	smul.u32 $0x2780, s4;
	s10 =	sor.u32 s4, s14  }
0xc: {  	s11 =	ssub.s32 $0x2, s4;
	[dreg:$0x6] =	wrdreg s12;
	s21 =	smul.u32 $0x2710, s4  }
0xd: {  	s4 =	smul.u32 $0x27100, s4;
	p1 =	sne.s32 @!p0 s13, $0x0;
	p3 =	sne.s32 @p2 s13, $0xA  }
0xe: {  	s10 =	smul.u32 $0x2710, s10;
	s16 =	sshrl.u32 s11, $0x1;
	s25 =	sadd.s32 s24, s9  }
0xf: {  	p1 =	por p1, p0;
	p3 =	por p3, !p2;
	s5 =	sadd.s32 s8, s5  }
0x10: {  	s17 =	ssub.s32 s11, s16;
	s23 =	sadd.s32 s21, s19;
	s14 =	sadd.s32 s4, s25  }
0x11: {  	s19 =	simm.s32 $0x5200;
	s21 =	simm.s32 $0x2A00;
	s5 =	sshrl.u32 s5, $0x3  }
0x12: {  	s10 =	sadd.s32 $0x26C0, s10;
	s8 =	smax.u32 s17, $0x1;
	s26 =	sshrl.u32 s23, $0x3  }
0x13: {  	s5 =	sadd.s32 s5, s0;
	s0 =	sadd.s32 s15, s0;
	s18 =	sshrl.u32 s10, $0x3  }
0x14: {  	s10 =	sshll.u32 s10, $0x4;
	[dreg:$0xc] =	wrdreg s8;
	s12 =	sadd.s32 s26, s6  }
0x15: {  	s26 =	simm.s32 $0x3;
	s8 =	simm.s32 $0xA;
	s11 =	sadd.s32 s6, s18  }
0x16: {  	s20 =	sadd.s32 s7, s10;
	s10 =	sadd.s32 s9, s10;
	[dreg:$0x7] =	wrdreg s11  }
0x17: {  	s0 =	sadd.s32 $0xA07000, s0;
	s5 =	sadd.s32 $0x36A00, s5;
	[dreg:$0x8] =	wrdreg s20  }
0x18: {  	s7 =	sadd.s32 s24, s7;
	s18 =	simm.s32 $0x200;
	[dreg:$0x9] =	wrdreg s10  }
0x19: {  	s24 =	simm.s32 $0x2;
	s9 =	simm.s32 $0x0;
	[dreg:$0xa] =	wrdreg s0  }
0x1a: {  	[dreg:$0xb] =	wrdreg s5;
	s0 =	sshrl.u32 s22, $0x2;
	s11 =	sadd.s32 $0x50, s23  }
0x1b: {  	s7 =	sadd.s32 s4, s7;
	s4 =	sshrl.u32 @p0 s2, $0x3;
	s20 =	simm.s32 $0x80  }
0x1c: {  	s22 =	simm.s32 $0x7A00;
	s23 =	simm.s32 $0x1;
	s5 =	simm.s32 $0x7  }
0x1d: {  	s0 =	sadd.s32 s0, s1;
	s11 =	sshrl.u32 s11, $0x3;
	[dreg:$0x4] =	wrdreg s7  }
0x1e: {  	[dreg:$0xd] =	wrdreg s4;
	s4 =	sshrl.u32 @!p1 s1, $0x3;
	s7 =	simm.s32 $0x9  }
0x1f: {  	s11 =	sadd.s32 s11, s6;
	[dreg:$0xe] =	wrdreg s4;
	s25 =	sshrl.u32 @!p2 s0, $0x3  }
0x20: {  	s0 =	simm.s32 $0x6;
	s4 =	simm.s32 $0x180;
	s6 =	simm.s32 $0x8  }
.LBB2_1:
0x21: {  	s13 =	rddreg [dreg:$0x6]  }
0x22: {  	s10 =	simm.s32 @p0 $0x1C4B;
	s15 =	rddreg [dreg:$0xd]  }
0x23: {  	[spmem:s15], [sflag:s10] =	dma.local @p0 [hbm:s13], $0x2710  }
0x24: {  	s10 =	simm.s32 @p0 $0xB  }
0x25: {  	_ =	swait.ge @p0 [sflag:s10], $0x2710  }
0x26: {  	[sflag:s10] =	ssyncset.done @p0 $0x0;
	s13 =	rddreg [dreg:$0x5]  }
0x27: {  	s15 =	rddreg [dreg:$0xe];
	[sflag:s10] =	ssyncadd.s32 @p0 $0xFFFFD8F0;
	s10 =	simm.s32 @!p1 $0x1C0B  }
0x28: {  	[spmem:s15], [sflag:s10] =	dma.local @!p1 [hbm:s13], $0x27100  }
0x29: {  	s10 =	simm.s32 @!p1 $0xB  }
0x2a: {  	_ =	swait.ge @!p1 [sflag:s10], $0x27100  }
0x2b: {  	[sflag:s10] =	ssyncset.done @!p1 $0x0  }
0x2c: {  	[sflag:s10] =	ssyncadd.s32 @!p1 $0xFFFD8F00  }
0x2d: {  	[bflag:$0x0] =	sbarrier.arrive $0xFFFF  }
0x2e: {  	s15 =	rddreg [dreg:$0x4]  }
0x2f: {  	[tilespmem:s3], [sflag:$0x1] =	stream.linear.gather [hbm4b:s12+s3], $0x50, $0x38;
	[tilespmem:$0x1EE08] =	vst v63  }
0x30: {  	s10 =	sadd.s32 $0x0, s15  }
0x31: {  	[tilespmem:s18], [sflag:$0x2] =	stream.linear.gather [hbm4b:s10+s3], $0x2800, $0x38;
	[tilespmem:$0x1EE08] =	vst v63  }
0x32: {  	s16 =	sadd.s32 $0x0, s14  }
0x33: {  	[tilespmem:s19], [sflag:$0x3] =	stream.linear.gather [hbm4b:s16+s3], $0x2800, $0x38;
	[tilespmem:$0x1EE08] =	vst v63  }
0x34: {  	_ = 	snop  }
0x35: {  	[tilespmem:s20], [sflag:$0x4] =	stream.linear.gather [hbm4b:s11+s3], $0x50, $0x38;
	[tilespmem:$0x1EE08] =	vst v63  }
0x36: {  	s10 =	sadd.s32 $0x500, s10  }
0x37: {  	[tilespmem:s21], [sflag:$0x5] =	stream.linear.gather [hbm4b:s10+s3], $0x2800, $0x38;
	[tilespmem:$0x1EE08] =	vst v63  }
0x38: {  	s17 =	sadd.s32 $0x500, s16  }
0x39: {  	[tilespmem:s22], [sflag:$0x6] =	stream.linear.gather [hbm4b:s17+s3], $0x2800, $0x38;
	[tilespmem:$0x1EE08] =	vst v63  }
0x3a: {  	_ =	swait.ge [sflag:s23], $0x50  }
0x3b: {  	[sflag:s23] =	ssyncset.done $0x0  }
0x3c: {  	[sflag:s23] =	ssyncadd.s32 $0xFFFFFFB0  }
0x3d: {  	_ =	swait.ge [sflag:s24], $0x2800  }
0x3e: {  	[sflag:s24] =	ssyncset.done $0x0  }
0x3f: {  	[sflag:s24] =	ssyncadd.s32 $0xFFFFD800  }
0x40: {  	_ =	swait.ge [sflag:s26], $0x2800  }
0x41: {  	[sflag:s26] =	ssyncset.done $0x0  }
0x42: {  	[sflag:s26] =	ssyncadd.s32 $0xFFFFD800  }
0x43: {  	v0 =	vld [tilespmem:$0x40]  }
0x44: {  	v1 =	vld [tilespmem:$0x20]  }
0x45: {  	v2 =	vld [tilespmem:$0x10]  }
0x46: {  	v3 =	vld [tilespmem:$0x0]  }
0x47: {  	v4 =	vld [tilespmem:$0x30]  }
0x48: {  	v0 =	vshra.s32 v0, $0x4  }
0x49: {  	v1 =	vshra.s32 v1, $0x4;
	[tilespmem:$0x140] =	vst v0  }
0x4a: {  	v53 =	vshra.s32 v2, $0x4;
	[tilespmem:$0x120] =	vst v1  }
0x4b: {  	v54 =	vshra.s32 v3, $0x4;
	[tilespmem:$0x110] =	vst v53  }
0x4c: {  	v55 =	vshra.s32 v4, $0x4;
	[tilespmem:$0x100] =	vst v54  }
0x4d: {  	[tilespmem:$0x130] =	vst v55  }
0x4e: {  	[spmem:s1] =	stream.indirect.scatter.add.f32 [tilespmem:s18], [sflag:$0x7], $0x80, s3, s28, $0xb8;
	[tilespmem:$0x1EE08] =	vst v63  }
0x4f: {  	_ = 	snop  }
0x50: {  	[spmem:s2] =	stream.indirect.scatter.add.f32 [tilespmem:s19], [sflag:$0x8], $0x80, s29, s28, $0xb8;
	[tilespmem:$0x1EE08] =	vst v63  }
0x51: {  	_ =	swait.ge [sflag:s30], $0x50  }
0x52: {  	[sflag:s30] =	ssyncset.done $0x0  }
0x53: {  	[sflag:s30] =	ssyncadd.s32 $0xFFFFFFB0  }
0x54: {  	_ =	swait.ge [sflag:s31], $0x2800  }
0x55: {  	[sflag:s31] =	ssyncset.done $0x0  }
0x56: {  	[sflag:s31] =	ssyncadd.s32 $0xFFFFD800  }
0x57: {  	_ =	swait.ge [sflag:s0], $0x2800  }
0x58: {  	[sflag:s0] =	ssyncset.done $0x0  }
0x59: {  	[sflag:s0] =	ssyncadd.s32 $0xFFFFD800  }
0x5a: {  	v56 =	vld [tilespmem:$0xC0]  }
0x5b: {  	v57 =	vld [tilespmem:$0x80]  }
0x5c: {  	v58 =	vld [tilespmem:$0xB0]  }
0x5d: {  	v59 =	vld [tilespmem:$0x90]  }
0x5e: {  	v60 =	vld [tilespmem:$0xA0]  }
0x5f: {  	v0 =	vshra.s32 v56, $0x4  }
0x60: {  	v1 =	vshra.s32 v57, $0x4;
	[tilespmem:$0x1C0] =	vst v0  }
0x61: {  	v61 =	vshra.s32 v58, $0x4;
	[tilespmem:$0x180] =	vst v1  }
0x62: {  	v62 =	vshra.s32 v59, $0x4;
	[tilespmem:$0x1B0] =	vst v61  }
0x63: {  	v63 =	vshra.s32 v60, $0x4;
	[tilespmem:$0x190] =	vst v62  }
0x64: {  	[tilespmem:$0x1A0] =	vst v63  }
0x65: {  	[spmem:s1] =	stream.indirect.scatter.add.f32 [tilespmem:s21], [sflag:$0x9], $0x80, s20, s28, $0xb8;
	[tilespmem:$0x1EE08] =	vst v63  }
0x66: {  	_ = 	snop  }
0x67: {  	[spmem:s2] =	stream.indirect.scatter.add.f32 [tilespmem:s22], [sflag:$0xA], $0x80, s4, s28, $0xb8;
	[tilespmem:$0x1EE08] =	vst v63  }
0x68: {  	_ =	swait.ge [sflag:s5], $0x2800  }
0x69: {  	s13 =	smov.u32 s11;
	[sflag:s5] =	ssyncset.done $0x0  }
0x6a: {  	s15 =	smov.u32 s12;
	s10 =	simm.s32 $0xA00;
	[sflag:s5] =	ssyncadd.s32 $0xFFFFD800  }
.LBB2_2:
0x6b: {  	_ =	swait.ge [sflag:s6], $0x2800  }
0x6c: {  	[sflag:s6] =	ssyncset.done $0x0  }
0x6d: {  	[sflag:s6] =	ssyncadd.s32 $0xFFFFD800  }
0x6e: {  	_ =	swait.ge [sflag:s7], $0x2800  }
0x6f: {  	[sflag:s7] =	ssyncset.done $0x0  }
0x70: {  	[sflag:s7] =	ssyncadd.s32 $0xFFFFD800  }
0x71: {  	_ =	swait.ge [sflag:s8], $0x2800  }
0x72: {  	s15 =	sadd.s32 $0x14, s15;
	[sflag:s8] =	ssyncset.done $0x0  }
0x73: {  	s16 =	smov.u32 s10;
	s17 =	rddreg [dreg:$0x4];
	[sflag:s8] =	ssyncadd.s32 $0xFFFFD800  }
0x74: {  	[tilespmem:s3], [sflag:$0x1] =	stream.linear.gather [hbm4b:s15+s3], $0x50, $0x38;
	[tilespmem:$0x1EE08] =	vst v63  }
0x75: {  	s17 =	sadd.s32 s16, s17  }
0x76: {  	[tilespmem:s18], [sflag:$0x2] =	stream.linear.gather [hbm4b:s17+s3], $0x2800, $0x38;
	[tilespmem:$0x1EE08] =	vst v63  }
0x77: {  	s16 =	sadd.s32 s16, s14  }
0x78: {  	[tilespmem:s19], [sflag:$0x3] =	stream.linear.gather [hbm4b:s16+s3], $0x2800, $0x38;
	[tilespmem:$0x1EE08] =	vst v63  }
0x79: {  	s13 =	sadd.s32 $0x14, s13  }
0x7a: {  	[tilespmem:s20], [sflag:$0x4] =	stream.linear.gather [hbm4b:s13+s3], $0x50, $0x38;
	[tilespmem:$0x1EE08] =	vst v63  }
0x7b: {  	s17 =	sadd.s32 $0x500, s17  }
0x7c: {  	[tilespmem:s21], [sflag:$0x5] =	stream.linear.gather [hbm4b:s17+s3], $0x2800, $0x38;
	[tilespmem:$0x1EE08] =	vst v63  }
0x7d: {  	s16 =	sadd.s32 $0x500, s16  }
0x7e: {  	[tilespmem:s22], [sflag:$0x6] =	stream.linear.gather [hbm4b:s16+s3], $0x2800, $0x38;
	[tilespmem:$0x1EE08] =	vst v63  }
0x7f: {  	_ =	swait.ge [sflag:s23], $0x50  }
0x80: {  	[sflag:s23] =	ssyncset.done $0x0  }
0x81: {  	[sflag:s23] =	ssyncadd.s32 $0xFFFFFFB0  }
0x82: {  	_ =	swait.ge [sflag:s24], $0x2800  }
0x83: {  	[sflag:s24] =	ssyncset.done $0x0  }
0x84: {  	[sflag:s24] =	ssyncadd.s32 $0xFFFFD800  }
0x85: {  	_ =	swait.ge [sflag:s26], $0x2800  }
0x86: {  	[sflag:s26] =	ssyncset.done $0x0  }
0x87: {  	[sflag:s26] =	ssyncadd.s32 $0xFFFFD800  }
0x88: {  	v0 =	vld [tilespmem:$0x40]  }
0x89: {  	v1 =	vld [tilespmem:$0x20]  }
0x8a: {  	v2 =	vld [tilespmem:$0x10]  }
0x8b: {  	v3 =	vld [tilespmem:$0x0]  }
0x8c: {  	v4 =	vld [tilespmem:$0x30]  }
0x8d: {  	v0 =	vshra.s32 v0, $0x4  }
0x8e: {  	v1 =	vshra.s32 v1, $0x4;
	[tilespmem:$0x140] =	vst v0  }
0x8f: {  	v53 =	vshra.s32 v2, $0x4;
	[tilespmem:$0x120] =	vst v1  }
0x90: {  	v54 =	vshra.s32 v3, $0x4;
	[tilespmem:$0x110] =	vst v53  }
0x91: {  	v55 =	vshra.s32 v4, $0x4;
	[tilespmem:$0x100] =	vst v54  }
0x92: {  	[tilespmem:$0x130] =	vst v55  }
0x93: {  	[spmem:s1] =	stream.indirect.scatter.add.f32 [tilespmem:s18], [sflag:$0x7], $0x80, s3, s28, $0xb8;
	[tilespmem:$0x1EE08] =	vst v63  }
0x94: {  	_ = 	snop  }
0x95: {  	[spmem:s2] =	stream.indirect.scatter.add.f32 [tilespmem:s19], [sflag:$0x8], $0x80, s29, s28, $0xb8;
	[tilespmem:$0x1EE08] =	vst v63  }
0x96: {  	_ =	swait.ge [sflag:s30], $0x50  }
0x97: {  	[sflag:s30] =	ssyncset.done $0x0  }
0x98: {  	[sflag:s30] =	ssyncadd.s32 $0xFFFFFFB0  }
0x99: {  	_ =	swait.ge [sflag:s31], $0x2800  }
0x9a: {  	[sflag:s31] =	ssyncset.done $0x0  }
0x9b: {  	[sflag:s31] =	ssyncadd.s32 $0xFFFFD800  }
0x9c: {  	_ =	swait.ge [sflag:s0], $0x2800  }
0x9d: {  	[sflag:s0] =	ssyncset.done $0x0  }
0x9e: {  	[sflag:s0] =	ssyncadd.s32 $0xFFFFD800  }
0x9f: {  	v56 =	vld [tilespmem:$0xC0]  }
0xa0: {  	v57 =	vld [tilespmem:$0x80]  }
0xa1: {  	v58 =	vld [tilespmem:$0xB0]  }
0xa2: {  	v59 =	vld [tilespmem:$0x90]  }
0xa3: {  	v60 =	vld [tilespmem:$0xA0]  }
0xa4: {  	v0 =	vshra.s32 v56, $0x4  }
0xa5: {  	v1 =	vshra.s32 v57, $0x4;
	[tilespmem:$0x1C0] =	vst v0  }
0xa6: {  	v61 =	vshra.s32 v58, $0x4;
	[tilespmem:$0x180] =	vst v1  }
0xa7: {  	v62 =	vshra.s32 v59, $0x4;
	[tilespmem:$0x1B0] =	vst v61  }
0xa8: {  	v63 =	vshra.s32 v60, $0x4;
	[tilespmem:$0x190] =	vst v62  }
0xa9: {  	p4 =	sne.s32 s10, $0x26200;
	[tilespmem:$0x1A0] =	vst v63  }
0xaa: {  	[spmem:s1] =	stream.indirect.scatter.add.f32 [tilespmem:s21], [sflag:$0x9], $0x80, s20, s28, $0xb8;
	[tilespmem:$0x1EE08] =	vst v63  }
.Ltmp0:
0xab: {  	_ = 	snop;
	(pc) =	sbr.rel @p4 .LBB2_2-.Ltmp0, $4  }
0xac: {  	[spmem:s2] =	stream.indirect.scatter.add.f32 [tilespmem:s22], [sflag:$0xA], $0x80, s4, s28, $0xb8;
	[tilespmem:$0x1EE08] =	vst v63  }
0xad: {  	_ =	swait.ge [sflag:s5], $0x2800  }
0xae: {  	[sflag:s5] =	ssyncset.done $0x0  }
0xaf: {  	s10 =	sadd.s32 $0xA00, s10;
	[sflag:s5] =	ssyncadd.s32 $0xFFFFD800  }
0xb0: {  	_ =	swait.ge [sflag:s6], $0x2800  }
0xb1: {  	[sflag:s6] =	ssyncset.done $0x0  }
0xb2: {  	[sflag:s6] =	ssyncadd.s32 $0xFFFFD800  }
0xb3: {  	_ =	swait.ge [sflag:s7], $0x2800  }
0xb4: {  	[sflag:s7] =	ssyncset.done $0x0  }
0xb5: {  	[sflag:s7] =	ssyncadd.s32 $0xFFFFD800  }
0xb6: {  	_ =	swait.ge [sflag:s8], $0x2800  }
0xb7: {  	[sflag:s8] =	ssyncset.done $0x0  }
0xb8: {  	s10 =	rddreg [dreg:$0x7];
	[sflag:s8] =	ssyncadd.s32 $0xFFFFD800  }
0xb9: {  	[tilespmem:s3], [sflag:$0x1] =	stream.linear.gather [hbm4b:s10+s3], $0x50, $0x38;
	[tilespmem:$0x1EE08] =	vst v63  }
0xba: {  	s15 =	rddreg [dreg:$0x8]  }
0xbb: {  	[tilespmem:s18], [sflag:$0x2] =	stream.linear.gather [hbm4b:s15+s3], $0x2800, $0x38;
	[tilespmem:$0x1EE08] =	vst v63  }
0xbc: {  	s16 =	rddreg [dreg:$0x9]  }
0xbd: {  	[tilespmem:s19], [sflag:$0x3] =	stream.linear.gather [hbm4b:s16+s3], $0x2800, $0x38;
	[tilespmem:$0x1EE08] =	vst v63  }
0xbe: {  	_ =	swait.ge [sflag:s23], $0x50  }
0xbf: {  	[sflag:s23] =	ssyncset.done $0x0  }
0xc0: {  	[sflag:s23] =	ssyncadd.s32 $0xFFFFFFB0  }
0xc1: {  	_ =	swait.ge [sflag:s24], $0x2800  }
0xc2: {  	[sflag:s24] =	ssyncset.done $0x0  }
0xc3: {  	[sflag:s24] =	ssyncadd.s32 $0xFFFFD800  }
0xc4: {  	_ =	swait.ge [sflag:s26], $0x2800  }
0xc5: {  	[sflag:s26] =	ssyncset.done $0x0  }
0xc6: {  	[sflag:s26] =	ssyncadd.s32 $0xFFFFD800  }
0xc7: {  	v0 =	vld [tilespmem:$0x0]  }
0xc8: {  	v1 =	vld [tilespmem:$0x10]  }
0xc9: {  	v2 =	vld [tilespmem:$0x20]  }
0xca: {  	v3 =	vld [tilespmem:$0x30]  }
0xcb: {  	v4 =	vld [tilespmem:$0x40]  }
0xcc: {  	v0 =	vshra.s32 v0, $0x4  }
0xcd: {  	v60 =	vshra.s32 v1, $0x4;
	[tilespmem:$0x100] =	vst v0  }
0xce: {  	v61 =	vshra.s32 v2, $0x4;
	[tilespmem:$0x110] =	vst v60  }
0xcf: {  	v62 =	vshra.s32 v3, $0x4;
	[tilespmem:$0x120] =	vst v61  }
0xd0: {  	v63 =	vshra.s32 v4, $0x4;
	[tilespmem:$0x130] =	vst v62  }
0xd1: {  	[tilespmem:$0x140] =	vst v63  }
0xd2: {  	[spmem:s1] =	stream.indirect.scatter.add.f32 [tilespmem:s18], [sflag:$0x7], $0x80, s3, s28, $0xb8;
	[tilespmem:$0x1EE08] =	vst v63  }
0xd3: {  	_ = 	snop  }
0xd4: {  	[spmem:s2] =	stream.indirect.scatter.add.f32 [tilespmem:s19], [sflag:$0x8], $0x80, s29, s28, $0xb8;
	[tilespmem:$0x1EE08] =	vst v63  }
0xd5: {  	_ =	swait.ge [sflag:s5], $0x2800  }
0xd6: {  	[sflag:s5] =	ssyncset.done $0x0  }
0xd7: {  	[sflag:s5] =	ssyncadd.s32 $0xFFFFD800  }
0xd8: {  	_ =	swait.ge [sflag:s6], $0x2800  }
0xd9: {  	[sflag:s6] =	ssyncset.done $0x0  }
0xda: {  	[sflag:s6] =	ssyncadd.s32 $0xFFFFD800  }
0xdb: {  	[bflag:$0x0] =	sbarrier.arrive $0xFFFF  }
0xdc: {  	s13 =	simm.s32 @!p3 $0x1E8B;
	s10 =	sshrl.u32 @!p3 s2, $0x3;
	s15 =	rddreg [dreg:$0xa]  }
0xdd: {  	[hbm:s15], [sflag:s13] =	dma.local @!p3 [spmem:s10], $0x2710  }
0xde: {  	s10 =	simm.s32 @!p3 $0xB  }
0xdf: {  	s13 =	stileid.u32;
	_ =	swait.ge @!p3 [sflag:s10], $0x2710  }
0xe0: {  	s13 =	sshll.u32 @!p2 s13, $0x6;
	[sflag:s10] =	ssyncset.done @!p3 $0x0  }
0xe1: {  	[sflag:s10] =	ssyncadd.s32 @!p3 $0xFFFFD8F0;
	s10 =	sor.u32 @!p2 $0x1C0B, s13;
	s13 =	rddreg [dreg:$0xb]  }
0xe2: {  	[hbm:s13], [sflag:s10] =	dma.local @!p2 [spmem:s25], $0x3E80  }
0xe3: {  	s10 =	simm.s32 @!p2 $0xB  }
0xe4: {  	_ =	swait.ge @!p2 [sflag:s10], $0x3E80  }
0xe5: {  	s9 =	sadd.s32 $0x1, s9;
	s17 =	rddreg [dreg:$0xc]  }
0xe6: {  	p4 =	sne.s32 s9, s17  }
.Ltmp1:
0xe7: {  	_ = 	snop;
	(pc) =	sbr.rel @p4 .LBB2_1-.Ltmp1, $3  }
0xe8: {  	_ =	sdelay $0x1  }
0xe9: {  	[sflag:s10] =	ssyncset.done @!p2 $0x0  }
0xea: {  	[sflag:s10] =	ssyncadd.s32 @!p2 $0xFFFFC180  }
0xeb: {  	_ =	sfence.sel $0x180000  }
0xec: {  	[bflag:$0x0] =	sbarrier.arrive $0xFFFF  }
0xed: {  	_ =	strace $0x9000004A  }
0xee: {  	s0 =	stileid.u32;
	[bflag:$0x2] =	sbarrier.arrive $0xFFFF  }
0xef: {  	p0 =	sne.s32 s0, $0x0;
	s0 =	rddreg [dreg:$0x3]  }
0xf0: {  	s0 =	sadd.s32 @!p0 $0x100000, s0  }
0xf1: {  	[sflag:s0] =	ssyncadd.tile.s32 @!p0 $0x1;
	_ =	shalt  }
.Lfunc_end2:
_tile_overlayer_lowered:
.L_overlay_start_2:
0xf2: {  	(tag) =	ssettag $0x2  }
0xf3: {  	s0 =	rddreg [dreg:$0x0];
	s2 =	stileid.u32  }
0xf4: {  	s1 =	rddreg [dreg:$0x1];
	p0 =	sne.s32 s2, $0x0  }
0xf5: {  	s3 =	rddreg [dreg:$0x2];
	[bflag:$0x3] =	sbarrier.arrive $0xFFFF;
	s2 =	simm.s32 @!p0 $0x1C0B  }
0xf6: {  	[timem:s3], [sflag:s2] =	dma.local @!p0 [hbm:s0], s1  }
0xf7: {  	s0 =	simm.s32 @!p0 $0xB  }
0xf8: {  	_ =	swait.ge @!p0 [sflag:s0], s1  }
0xf9: {  	s1 =	ssub.s32 @!p0 $0x0, s1;
	[sflag:s0] =	ssyncset.done @!p0 $0x0  }
0xfa: {  	[sflag:s0] =	ssyncadd.s32 @!p0 s1  }
0xfb: {  	[bflag:$0x3] =	sbarrier.arrive $0xFFFF  }
0xfc: {  	_ =	shalt  }

// kernel: kernel.8.cloned.1.call-start
scs
__scs_entry_jumppad:
0x0: {  	(pc) =	sbr.rel $0x88, $3  }
0x1: {  	(tag) =	ssettag $0x0;
	lr =	simm.s32 $0x1  }
0x2: {  	[smem:$0x3F97] =	sst lr;
	_ =	strace $0xD0000000  }
0x3: {  	_ = 	snop  }
0x4: {  	_ = 	snop  }
0x5: {  	_ = 	snop  }
0x6: {  	_ = 	snop  }
0x7: {  	_ = 	snop  }
__scs_overlays_trampoline_lowered:
0x8: {  	[smem:$0x3FA6] =	sst s0  }
0x9: {  	[smem:$0x3FA7] =	sst s1  }
0xa: {  	[smem:$0x3FA8] =	sst s2  }
0xb: {  	[smem:$0x3FA9] =	sst s3  }
0xc: {  	[smem:$0x3FAA] =	sst s4  }
0xd: {  	[smem:$0x3FAB] =	sst s5  }
0xe: {  	[smem:$0x3FAC] =	sst s6  }
0xf: {  	[smem:$0x3FAD] =	sst s7  }
0x10: {  	[smem:$0x3FAE] =	sst s8  }
0x11: {  	[smem:$0x3FAF] =	sst s9;
	s0 =	simm.s32 @!p0 $0x0  }
0x12: {  	s1 =	sld [smem:$0x3F95];
	s0 =	simm.s32 @p0 $0x1  }
0x13: {  	[smem:$0x3FB0] =	sst s0;
	s0 =	simm.s32 @!p1 $0x0  }
0x14: {  	s2 =	sld [smem:$0x3F94];
	s0 =	simm.s32 @p1 $0x1  }
0x15: {  	[smem:$0x3FB1] =	sst s0;
	s0 =	simm.s32 @!p2 $0x0  }
0x16: {  	s3 =	sld [smem:$0x3FDB];
	s0 =	simm.s32 @p2 $0x1  }
0x17: {  	s4 =	simm.s32 $0x1BF5;
	[smem:$0x3FB3] =	sst s0  }
0x18: {  	s0 =	sld [smem:$0x3F96];
	_ =	swait.ge [sflag:s4], $0x0  }
0x19: {  	s7 =	sld [smem:$0x3F97]  }
0x1a: {  	s8 =	sadd.s32 $0xFFFFE003, lr  }
0x1b: {  	s9 =	sadd.s32 $0xFFFFFEF7, lr;
	s5 =	simm.s32 $0xFFFFFFFF;
	p2 =	slt.u32 s8, $0xFFFFF086  }
0x1c: {  	p1 =	slt.u32 s9, $0xF7A;
	s5 =	simm.s32 @!p2 $0x0  }
0x1d: {  	s5 =	simm.s32 @p1 $0x1;
	p0 =	seq.s32 s7, s2  }
0x1e: {  	s7 =	smul.u32 @!p0 $0xF7A, s2;
	p2 =	seq.s32 @!p0 s5, $0x0  }
0x1f: {  	s9 =	smul.u32 $0xF7A, s1;
	s8 =	simm.s32 @!p0 $0x1BF5;
	p2 =	por !p2, p0  }
0x20: {  	[sflag:s8] =	ssyncset.s32 @!p0 $0xFFFFF086;
	s6 =	sadd.s32 @!p0 s3, s7;
	s7 =	simm.s32 @!p0 $0x108  }
0x21: {  	s3 =	sadd.s32 s3, s9;
	s6 =	sadd.s32 @!p0 $0x88, s6;
	s7 =	simm.s32 @p2 $0x1082  }
0x22: {  	[simem:s7], [sflag:s8] =	dma.local @!p0 [hbm:s6], $0xF7A  }
0x23: {  	s9 =	sor.u32 $0xD0000000, s2;
	s6 =	simm.s32 $0x108;
	_ =	swait.ge @!p0 [sflag:s8], $0x0  }
0x24: {  	s3 =	sadd.s32 $0x88, s3;
	s6 =	simm.s32 @!p1 $0x1082;
	[sflag:s4] =	ssyncset.s32 $0xFFFFF086  }
0x25: {  	[simem:s6], [sflag:s4] =	dma.local [hbm:s3], $0xF7A  }
0x26: {  	[smem:$0x3F97] =	sst s1;
	(tag) =	ssettag s2;
	_ =	strace s9  }
0x27: {  	s1 =	sld [smem:$0x3FA7]  }
0x28: {  	s2 =	sld [smem:$0x3FA8]  }
0x29: {  	s4 =	sld [smem:$0x3FAA]  }
0x2a: {  	p0 =	seq.s32 s5, $0x0;
	s5 =	sld [smem:$0x3FAB]  }
0x2b: {  	s6 =	sld [smem:$0x3FAC]  }
0x2c: {  	s7 =	sld [smem:$0x3FAD]  }
0x2d: {  	s3 =	simm.s32 $0x108;
	s8 =	sld [smem:$0x3FAE]  }
0x2e: {  	s3 =	simm.s32 @!p0 $0x1082;
	s9 =	sld [smem:$0x3FAF]  }
0x2f: {  	lr =	sadd.s32 s0, s3;
	s0 =	sld [smem:$0x3FA6]  }
0x30: {  	s3 =	sld [smem:$0x3FA9]  }
0x31: {  	[smem:$0x3FB2] =	sst s10  }
0x32: {  	s10 =	sld [smem:$0x3FB0];
	_ =	sdelay $0x3  }
0x33: {  	p0 =	seq.s32 s10, $0x1;
	s10 =	sld [smem:$0x3FB2];
	_ =	sdelay $0x3  }
0x34: {  	[smem:$0x3FB2] =	sst s10  }
0x35: {  	s10 =	sld [smem:$0x3FB1];
	_ =	sdelay $0x3  }
0x36: {  	p1 =	seq.s32 s10, $0x1;
	s10 =	sld [smem:$0x3FB2];
	_ =	sdelay $0x3  }
0x37: {  	[smem:$0x3FB2] =	sst s10  }
0x38: {  	s10 =	sld [smem:$0x3FB3]  }
0x39: {  	_ = 	snop;
	(pc) =	sbr.ind lr, $3  }
0x3a: {  	_ = 	snop  }
0x3b: {  	_ = 	snop  }
0x3c: {  	p2 =	seq.s32 s10, $0x1;
	s10 =	sld [smem:$0x3FB2]  }
0x3d: {  	_ =	shalt  }
0x3e: {  	_ =	shalt  }
0x3f: {  	_ =	shalt  }
0x40: {  	_ =	shalt  }
0x41: {  	_ =	shalt  }
0x42: {  	_ =	shalt  }
0x43: {  	_ =	shalt  }
0x44: {  	_ =	shalt  }
0x45: {  	_ =	shalt  }
0x46: {  	_ =	shalt  }
0x47: {  	_ =	shalt  }
0x48: {  	_ =	shalt  }
0x49: {  	_ =	shalt  }
0x4a: {  	_ =	shalt  }
0x4b: {  	_ =	shalt  }
0x4c: {  	_ =	shalt  }
0x4d: {  	_ =	shalt  }
0x4e: {  	_ =	shalt  }
0x4f: {  	_ =	shalt  }
0x50: {  	_ =	shalt  }
0x51: {  	_ =	shalt  }
0x52: {  	_ =	shalt  }
0x53: {  	_ =	shalt  }
0x54: {  	_ =	shalt  }
0x55: {  	_ =	shalt  }
0x56: {  	_ =	shalt  }
0x57: {  	_ =	shalt  }
0x58: {  	_ =	shalt  }
0x59: {  	_ =	shalt  }
0x5a: {  	_ =	shalt  }
0x5b: {  	_ =	shalt  }
0x5c: {  	_ =	shalt  }
0x5d: {  	_ =	shalt  }
0x5e: {  	_ =	shalt  }
0x5f: {  	_ =	shalt  }
0x60: {  	_ =	shalt  }
0x61: {  	_ =	shalt  }
0x62: {  	_ =	shalt  }
0x63: {  	_ =	shalt  }
0x64: {  	_ =	shalt  }
0x65: {  	_ =	shalt  }
0x66: {  	_ =	shalt  }
0x67: {  	_ =	shalt  }
0x68: {  	_ =	shalt  }
0x69: {  	_ =	shalt  }
0x6a: {  	_ =	shalt  }
0x6b: {  	_ =	shalt  }
0x6c: {  	_ =	shalt  }
0x6d: {  	_ =	shalt  }
0x6e: {  	_ =	shalt  }
0x6f: {  	_ =	shalt  }
0x70: {  	_ =	shalt  }
0x71: {  	_ =	shalt  }
0x72: {  	_ =	shalt  }
0x73: {  	_ =	shalt  }
0x74: {  	_ =	shalt  }
0x75: {  	_ =	shalt  }
0x76: {  	_ =	shalt  }
0x77: {  	_ =	shalt  }
0x78: {  	_ =	shalt  }
0x79: {  	_ =	shalt  }
0x7a: {  	_ =	shalt  }
0x7b: {  	_ =	shalt  }
0x7c: {  	_ =	shalt  }
0x7d: {  	_ =	shalt  }
0x7e: {  	_ =	shalt  }
0x7f: {  	_ =	shalt  }
0x80: {  	_ =	shalt  }
0x81: {  	_ =	shalt  }
0x82: {  	_ =	shalt  }
0x83: {  	_ =	shalt  }
0x84: {  	_ =	shalt  }
0x85: {  	_ =	shalt  }
0x86: {  	_ =	shalt  }
0x87: {  	_ =	shalt  }
.Lfunc_end0:
.L_simem_size_0:
called_computation_lowered:
.L_overlay_start_0:
0x88: {  	s2 =	sld [smem:$0x3FD9]  }
0x89: {  	s3 =	sld [smem:$0x3FFE];
	_ =	sdelay $0x1  }
0x8a: {  	s1 =	srdreg.scid  }
0x8b: {  	s0 =	sand.u32 $0x1, s1  }
0x8c: {  	s17 =	sshll.u32 s0, $0xA;
	s2 =	sadd.s32 s3, s2  }
0x8d: {  	s2 =	sadd.s32 s2, s17  }
0x8e: {  	[smem:$0x3FBE] =	sst s2  }
0x8f: {  	_ = 	snop  }
0x90: {  	s2 =	sld [smem:$0x3FD0];
	(tm) =	ssettm $0x1  }
0x91: {  	s18 =	sld [smem:$0x3FFB];
	_ =	sdelay $0x3  }
0x92: {  	_ =	strace s18  }
0x93: {  	s3 =	sld [smem:$0x3FFC];
	_ =	sdelay $0x3  }
0x94: {  	_ =	strace s3  }
0x95: {  	s3 =	sld [smem:$0x3FFD];
	_ =	sdelay $0x3  }
0x96: {  	_ =	strace s3  }
0x97: {  	_ =	strace $0x8FFFFFFF  }
0x98: {  	s19 =	sld [smem:$0x3FDB];
	_ =	sdelay $0x1  }
0x99: {  	s4 =	simm.s32 $_scs_section_size  }
0x9a: {  	s5 =	simm.s32 $_size__tile_overlayer_lowered;
	s6 =	simm.s32 $_tile_overlayer_lowered  }
0x9b: {  	s22 =	simm.s32 $0x1BFF;
	s21 =	sshll.u32 s6, $0x1;
	s3 =	sadd.s32 s4, s19  }
0x9c: {  	s7 =	simm.s32 $0x0;
	s20 =	sshll.u32 s5, $0x1;
	s5 =	sadd.s32 s21, s3  }
0x9d: {  	[timem:s7], [sflag:s22] =	dma.local [hbm:s5], s20  }
0x9e: {  	_ =	swait.ge [sflag:s22], s20  }
0x9f: {  	s4 =	ssub.s32 $0x0, s20;
	[sflag:s22] =	ssyncset.done $0x0  }
0xa0: {  	[sflag:s22] =	ssyncadd.s32 s4;
	_ =	sdelay $0x1  }
0xa1: {  	s23 =	simm.s32 $0x1B8B  }
0xa2: {  	_ =	swait.ge [sflag:s23], $0x1  }
0xa3: {  	[sflag:s23] =	ssyncset.done $0x0  }
0xa4: {  	s25 =	simm.s32 $0x1B8E;
	s24 =	sld [smem:$0x3FFE];
	[sflag:s23] =	ssyncadd.s32 $0xFFFFFFFF  }
0xa5: {  	s26 =	simm.s32 $execute0_lowered;
	[smem:$0x3FD2] =	sst s25  }
0xa6: {  	s5 =	sshll.u32 s26, $0x1;
	_ =	strace $0x80000046;
	[dreg:$0x1] =	wrdreg $0xFFFFFFFF  }
0xa7: {  	s28 =	simm.s32 $_size_execute0_lowered;
	s3 =	sadd.s32 s3, s5;
	[dreg:$0x0] =	wrdreg $0x0  }
0xa8: {  	s5 =	sshll.u32 s28, $0x1;
	[dreg:$0x2] =	wrdreg s3  }
0xa9: {  	[dreg:$0x3] =	wrdreg s5  }
0xaa: {  	[dreg:$0x4] =	wrdreg $0xC0  }
0xab: {  	_ =	task [dreg:s7], $0x5FFFF  }
0xac: {  	[dreg:$0x1] =	wrdreg $0xFFFFFFFF  }
0xad: {  	[dreg:$0x0] =	wrdreg $0x60  }
0xae: {  	[dreg:$0x2] =	wrdreg s24  }
0xaf: {  	[dreg:$0x3] =	wrdreg s2  }
0xb0: {  	[dreg:$0x4] =	wrdreg $0x16C800  }
0xb1: {  	[dreg:$0x5] =	wrdreg $0x9  }
0xb2: {  	_ =	task.clear_ibuf [dreg:s7], $0x6FFFF;
	_ =	strace $0x90000046  }
0xb3: {  	s29 =	simm.s32 $0x9;
	_ =	strace $0x80000048  }
0xb4: {  	_ =	swait.ge [sflag:s29], $0x1  }
0xb5: {  	[sflag:s29] =	ssyncadd.s32 $0xFFFFFFFF  }
0xb6: {  	_ =	strace $0x90000048  }
0xb7: {  	_ =	sfence  }
0xb8: {  	s30 =	sld [smem:$0x0];
	_ =	sdelay $0x2  }
0xb9: {  	s31 =	sshll.u32 s1, $0xD;
	s1 =	sshrl.u32 s1, $0x2  }
0xba: {  	s3 =	sand.u32 $0x4000, s31;
	s1 =	sadd.s32 s1, s30  }
0xbb: {  	s0 =	sor.u32 s3, s0;
	s1 =	sshll.u32 s1, $0x11  }
0xbc: {  	s0 =	sor.u32 s1, s0  }
0xbd: {  	s0 =	sadd.s32 $0x8F2B, s0  }
0xbe: {  	[sflag:s0] =	ssyncadd.remote.s32 $0x1  }
0xbf: {  	_ =	sfence.sel $0xFFFF  }
0xc0: {  	[dreg:$0x0] =	wrdreg $0xFFFFFFFF;
	(pc) =	sbr.abs _section_cstart, $3  }
0xc1: {  	[dreg:$0x1] =	wrdreg $0xFFFFFFFF  }
0xc2: {  	_ =	task.clear_ibuf [dreg:s7], $0x2FFFF;
	_ =	strace $0x9FFFFFFF  }
0xc3: {  	(tm) =	ssettm $0x7FFFFFFF  }
tec
execute0_lowered:
.L_overlay_start_1:
0x0: {  	(tag) =	ssettag $0x1  }
0x1: {  	s0 =	rddreg [dreg:$0x0];
	s3 =	simm.s32 $0x0;
	s1 =	srdreg.scid  }
0x2: {  	s2 =	stileid.u32;
	s31 =	simm.s32 $0x50;
	s28 =	simm.s32 $0xE  }
0x3: {  	[smem:$0x7FF] =	sst s3;
	s14 =	sadd.s32 $0xF800, s0;
	s5 =	sadd.s32 $0x9DD600, s0  }
0x4: {  	s1 =	sand.u32 $0x1, s1;
	s6 =	sadd.s32 $0xEBF600, s0;
	s7 =	sadd.s32 $0xA04800, s0  }
0x5: {  	s4 =	sshll.u32 s2, $0x1;
	s21 =	sadd.s32 $0x1883600, s0;
	s26 =	smul.u32 $0x4E20, s2  }
0x6: {  	s15 =	sadd.s32 $0x5A00, s0;
	s10 =	sadd.s32 $0x1D65600, s0;
	s16 =	smul.u32 $0x4E200, s2  }
0x7: {  	p0 =	sne.s32 s2, $0x0;
	_ =	strace $0x80000047;
	s8 =	smul.u32 $0x9C80, s1  }
0x8: {  	s4 =	sor.u32 s1, s4;
	[dreg:$0xc] =	wrdreg s7;
	s30 =	smul.u32 $0x2710, s1  }
0x9: {  	s9 =	ssub.s32 $0x2, s1;
	s1 =	smul.u32 $0x27100, s1;
	[dreg:$0xa] =	wrdreg s14  }
0xa: {  	[dreg:$0xb] =	wrdreg s15;
	s7 =	simm.s32 $0x5;
	s4 =	smul.u32 $0x2710, s4  }
0xb: {  	s11 =	sshrl.u32 s9, $0x1;
	s18 =	sadd.s32 s16, s6;
	s0 =	sadd.s32 s8, s0  }
0xc: {  	s22 =	ssub.s32 s9, s11;
	s19 =	sadd.s32 s1, s18;
	s8 =	simm.s32 $0x6  }
0xd: {  	s18 =	simm.s32 $0xC;
	s12 =	sadd.s32 $0x2670, s4;
	s4 =	sadd.s32 $0x26C0, s4  }
0xe: {  	[dreg:$0x4] =	wrdreg s19;
	s0 =	sadd.s32 $0xA0E600, s0;
	s22 =	smax.u32 s22, $0x1  }
0xf: {  	s19 =	simm.s32 $0x200;
	s23 =	sshrl.u32 s12, $0x3;
	[dreg:$0x17] =	wrdreg s0  }
0x10: {  	s25 =	sshll.u32 s12, $0x4;
	[dreg:$0x18] =	wrdreg s22;
	s24 =	sadd.s32 s14, s23  }
0x11: {  	s17 =	sshrl.u32 s4, $0x3;
	s9 =	sadd.s32 s15, s23;
	[dreg:$0xd] =	wrdreg s24  }
0x12: {  	s4 =	sshll.u32 s4, $0x4;
	s29 =	sadd.s32 s6, s25;
	[dreg:$0xe] =	wrdreg s9  }
0x13: {  	s12 =	simm.s32 $0x14480;
	s13 =	sadd.s32 s21, s25;
	[dreg:$0xf] =	wrdreg s29  }
0x14: {  	s11 =	sadd.s32 s10, s25;
	s14 =	sadd.s32 s14, s17;
	[dreg:$0x10] =	wrdreg s13  }
0x15: {  	s6 =	sadd.s32 s6, s4;
	s20 =	sadd.s32 s21, s4;
	[dreg:$0x11] =	wrdreg s11  }
0x16: {  	s4 =	sadd.s32 s10, s4;
	s21 =	sadd.s32 s16, s21;
	[dreg:$0x12] =	wrdreg s14  }
0x17: {  	s23 =	sadd.s32 s16, s10;
	s10 =	simm.s32 $0x80;
	[dreg:$0x14] =	wrdreg s6  }
0x18: {  	s16 =	simm.s32 $0xA;
	s9 =	sadd.s32 s30, s26;
	[dreg:$0x15] =	wrdreg s20  }
0x19: {  	s11 =	sadd.s32 s15, s17;
	[dreg:$0x16] =	wrdreg s4;
	s0 =	sadd.s32 s1, s21  }
0x1a: {  	s25 =	sadd.s32 s1, s23;
	s29 =	simm.s32 $0x380;
	s30 =	simm.s32 $0x400  }
0x1b: {  	s23 =	simm.s32 $0x3;
	s6 =	simm.s32 $0xA480;
	[dreg:$0x13] =	wrdreg s11  }
0x1c: {  	s20 =	simm.s32 $0xCC80;
	s17 =	simm.s32 $0xB;
	[dreg:$0x5] =	wrdreg s0  }
0x1d: {  	s1 =	simm.s32 $0xD;
	s4 =	simm.s32 $0x0;
	[dreg:$0x6] =	wrdreg s25  }
0x1e: {  	s24 =	sadd.s32 $0xA0, s9;
	s26 =	sadd.s32 $0x50, s9;
	[dreg:$0x7] =	wrdreg s29  }
0x1f: {  	s22 =	sshrl.u32 s9, $0x3;
	[dreg:$0x8] =	wrdreg s30;
	s25 =	simm.s32 $0x2C80  }
0x20: {  	s0 =	simm.s32 $0x11C80;
	s11 =	sshrl.u32 s24, $0x3;
	s21 =	sshrl.u32 s26, $0x3  }
0x21: {  	s24 =	simm.s32 $0x4;
	s26 =	simm.s32 $0x5480;
	[dreg:$0x9] =	wrdreg s11  }
.LBB2_1:
0x22: {  	[dreg:$0x19] =	wrdreg s4  }
0x23: {  	s14 =	rddreg [dreg:$0x2]  }
0x24: {  	s9 =	rddreg [dreg:$0xc];
	s4 =	sshrl.u32 @!p0 s14, $0x3  }
0x25: {  	s2 =	simm.s32 @!p0 $0x1C19;
	[dreg:$0x1a] =	wrdreg s4  }
0x26: {  	[spmem:s4], [sflag:s2] =	dma.local @!p0 [hbm:s9], $0x9C40  }
0x27: {  	s2 =	simm.s32 @!p0 $0x19  }
0x28: {  	_ =	swait.ge @!p0 [sflag:s2], $0x9C40  }
0x29: {  	[sflag:s2] =	ssyncset.done @!p0 $0x0  }
0x2a: {  	[sflag:s2] =	ssyncadd.s32 @!p0 $0xFFFF63C0  }
0x2b: {  	[bflag:$0x0] =	sbarrier.arrive $0xFFFF  }
0x2c: {  	s30 =	rddreg [dreg:$0xa]  }
0x2d: {  	s29 =	rddreg [dreg:$0xb];
	s9 =	sadd.s32 s30, s22  }
0x2e: {  	[tilespmem:s3], [sflag:$0x1] =	stream.linear.gather [hbm4b:s9+s3], $0x50, $0x38;
	[tilespmem:$0x1BAA0] =	vst v63  }
0x2f: {  	s15 =	simm.s32 $0x180;
	s13 =	sadd.s32 s29, s22  }
0x30: {  	[tilespmem:s15], [sflag:$0x2] =	stream.linear.gather [hbm4b:s13+s3], $0x50, $0x38;
	[tilespmem:$0x1BAA0] =	vst v63  }
0x31: {  	s14 =	sadd.s32 s30, s21  }
0x32: {  	[tilespmem:s10], [sflag:$0x3] =	stream.linear.gather [hbm4b:s14+s3], $0x50, $0x38;
	[tilespmem:$0x1BAA0] =	vst v63  }
0x33: {  	s4 =	sadd.s32 s29, s21  }
0x34: {  	[tilespmem:s19], [sflag:$0x4] =	stream.linear.gather [hbm4b:s4+s3], $0x50, $0x38;
	[tilespmem:$0x1BAA0] =	vst v63  }
0x35: {  	s9 =	sadd.s32 s30, s11;
	s4 =	simm.s32 $0x100  }
0x36: {  	[tilespmem:s4], [sflag:$0x5] =	stream.linear.gather [hbm4b:s9+s3], $0x50, $0x38;
	[tilespmem:$0x1BAA0] =	vst v63  }
0x37: {  	s13 =	simm.s32 $0x280;
	s10 =	sadd.s32 s29, s11;
	s11 =	simm.s32 $0x1  }
0x38: {  	[tilespmem:s13], [sflag:$0x6] =	stream.linear.gather [hbm4b:s10+s3], $0x50, $0x38;
	[tilespmem:$0x1BAA0] =	vst v63  }
0x39: {  	_ =	swait.ge [sflag:s11], $0x50  }
0x3a: {  	[sflag:s11] =	ssyncset.done $0x0  }
0x3b: {  	s14 =	simm.s32 $0x2;
	[sflag:s11] =	ssyncadd.s32 $0xFFFFFFB0  }
0x3c: {  	_ =	swait.ge [sflag:s14], $0x50  }
0x3d: {  	[sflag:s14] =	ssyncset.done $0x0  }
0x3e: {  	[sflag:s14] =	ssyncadd.s32 $0xFFFFFFB0  }
0x3f: {  	s14 =	simm.s32 $0x480;
	s10 =	rddreg [dreg:$0x1]  }
0x40: {  	[tilespmem:s14], [sflag:$0x7] =	stream.indirect.gather [hbm4b:s10+s31], $0x80, s3, s31, $0xb8;
	[tilespmem:$0x1BAA0] =	vst v63  }
0x41: {  	s9 =	simm.s32 $0x7C80;
	s2 =	rddreg [dreg:$0x4]  }
0x42: {  	[tilespmem:s9], [sflag:$0x8] =	stream.indirect.gather [hbm4b:s5+s31], $0x80, s15, s31, $0xb8;
	[tilespmem:$0x1BAA0] =	vst v63  }
0x43: {  	s2 =	sadd.s32 $0x0, s2;
	s15 =	simm.s32 $0xF480  }
0x44: {  	[tilespmem:s15], [sflag:$0x9] =	stream.linear.gather [hbm4b:s2+s3], $0x2800, $0x38;
	[tilespmem:$0x1BAA0] =	vst v63  }
0x45: {  	_ =	swait.ge [sflag:s23], $0x50  }
0x46: {  	[sflag:s23] =	ssyncset.done $0x0  }
0x47: {  	[sflag:s23] =	ssyncadd.s32 $0xFFFFFFB0  }
0x48: {  	_ =	swait.ge [sflag:s24], $0x50  }
0x49: {  	[sflag:s24] =	ssyncset.done $0x0  }
0x4a: {  	s11 =	simm.s32 $0x80;
	[sflag:s24] =	ssyncadd.s32 $0xFFFFFFB0  }
0x4b: {  	[tilespmem:s25], [sflag:$0xA] =	stream.indirect.gather [hbm4b:s10+s31], $0x80, s11, s31, $0xb8;
	[tilespmem:$0x1BAA0] =	vst v63  }
0x4c: {  	_ = 	snop  }
0x4d: {  	[tilespmem:s6], [sflag:$0xB] =	stream.indirect.gather [hbm4b:s5+s31], $0x80, s19, s31, $0xb8;
	[tilespmem:$0x1BAA0] =	vst v63  }
0x4e: {  	s24 =	sadd.s32 $0x500, s2  }
0x4f: {  	[tilespmem:s0], [sflag:$0xC] =	stream.linear.gather [hbm4b:s24+s3], $0x2800, $0x38;
	[tilespmem:$0x1BAA0] =	vst v63  }
0x50: {  	_ =	swait.ge [sflag:s7], $0x50  }
0x51: {  	[sflag:s7] =	ssyncset.done $0x0  }
0x52: {  	[sflag:s7] =	ssyncadd.s32 $0xFFFFFFB0  }
0x53: {  	_ =	swait.ge [sflag:s8], $0x50  }
0x54: {  	[sflag:s8] =	ssyncset.done $0x0  }
0x55: {  	[sflag:s8] =	ssyncadd.s32 $0xFFFFFFB0  }
0x56: {  	[tilespmem:s26], [sflag:$0xD] =	stream.indirect.gather [hbm4b:s10+s31], $0x80, s4, s31, $0xb8;
	[tilespmem:$0x1BAA0] =	vst v63  }
0x57: {  	_ = 	snop  }
0x58: {  	[tilespmem:s20], [sflag:$0xE] =	stream.indirect.gather [hbm4b:s5+s31], $0x80, s13, s31, $0xb8;
	[tilespmem:$0x1BAA0] =	vst v63  }
0x59: {  	s2 =	sadd.s32 $0xA00, s2;
	s7 =	simm.s32 $0x7  }
0x5a: {  	[tilespmem:s12], [sflag:$0xF] =	stream.linear.gather [hbm4b:s2+s3], $0x2800, $0x38;
	[tilespmem:$0x1BAA0] =	vst v63  }
0x5b: {  	_ =	swait.ge [sflag:s7], $0x2800  }
0x5c: {  	[sflag:s7] =	ssyncset.done $0x0  }
0x5d: {  	s8 =	simm.s32 $0x8;
	[sflag:s7] =	ssyncadd.s32 $0xFFFFD800  }
0x5e: {  	_ =	swait.ge [sflag:s8], $0x2800  }
0x5f: {  	[sflag:s8] =	ssyncset.done $0x0  }
0x60: {  	s9 =	simm.s32 $0x9;
	[sflag:s8] =	ssyncadd.s32 $0xFFFFD800  }
0x61: {  	_ =	swait.ge [sflag:s9], $0x2800  }
0x62: {  	s10 =	rddreg [dreg:$0x5];
	[sflag:s9] =	ssyncset.done $0x0  }
0x63: {  	s11 =	rddreg [dreg:$0x6];
	[sflag:s9] =	ssyncadd.s32 $0xFFFFD800;
	s2 =	sadd.s32 $0x0, s10  }
0x64: {  	[hbm4b:s2+s3] =	stream.linear.scatter [tilespmem:s14], [sflag:$0x10], $0x2800, $0x38;
	[tilespmem:$0x1BAA0] =	vst v63  }
0x65: {  	s13 =	simm.s32 $0x7C80;
	s9 =	sadd.s32 $0x0, s11  }
0x66: {  	[hbm4b:s9+s3] =	stream.linear.scatter [tilespmem:s13], [sflag:$0x11], $0x2800, $0x38;
	[tilespmem:$0x1BAA0] =	vst v63  }
0x67: {  	v0 =	vld [tilespmem:$0x1B0]  }
0x68: {  	v1 =	vld [tilespmem:$0x1C0]  }
0x69: {  	v2 =	vld [tilespmem:$0x1A0]  }
0x6a: {  	v3 =	vld [tilespmem:$0x190]  }
0x6b: {  	v4 =	vld [tilespmem:$0x180]  }
0x6c: {  	v0 =	vshra.s32 v0, $0x2  }
0x6d: {  	v1 =	vshra.s32 v1, $0x2;
	[tilespmem:$0x330] =	vst v0  }
0x6e: {  	v44 =	vshra.s32 v2, $0x2;
	[tilespmem:$0x340] =	vst v1  }
0x6f: {  	v45 =	vshra.s32 v3, $0x2;
	[tilespmem:$0x320] =	vst v44  }
0x70: {  	v46 =	vshra.s32 v4, $0x2;
	[tilespmem:$0x310] =	vst v45  }
0x71: {  	s14 =	simm.s32 $0x300;
	s7 =	rddreg [dreg:$0x2];
	[tilespmem:$0x300] =	vst v46  }
0x72: {  	[spmem:s7] =	stream.indirect.scatter.add.f32 [tilespmem:s15], [sflag:$0x12], $0x80, s14, s31, $0xb8;
	[tilespmem:$0x1BAA0] =	vst v63  }
0x73: {  	_ =	swait.ge [sflag:s16], $0x2800  }
0x74: {  	[sflag:s16] =	ssyncset.done $0x0  }
0x75: {  	[sflag:s16] =	ssyncadd.s32 $0xFFFFD800  }
0x76: {  	_ =	swait.ge [sflag:s17], $0x2800  }
0x77: {  	[sflag:s17] =	ssyncset.done $0x0  }
0x78: {  	[sflag:s17] =	ssyncadd.s32 $0xFFFFD800  }
0x79: {  	_ =	swait.ge [sflag:s18], $0x2800  }
0x7a: {  	[sflag:s18] =	ssyncset.done $0x0  }
0x7b: {  	s15 =	sadd.s32 $0x500, s2;
	[sflag:s18] =	ssyncadd.s32 $0xFFFFD800  }
0x7c: {  	[hbm4b:s15+s3] =	stream.linear.scatter [tilespmem:s25], [sflag:$0x13], $0x2800, $0x38;
	[tilespmem:$0x1BAA0] =	vst v63  }
0x7d: {  	s16 =	sadd.s32 $0x500, s9  }
0x7e: {  	[hbm4b:s16+s3] =	stream.linear.scatter [tilespmem:s6], [sflag:$0x14], $0x2800, $0x38;
	[tilespmem:$0x1BAA0] =	vst v63  }
0x7f: {  	v47 =	vld [tilespmem:$0x220]  }
0x80: {  	v48 =	vld [tilespmem:$0x200]  }
0x81: {  	v49 =	vld [tilespmem:$0x210]  }
0x82: {  	v50 =	vld [tilespmem:$0x230]  }
0x83: {  	v51 =	vld [tilespmem:$0x240]  }
0x84: {  	v0 =	vshra.s32 v47, $0x2  }
0x85: {  	v1 =	vshra.s32 v48, $0x2;
	[tilespmem:$0x3A0] =	vst v0  }
0x86: {  	v52 =	vshra.s32 v49, $0x2;
	[tilespmem:$0x380] =	vst v1  }
0x87: {  	v53 =	vshra.s32 v50, $0x2;
	[tilespmem:$0x390] =	vst v52  }
0x88: {  	v54 =	vshra.s32 v51, $0x2;
	[tilespmem:$0x3B0] =	vst v53  }
0x89: {  	s17 =	rddreg [dreg:$0x7];
	[tilespmem:$0x3C0] =	vst v54  }
0x8a: {  	[spmem:s7] =	stream.indirect.scatter.add.f32 [tilespmem:s0], [sflag:$0x15], $0x80, s17, s31, $0xb8;
	[tilespmem:$0x1BAA0] =	vst v63  }
0x8b: {  	_ =	swait.ge [sflag:s1], $0x2800  }
0x8c: {  	[sflag:s1] =	ssyncset.done $0x0  }
0x8d: {  	[sflag:s1] =	ssyncadd.s32 $0xFFFFD800  }
0x8e: {  	_ =	swait.ge [sflag:s28], $0x2800  }
0x8f: {  	[sflag:s28] =	ssyncset.done $0x0  }
0x90: {  	s18 =	simm.s32 $0xF;
	[sflag:s28] =	ssyncadd.s32 $0xFFFFD800  }
0x91: {  	_ =	swait.ge [sflag:s18], $0x2800  }
0x92: {  	[sflag:s18] =	ssyncset.done $0x0  }
0x93: {  	s2 =	sadd.s32 $0xA00, s2;
	[sflag:s18] =	ssyncadd.s32 $0xFFFFD800  }
0x94: {  	[hbm4b:s2+s3] =	stream.linear.scatter [tilespmem:s26], [sflag:$0x16], $0x2800, $0x38;
	[tilespmem:$0x1BAA0] =	vst v63  }
0x95: {  	s19 =	sadd.s32 $0xA00, s9  }
0x96: {  	[hbm4b:s19+s3] =	stream.linear.scatter [tilespmem:s20], [sflag:$0x17], $0x2800, $0x38;
	[tilespmem:$0x1BAA0] =	vst v63  }
0x97: {  	v55 =	vld [tilespmem:$0x280]  }
0x98: {  	v56 =	vld [tilespmem:$0x290]  }
0x99: {  	v57 =	vld [tilespmem:$0x2A0]  }
0x9a: {  	v58 =	vld [tilespmem:$0x2B0]  }
0x9b: {  	v59 =	vld [tilespmem:$0x2C0]  }
0x9c: {  	v0 =	vshra.s32 v55, $0x2  }
0x9d: {  	v60 =	vshra.s32 v56, $0x2;
	[tilespmem:$0x400] =	vst v0  }
0x9e: {  	v61 =	vshra.s32 v57, $0x2;
	[tilespmem:$0x410] =	vst v60  }
0x9f: {  	v62 =	vshra.s32 v58, $0x2;
	[tilespmem:$0x420] =	vst v61  }
0xa0: {  	v63 =	vshra.s32 v59, $0x2;
	[tilespmem:$0x430] =	vst v62  }
0xa1: {  	s24 =	simm.s32 $0x10;
	s23 =	rddreg [dreg:$0x8];
	[tilespmem:$0x440] =	vst v63  }
0xa2: {  	[spmem:s7] =	stream.indirect.scatter.add.f32 [tilespmem:s12], [sflag:$0x18], $0x80, s23, s31, $0xb8;
	[tilespmem:$0x1BAA0] =	vst v63  }
0xa3: {  	_ =	swait.ge [sflag:s24], $0x2800  }
0xa4: {  	[sflag:s24] =	ssyncset.done $0x0  }
0xa5: {  	s25 =	simm.s32 $0x11;
	[sflag:s24] =	ssyncadd.s32 $0xFFFFD800  }
0xa6: {  	s8 =	simm.s32 $0x6;
	_ =	swait.ge [sflag:s25], $0x2800  }
0xa7: {  	s16 =	simm.s32 $0xA;
	s17 =	simm.s32 $0xB;
	[sflag:s25] =	ssyncset.done $0x0  }
0xa8: {  	s1 =	simm.s32 $0xD;
	s26 =	simm.s32 $0x12;
	[sflag:s25] =	ssyncadd.s32 $0xFFFFD800  }
0xa9: {  	s28 =	simm.s32 $0xE;
	s18 =	simm.s32 $0xC;
	_ =	swait.ge [sflag:s26], $0x2800  }
0xaa: {  	s2 =	simm.s32 $0xF00;
	s23 =	simm.s32 $0x3;
	[sflag:s26] =	ssyncset.done $0x0  }
0xab: {  	s7 =	simm.s32 $0x5;
	s25 =	simm.s32 $0x4;
	[sflag:s26] =	ssyncadd.s32 $0xFFFFD800  }
.LBB2_2:
0xac: {  	s4 =	simm.s32 $0x13  }
0xad: {  	_ =	swait.ge [sflag:s4], $0x2800  }
0xae: {  	[sflag:s4] =	ssyncset.done $0x0  }
0xaf: {  	s15 =	simm.s32 $0x14;
	[sflag:s4] =	ssyncadd.s32 $0xFFFFD800  }
0xb0: {  	_ =	swait.ge [sflag:s15], $0x2800  }
0xb1: {  	[sflag:s15] =	ssyncset.done $0x0  }
0xb2: {  	s19 =	simm.s32 $0x15;
	[sflag:s15] =	ssyncadd.s32 $0xFFFFD800  }
0xb3: {  	_ =	swait.ge [sflag:s19], $0x2800  }
0xb4: {  	[sflag:s19] =	ssyncset.done $0x0  }
0xb5: {  	s20 =	simm.s32 $0x16;
	[sflag:s19] =	ssyncadd.s32 $0xFFFFD800  }
0xb6: {  	_ =	swait.ge [sflag:s20], $0x2800  }
0xb7: {  	[sflag:s20] =	ssyncset.done $0x0  }
0xb8: {  	s24 =	simm.s32 $0x17;
	[sflag:s20] =	ssyncadd.s32 $0xFFFFD800  }
0xb9: {  	_ =	swait.ge [sflag:s24], $0x2800  }
0xba: {  	[sflag:s24] =	ssyncset.done $0x0  }
0xbb: {  	s26 =	simm.s32 $0x18;
	[sflag:s24] =	ssyncadd.s32 $0xFFFFD800  }
0xbc: {  	_ =	swait.ge [sflag:s26], $0x2800  }
0xbd: {  	s30 =	sadd.s32 $0x1E, s30;
	[sflag:s26] =	ssyncset.done $0x0  }
0xbe: {  	s29 =	sadd.s32 $0x1E, s29;
	s10 =	sadd.s32 s30, s22;
	[sflag:s26] =	ssyncadd.s32 $0xFFFFD800  }
0xbf: {  	[tilespmem:s3], [sflag:$0x1] =	stream.linear.gather [hbm4b:s10+s3], $0x50, $0x38;
	[tilespmem:$0x1BAA0] =	vst v63  }
0xc0: {  	s0 =	sadd.s32 s29, s22;
	s19 =	simm.s32 $0x180  }
0xc1: {  	[tilespmem:s19], [sflag:$0x2] =	stream.linear.gather [hbm4b:s0+s3], $0x50, $0x38;
	[tilespmem:$0x1BAA0] =	vst v63  }
0xc2: {  	s12 =	simm.s32 $0x80;
	s4 =	sadd.s32 s30, s21  }
0xc3: {  	[tilespmem:s12], [sflag:$0x3] =	stream.linear.gather [hbm4b:s4+s3], $0x50, $0x38;
	[tilespmem:$0x1BAA0] =	vst v63  }
0xc4: {  	s14 =	simm.s32 $0x200;
	s6 =	sadd.s32 s29, s21;
	s0 =	rddreg [dreg:$0x9]  }
0xc5: {  	[tilespmem:s14], [sflag:$0x4] =	stream.linear.gather [hbm4b:s6+s3], $0x50, $0x38;
	[tilespmem:$0x1BAA0] =	vst v63  }
0xc6: {  	s13 =	simm.s32 $0x100;
	s11 =	sadd.s32 s30, s0  }
0xc7: {  	[tilespmem:s13], [sflag:$0x5] =	stream.linear.gather [hbm4b:s11+s3], $0x50, $0x38;
	[tilespmem:$0x1BAA0] =	vst v63  }
0xc8: {  	s15 =	simm.s32 $0x1;
	s14 =	sadd.s32 s29, s0;
	s11 =	simm.s32 $0x280  }
0xc9: {  	[tilespmem:s11], [sflag:$0x6] =	stream.linear.gather [hbm4b:s14+s3], $0x50, $0x38;
	[tilespmem:$0x1BAA0] =	vst v63  }
0xca: {  	_ =	swait.ge [sflag:s15], $0x50  }
0xcb: {  	[sflag:s15] =	ssyncset.done $0x0  }
0xcc: {  	s20 =	simm.s32 $0x2;
	[sflag:s15] =	ssyncadd.s32 $0xFFFFFFB0  }
0xcd: {  	_ =	swait.ge [sflag:s20], $0x50  }
0xce: {  	[sflag:s20] =	ssyncset.done $0x0  }
0xcf: {  	[sflag:s20] =	ssyncadd.s32 $0xFFFFFFB0  }
0xd0: {  	s4 =	simm.s32 $0x480;
	s15 =	rddreg [dreg:$0x1]  }
0xd1: {  	[tilespmem:s4], [sflag:$0x7] =	stream.indirect.gather [hbm4b:s15+s31], $0x80, s3, s31, $0xb8;
	[tilespmem:$0x1BAA0] =	vst v63  }
0xd2: {  	s9 =	smov.u32 s2;
	s6 =	simm.s32 $0x7C80;
	s24 =	rddreg [dreg:$0x4]  }
0xd3: {  	[tilespmem:s6], [sflag:$0x8] =	stream.indirect.gather [hbm4b:s5+s31], $0x80, s19, s31, $0xb8;
	[tilespmem:$0x1BAA0] =	vst v63  }
0xd4: {  	s10 =	sadd.s32 s9, s24;
	s24 =	simm.s32 $0xF480  }
0xd5: {  	[tilespmem:s24], [sflag:$0x9] =	stream.linear.gather [hbm4b:s10+s3], $0x2800, $0x38;
	[tilespmem:$0x1BAA0] =	vst v63  }
0xd6: {  	_ =	swait.ge [sflag:s23], $0x50  }
0xd7: {  	[sflag:s23] =	ssyncset.done $0x0  }
0xd8: {  	[sflag:s23] =	ssyncadd.s32 $0xFFFFFFB0  }
0xd9: {  	_ =	swait.ge [sflag:s25], $0x50  }
0xda: {  	[sflag:s25] =	ssyncset.done $0x0  }
0xdb: {  	s20 =	simm.s32 $0x2C80;
	[sflag:s25] =	ssyncadd.s32 $0xFFFFFFB0  }
0xdc: {  	[tilespmem:s20], [sflag:$0xA] =	stream.indirect.gather [hbm4b:s15+s31], $0x80, s12, s31, $0xb8;
	[tilespmem:$0x1BAA0] =	vst v63  }
0xdd: {  	s0 =	simm.s32 $0xA480;
	s19 =	simm.s32 $0x200  }
0xde: {  	[tilespmem:s0], [sflag:$0xB] =	stream.indirect.gather [hbm4b:s5+s31], $0x80, s19, s31, $0xb8;
	[tilespmem:$0x1BAA0] =	vst v63  }
0xdf: {  	s26 =	sadd.s32 $0x500, s10;
	s12 =	simm.s32 $0x11C80  }
0xe0: {  	[tilespmem:s12], [sflag:$0xC] =	stream.linear.gather [hbm4b:s26+s3], $0x2800, $0x38;
	[tilespmem:$0x1BAA0] =	vst v63  }
0xe1: {  	_ =	swait.ge [sflag:s7], $0x50  }
0xe2: {  	[sflag:s7] =	ssyncset.done $0x0  }
0xe3: {  	[sflag:s7] =	ssyncadd.s32 $0xFFFFFFB0  }
0xe4: {  	_ =	swait.ge [sflag:s8], $0x50  }
0xe5: {  	[sflag:s8] =	ssyncset.done $0x0  }
0xe6: {  	s26 =	simm.s32 $0x5480;
	[sflag:s8] =	ssyncadd.s32 $0xFFFFFFB0  }
0xe7: {  	[tilespmem:s26], [sflag:$0xD] =	stream.indirect.gather [hbm4b:s15+s31], $0x80, s13, s31, $0xb8;
	[tilespmem:$0x1BAA0] =	vst v63  }
0xe8: {  	s13 =	simm.s32 $0xCC80  }
0xe9: {  	[tilespmem:s13], [sflag:$0xE] =	stream.indirect.gather [hbm4b:s5+s31], $0x80, s11, s31, $0xb8;
	[tilespmem:$0x1BAA0] =	vst v63  }
0xea: {  	s14 =	simm.s32 $0x7;
	s10 =	sadd.s32 $0xA00, s10;
	s11 =	simm.s32 $0x14480  }
0xeb: {  	[tilespmem:s11], [sflag:$0xF] =	stream.linear.gather [hbm4b:s10+s3], $0x2800, $0x38;
	[tilespmem:$0x1BAA0] =	vst v63  }
0xec: {  	_ =	swait.ge [sflag:s14], $0x2800  }
0xed: {  	[sflag:s14] =	ssyncset.done $0x0  }
0xee: {  	s15 =	simm.s32 $0x8;
	[sflag:s14] =	ssyncadd.s32 $0xFFFFD800  }
0xef: {  	_ =	swait.ge [sflag:s15], $0x2800  }
0xf0: {  	[sflag:s15] =	ssyncset.done $0x0  }
0xf1: {  	[sflag:s15] =	ssyncadd.s32 $0xFFFFD800;
	s15 =	simm.s32 $0x9  }
0xf2: {  	_ =	swait.ge [sflag:s15], $0x2800  }
0xf3: {  	s10 =	rddreg [dreg:$0x5];
	[sflag:s15] =	ssyncset.done $0x0  }
0xf4: {  	s14 =	rddreg [dreg:$0x6];
	[sflag:s15] =	ssyncadd.s32 $0xFFFFD800;
	s10 =	sadd.s32 s9, s10  }
0xf5: {  	[hbm4b:s10+s3] =	stream.linear.scatter [tilespmem:s4], [sflag:$0x10], $0x2800, $0x38;
	[tilespmem:$0x1BAA0] =	vst v63  }
0xf6: {  	s9 =	sadd.s32 s9, s14  }
0xf7: {  	[hbm4b:s9+s3] =	stream.linear.scatter [tilespmem:s6], [sflag:$0x11], $0x2800, $0x38;
	[tilespmem:$0x1BAA0] =	vst v63  }
0xf8: {  	v1 =	vld [tilespmem:$0x1B0]  }
0xf9: {  	v0 =	vld [tilespmem:$0x1C0]  }
0xfa: {  	v3 =	vld [tilespmem:$0x1A0]  }
0xfb: {  	v2 =	vld [tilespmem:$0x190]  }
0xfc: {  	v4 =	vld [tilespmem:$0x180]  }
0xfd: {  	v1 =	vshra.s32 v1, $0x2  }
0xfe: {  	v0 =	vshra.s32 v0, $0x2;
	[tilespmem:$0x330] =	vst v1  }
0xff: {  	v45 =	vshra.s32 v3, $0x2;
	[tilespmem:$0x340] =	vst v0  }
0x100: {  	v44 =	vshra.s32 v2, $0x2;
	[tilespmem:$0x320] =	vst v45  }
0x101: {  	v46 =	vshra.s32 v4, $0x2;
	[tilespmem:$0x310] =	vst v44  }
0x102: {  	s14 =	simm.s32 $0x300;
	s15 =	rddreg [dreg:$0x2];
	[tilespmem:$0x300] =	vst v46  }
0x103: {  	[spmem:s15] =	stream.indirect.scatter.add.f32 [tilespmem:s24], [sflag:$0x12], $0x80, s14, s31, $0xb8;
	[tilespmem:$0x1BAA0] =	vst v63  }
0x104: {  	_ =	swait.ge [sflag:s16], $0x2800  }
0x105: {  	[sflag:s16] =	ssyncset.done $0x0  }
0x106: {  	[sflag:s16] =	ssyncadd.s32 $0xFFFFD800  }
0x107: {  	_ =	swait.ge [sflag:s17], $0x2800  }
0x108: {  	[sflag:s17] =	ssyncset.done $0x0  }
0x109: {  	[sflag:s17] =	ssyncadd.s32 $0xFFFFD800  }
0x10a: {  	_ =	swait.ge [sflag:s18], $0x2800  }
0x10b: {  	[sflag:s18] =	ssyncset.done $0x0  }
0x10c: {  	s24 =	sadd.s32 $0x500, s10;
	[sflag:s18] =	ssyncadd.s32 $0xFFFFD800  }
0x10d: {  	[hbm4b:s24+s3] =	stream.linear.scatter [tilespmem:s20], [sflag:$0x13], $0x2800, $0x38;
	[tilespmem:$0x1BAA0] =	vst v63  }
0x10e: {  	s4 =	sadd.s32 $0x500, s9  }
0x10f: {  	[hbm4b:s4+s3] =	stream.linear.scatter [tilespmem:s0], [sflag:$0x14], $0x2800, $0x38;
	[tilespmem:$0x1BAA0] =	vst v63  }
0x110: {  	v47 =	vld [tilespmem:$0x220]  }
0x111: {  	v48 =	vld [tilespmem:$0x200]  }
0x112: {  	v49 =	vld [tilespmem:$0x210]  }
0x113: {  	v50 =	vld [tilespmem:$0x230]  }
0x114: {  	v51 =	vld [tilespmem:$0x240]  }
0x115: {  	v0 =	vshra.s32 v47, $0x2  }
0x116: {  	v1 =	vshra.s32 v48, $0x2;
	[tilespmem:$0x3A0] =	vst v0  }
0x117: {  	v52 =	vshra.s32 v49, $0x2;
	[tilespmem:$0x380] =	vst v1  }
0x118: {  	v53 =	vshra.s32 v50, $0x2;
	[tilespmem:$0x390] =	vst v52  }
0x119: {  	v54 =	vshra.s32 v51, $0x2;
	[tilespmem:$0x3B0] =	vst v53  }
0x11a: {  	s6 =	rddreg [dreg:$0x7];
	[tilespmem:$0x3C0] =	vst v54  }
0x11b: {  	[spmem:s15] =	stream.indirect.scatter.add.f32 [tilespmem:s12], [sflag:$0x15], $0x80, s6, s31, $0xb8;
	[tilespmem:$0x1BAA0] =	vst v63  }
0x11c: {  	_ =	swait.ge [sflag:s1], $0x2800  }
0x11d: {  	[sflag:s1] =	ssyncset.done $0x0  }
0x11e: {  	[sflag:s1] =	ssyncadd.s32 $0xFFFFD800  }
0x11f: {  	_ =	swait.ge [sflag:s28], $0x2800  }
0x120: {  	[sflag:s28] =	ssyncset.done $0x0  }
0x121: {  	s12 =	simm.s32 $0xF;
	[sflag:s28] =	ssyncadd.s32 $0xFFFFD800  }
0x122: {  	_ =	swait.ge [sflag:s12], $0x2800  }
0x123: {  	[sflag:s12] =	ssyncset.done $0x0  }
0x124: {  	s10 =	sadd.s32 $0xA00, s10;
	[sflag:s12] =	ssyncadd.s32 $0xFFFFD800  }
0x125: {  	[hbm4b:s10+s3] =	stream.linear.scatter [tilespmem:s26], [sflag:$0x16], $0x2800, $0x38;
	[tilespmem:$0x1BAA0] =	vst v63  }
0x126: {  	s9 =	sadd.s32 $0xA00, s9  }
0x127: {  	[hbm4b:s9+s3] =	stream.linear.scatter [tilespmem:s13], [sflag:$0x17], $0x2800, $0x38;
	[tilespmem:$0x1BAA0] =	vst v63  }
0x128: {  	v55 =	vld [tilespmem:$0x280]  }
0x129: {  	v56 =	vld [tilespmem:$0x290]  }
0x12a: {  	v57 =	vld [tilespmem:$0x2A0]  }
0x12b: {  	v58 =	vld [tilespmem:$0x2B0]  }
0x12c: {  	v59 =	vld [tilespmem:$0x2C0]  }
0x12d: {  	v0 =	vshra.s32 v55, $0x2  }
0x12e: {  	v60 =	vshra.s32 v56, $0x2;
	[tilespmem:$0x400] =	vst v0  }
0x12f: {  	v61 =	vshra.s32 v57, $0x2;
	[tilespmem:$0x410] =	vst v60  }
0x130: {  	v62 =	vshra.s32 v58, $0x2;
	[tilespmem:$0x420] =	vst v61  }
0x131: {  	v63 =	vshra.s32 v59, $0x2;
	[tilespmem:$0x430] =	vst v62  }
0x132: {  	s20 =	simm.s32 $0x10;
	s14 =	rddreg [dreg:$0x8];
	[tilespmem:$0x440] =	vst v63  }
0x133: {  	[spmem:s15] =	stream.indirect.scatter.add.f32 [tilespmem:s11], [sflag:$0x18], $0x80, s14, s31, $0xb8;
	[tilespmem:$0x1BAA0] =	vst v63  }
0x134: {  	_ =	swait.ge [sflag:s20], $0x2800  }
0x135: {  	[sflag:s20] =	ssyncset.done $0x0  }
0x136: {  	s24 =	simm.s32 $0x11;
	[sflag:s20] =	ssyncadd.s32 $0xFFFFD800  }
0x137: {  	p1 =	sne.s32 s2, $0x25800;
	_ =	swait.ge [sflag:s24], $0x2800  }
.Ltmp0:
0x138: {  	[sflag:s24] =	ssyncset.done $0x0;
	(pc) =	sbr.rel @p1 .LBB2_2-.Ltmp0, $4  }
0x139: {  	s26 =	simm.s32 $0x12;
	[sflag:s24] =	ssyncadd.s32 $0xFFFFD800  }
0x13a: {  	_ =	swait.ge [sflag:s26], $0x2800  }
0x13b: {  	[sflag:s26] =	ssyncset.done $0x0  }
0x13c: {  	s2 =	sadd.s32 $0xF00, s2;
	[sflag:s26] =	ssyncadd.s32 $0xFFFFD800  }
0x13d: {  	s0 =	simm.s32 $0x13  }
0x13e: {  	_ =	swait.ge [sflag:s0], $0x2800  }
0x13f: {  	[sflag:s0] =	ssyncset.done $0x0  }
0x140: {  	s17 =	simm.s32 $0x14;
	[sflag:s0] =	ssyncadd.s32 $0xFFFFD800  }
0x141: {  	_ =	swait.ge [sflag:s17], $0x2800  }
0x142: {  	[sflag:s17] =	ssyncset.done $0x0  }
0x143: {  	s18 =	simm.s32 $0x15;
	[sflag:s17] =	ssyncadd.s32 $0xFFFFD800  }
0x144: {  	_ =	swait.ge [sflag:s18], $0x2800  }
0x145: {  	[sflag:s18] =	ssyncset.done $0x0  }
0x146: {  	s20 =	simm.s32 $0x16;
	[sflag:s18] =	ssyncadd.s32 $0xFFFFD800  }
0x147: {  	_ =	swait.ge [sflag:s20], $0x2800  }
0x148: {  	[sflag:s20] =	ssyncset.done $0x0  }
0x149: {  	s23 =	simm.s32 $0x17;
	[sflag:s20] =	ssyncadd.s32 $0xFFFFD800  }
0x14a: {  	_ =	swait.ge [sflag:s23], $0x2800  }
0x14b: {  	[sflag:s23] =	ssyncset.done $0x0  }
0x14c: {  	s24 =	simm.s32 $0x18;
	[sflag:s23] =	ssyncadd.s32 $0xFFFFD800  }
0x14d: {  	_ =	swait.ge [sflag:s24], $0x2800  }
0x14e: {  	[sflag:s24] =	ssyncset.done $0x0  }
0x14f: {  	s2 =	rddreg [dreg:$0xd];
	[sflag:s24] =	ssyncadd.s32 $0xFFFFD800  }
0x150: {  	[tilespmem:s3], [sflag:$0x1] =	stream.linear.gather [hbm4b:s2+s3], $0x50, $0x38;
	[tilespmem:$0x1BAA0] =	vst v63  }
0x151: {  	s14 =	simm.s32 $0x180;
	s15 =	simm.s32 $0x1;
	s25 =	rddreg [dreg:$0xe]  }
0x152: {  	[tilespmem:s14], [sflag:$0x2] =	stream.linear.gather [hbm4b:s25+s3], $0x50, $0x38;
	[tilespmem:$0x1BAA0] =	vst v63  }
0x153: {  	_ =	swait.ge [sflag:s15], $0x50  }
0x154: {  	[sflag:s15] =	ssyncset.done $0x0  }
0x155: {  	s29 =	simm.s32 $0x2;
	[sflag:s15] =	ssyncadd.s32 $0xFFFFFFB0  }
0x156: {  	_ =	swait.ge [sflag:s29], $0x50  }
0x157: {  	[sflag:s29] =	ssyncset.done $0x0  }
0x158: {  	[sflag:s29] =	ssyncadd.s32 $0xFFFFFFB0  }
0x159: {  	s4 =	simm.s32 $0x480;
	s26 =	rddreg [dreg:$0x1]  }
0x15a: {  	[tilespmem:s4], [sflag:$0x7] =	stream.indirect.gather [hbm4b:s26+s31], $0x80, s3, s31, $0xb8;
	[tilespmem:$0x1BAA0] =	vst v63  }
0x15b: {  	s6 =	simm.s32 $0x7C80  }
0x15c: {  	[tilespmem:s6], [sflag:$0x8] =	stream.indirect.gather [hbm4b:s5+s31], $0x80, s14, s31, $0xb8;
	[tilespmem:$0x1BAA0] =	vst v63  }
0x15d: {  	s30 =	simm.s32 $0x7;
	s24 =	simm.s32 $0xF480;
	s9 =	rddreg [dreg:$0xf]  }
0x15e: {  	[tilespmem:s24], [sflag:$0x9] =	stream.linear.gather [hbm4b:s9+s3], $0x2800, $0x38;
	[tilespmem:$0x1BAA0] =	vst v63  }
0x15f: {  	_ =	swait.ge [sflag:s30], $0x2800  }
0x160: {  	[sflag:s30] =	ssyncset.done $0x0  }
0x161: {  	s7 =	simm.s32 $0x8;
	[sflag:s30] =	ssyncadd.s32 $0xFFFFD800  }
0x162: {  	_ =	swait.ge [sflag:s7], $0x2800  }
0x163: {  	[sflag:s7] =	ssyncset.done $0x0  }
0x164: {  	s8 =	simm.s32 $0x9;
	[sflag:s7] =	ssyncadd.s32 $0xFFFFD800  }
0x165: {  	_ =	swait.ge [sflag:s8], $0x2800  }
0x166: {  	[sflag:s8] =	ssyncset.done $0x0  }
0x167: {  	s16 =	rddreg [dreg:$0x10];
	[sflag:s8] =	ssyncadd.s32 $0xFFFFD800  }
0x168: {  	[hbm4b:s16+s3] =	stream.linear.scatter [tilespmem:s4], [sflag:$0x10], $0x2800, $0x38;
	[tilespmem:$0x1BAA0] =	vst v63  }
0x169: {  	s17 =	rddreg [dreg:$0x11]  }
0x16a: {  	[hbm4b:s17+s3] =	stream.linear.scatter [tilespmem:s6], [sflag:$0x11], $0x2800, $0x38;
	[tilespmem:$0x1BAA0] =	vst v63  }
0x16b: {  	v0 =	vld [tilespmem:$0x180]  }
0x16c: {  	v1 =	vld [tilespmem:$0x190]  }
0x16d: {  	v2 =	vld [tilespmem:$0x1A0]  }
0x16e: {  	v3 =	vld [tilespmem:$0x1B0]  }
0x16f: {  	v4 =	vld [tilespmem:$0x1C0]  }
0x170: {  	v0 =	vshra.s32 v0, $0x2  }
0x171: {  	v51 =	vshra.s32 v1, $0x2;
	[tilespmem:$0x300] =	vst v0  }
0x172: {  	v52 =	vshra.s32 v2, $0x2;
	[tilespmem:$0x310] =	vst v51  }
0x173: {  	v53 =	vshra.s32 v3, $0x2;
	[tilespmem:$0x320] =	vst v52  }
0x174: {  	v54 =	vshra.s32 v4, $0x2;
	[tilespmem:$0x330] =	vst v53  }
0x175: {  	s11 =	simm.s32 $0x300;
	s1 =	simm.s32 $0x10;
	s18 =	rddreg [dreg:$0x2];
	[tilespmem:$0x340] =	vst v54  }
0x176: {  	[spmem:s18] =	stream.indirect.scatter.add.f32 [tilespmem:s24], [sflag:$0x12], $0x80, s11, s31, $0xb8;
	[tilespmem:$0x1BAA0] =	vst v63  }
0x177: {  	_ =	swait.ge [sflag:s1], $0x2800  }
0x178: {  	[sflag:s1] =	ssyncset.done $0x0  }
0x179: {  	s12 =	simm.s32 $0x11;
	[sflag:s1] =	ssyncadd.s32 $0xFFFFD800  }
0x17a: {  	_ =	swait.ge [sflag:s12], $0x2800  }
0x17b: {  	[sflag:s12] =	ssyncset.done $0x0  }
0x17c: {  	s13 =	simm.s32 $0x12;
	[sflag:s12] =	ssyncadd.s32 $0xFFFFD800  }
0x17d: {  	_ =	swait.ge [sflag:s13], $0x2800  }
0x17e: {  	[sflag:s13] =	ssyncset.done $0x0  }
0x17f: {  	s10 =	rddreg [dreg:$0x12];
	[sflag:s13] =	ssyncadd.s32 $0xFFFFD800  }
0x180: {  	[tilespmem:s3], [sflag:$0x1] =	stream.linear.gather [hbm4b:s10+s3], $0x50, $0x38;
	[tilespmem:$0x1BAA0] =	vst v63  }
0x181: {  	s20 =	rddreg [dreg:$0x13]  }
0x182: {  	[tilespmem:s14], [sflag:$0x2] =	stream.linear.gather [hbm4b:s20+s3], $0x50, $0x38;
	[tilespmem:$0x1BAA0] =	vst v63  }
0x183: {  	_ =	swait.ge [sflag:s15], $0x50  }
0x184: {  	[sflag:s15] =	ssyncset.done $0x0  }
0x185: {  	[sflag:s15] =	ssyncadd.s32 $0xFFFFFFB0  }
0x186: {  	_ =	swait.ge [sflag:s29], $0x50  }
0x187: {  	[sflag:s29] =	ssyncset.done $0x0  }
0x188: {  	[sflag:s29] =	ssyncadd.s32 $0xFFFFFFB0  }
0x189: {  	[tilespmem:s4], [sflag:$0x7] =	stream.indirect.gather [hbm4b:s26+s31], $0x80, s3, s31, $0xb8;
	[tilespmem:$0x1BAA0] =	vst v63  }
0x18a: {  	_ = 	snop  }
0x18b: {  	[tilespmem:s6], [sflag:$0x8] =	stream.indirect.gather [hbm4b:s5+s31], $0x80, s14, s31, $0xb8;
	[tilespmem:$0x1BAA0] =	vst v63  }
0x18c: {  	s23 =	rddreg [dreg:$0x14]  }
0x18d: {  	[tilespmem:s24], [sflag:$0x9] =	stream.linear.gather [hbm4b:s23+s3], $0x2800, $0x38;
	[tilespmem:$0x1BAA0] =	vst v63  }
0x18e: {  	_ =	swait.ge [sflag:s30], $0x2800  }
0x18f: {  	[sflag:s30] =	ssyncset.done $0x0  }
0x190: {  	[sflag:s30] =	ssyncadd.s32 $0xFFFFD800  }
0x191: {  	_ =	swait.ge [sflag:s7], $0x2800  }
0x192: {  	[sflag:s7] =	ssyncset.done $0x0  }
0x193: {  	[sflag:s7] =	ssyncadd.s32 $0xFFFFD800  }
0x194: {  	_ =	swait.ge [sflag:s8], $0x2800  }
0x195: {  	[sflag:s8] =	ssyncset.done $0x0  }
0x196: {  	s25 =	rddreg [dreg:$0x15];
	[sflag:s8] =	ssyncadd.s32 $0xFFFFD800  }
0x197: {  	[hbm4b:s25+s3] =	stream.linear.scatter [tilespmem:s4], [sflag:$0x10], $0x2800, $0x38;
	[tilespmem:$0x1BAA0] =	vst v63  }
0x198: {  	s26 =	rddreg [dreg:$0x16]  }
0x199: {  	[hbm4b:s26+s3] =	stream.linear.scatter [tilespmem:s6], [sflag:$0x11], $0x2800, $0x38;
	[tilespmem:$0x1BAA0] =	vst v63  }
0x19a: {  	v55 =	vld [tilespmem:$0x180]  }
0x19b: {  	v56 =	vld [tilespmem:$0x190]  }
0x19c: {  	v57 =	vld [tilespmem:$0x1A0]  }
0x19d: {  	v58 =	vld [tilespmem:$0x1B0]  }
0x19e: {  	v59 =	vld [tilespmem:$0x1C0]  }
0x19f: {  	v0 =	vshra.s32 v55, $0x2  }
0x1a0: {  	v60 =	vshra.s32 v56, $0x2;
	[tilespmem:$0x300] =	vst v0  }
0x1a1: {  	v61 =	vshra.s32 v57, $0x2;
	[tilespmem:$0x310] =	vst v60  }
0x1a2: {  	v62 =	vshra.s32 v58, $0x2;
	[tilespmem:$0x320] =	vst v61  }
0x1a3: {  	v63 =	vshra.s32 v59, $0x2;
	[tilespmem:$0x330] =	vst v62  }
0x1a4: {  	[tilespmem:$0x340] =	vst v63  }
0x1a5: {  	[spmem:s18] =	stream.indirect.scatter.add.f32 [tilespmem:s24], [sflag:$0x12], $0x80, s11, s31, $0xb8;
	[tilespmem:$0x1BAA0] =	vst v63  }
0x1a6: {  	_ =	swait.ge [sflag:s1], $0x2800  }
0x1a7: {  	[sflag:s1] =	ssyncset.done $0x0  }
0x1a8: {  	[sflag:s1] =	ssyncadd.s32 $0xFFFFD800  }
0x1a9: {  	_ =	swait.ge [sflag:s12], $0x2800  }
0x1aa: {  	[sflag:s12] =	ssyncset.done $0x0  }
0x1ab: {  	[sflag:s12] =	ssyncadd.s32 $0xFFFFD800  }
0x1ac: {  	_ =	swait.ge [sflag:s13], $0x2800  }
0x1ad: {  	[sflag:s13] =	ssyncset.done $0x0  }
0x1ae: {  	[sflag:s13] =	ssyncadd.s32 $0xFFFFD800  }
0x1af: {  	[bflag:$0x0] =	sbarrier.arrive $0xFFFF  }
0x1b0: {  	s9 =	rddreg [dreg:$0x17]  }
0x1b1: {  	s2 =	simm.s32 @!p0 $0x1C19;
	s0 =	rddreg [dreg:$0x1a]  }
0x1b2: {  	[hbm:s9], [sflag:s2] =	dma.local @!p0 [spmem:s0], $0x9C40  }
0x1b3: {  	s2 =	simm.s32 @!p0 $0x19  }
0x1b4: {  	_ =	swait.ge @!p0 [sflag:s2], $0x9C40  }
0x1b5: {  	s28 =	simm.s32 $0xE;
	s16 =	simm.s32 $0xA;
	s29 =	rddreg [dreg:$0x19]  }
0x1b6: {  	s17 =	simm.s32 $0xB;
	s30 =	rddreg [dreg:$0x18];
	s4 =	sadd.s32 $0x1, s29  }
0x1b7: {  	s10 =	simm.s32 $0x80;
	s20 =	simm.s32 $0xCC80;
	p1 =	sne.s32 s4, s30  }
.Ltmp1:
0x1b8: {  	s23 =	simm.s32 $0x3;
	s7 =	simm.s32 $0x5;
	(pc) =	sbr.rel @p1 .LBB2_1-.Ltmp1, $4  }
0x1b9: {  	s8 =	simm.s32 $0x6;
	s25 =	simm.s32 $0x2C80;
	s6 =	simm.s32 $0xA480  }
0x1ba: {  	s26 =	simm.s32 $0x5480;
	s24 =	simm.s32 $0x4;
	s18 =	simm.s32 $0xC  }
0x1bb: {  	s1 =	simm.s32 $0xD;
	s12 =	simm.s32 $0x14480;
	[sflag:s2] =	ssyncset.done @!p0 $0x0  }
0x1bc: {  	s0 =	simm.s32 $0x11C80;
	s11 =	rddreg [dreg:$0x9];
	[sflag:s2] =	ssyncadd.s32 @!p0 $0xFFFF63C0  }
0x1bd: {  	_ =	sfence.sel $0x180000  }
0x1be: {  	[bflag:$0x0] =	sbarrier.arrive $0xFFFF  }
0x1bf: {  	_ =	strace $0x90000047  }
0x1c0: {  	[bflag:$0x2] =	sbarrier.arrive $0xFFFF  }
0x1c1: {  	s0 =	rddreg [dreg:$0x3]  }
0x1c2: {  	s0 =	sadd.s32 @!p0 $0x100000, s0  }
0x1c3: {  	[sflag:s0] =	ssyncadd.tile.s32 @!p0 $0x1;
	_ =	shalt  }
.Lfunc_end2:
_tile_overlayer_lowered:
.L_overlay_start_2:
0x1c4: {  	(tag) =	ssettag $0x2  }
0x1c5: {  	s0 =	rddreg [dreg:$0x0];
	s2 =	stileid.u32  }
0x1c6: {  	s1 =	rddreg [dreg:$0x1];
	p0 =	sne.s32 s2, $0x0  }
0x1c7: {  	s3 =	rddreg [dreg:$0x2];
	[bflag:$0x3] =	sbarrier.arrive $0xFFFF;
	s2 =	simm.s32 @!p0 $0x1C19  }
0x1c8: {  	[timem:s3], [sflag:s2] =	dma.local @!p0 [hbm:s0], s1  }
0x1c9: {  	s0 =	simm.s32 @!p0 $0x19  }
0x1ca: {  	_ =	swait.ge @!p0 [sflag:s0], s1  }
0x1cb: {  	s1 =	ssub.s32 @!p0 $0x0, s1;
	[sflag:s0] =	ssyncset.done @!p0 $0x0  }
0x1cc: {  	[sflag:s0] =	ssyncadd.s32 @!p0 s1  }
0x1cd: {  	[bflag:$0x3] =	sbarrier.arrive $0xFFFF  }
0x1ce: {  	_ =	shalt  }

</sc_bundles>
